<compile_context>
chip_gen: v7x
topology: tpu7x:2x2x1
jax: 0.10.2.dev20260603
libtpu: 0.0.44.dev20260713+nightly
codegen_flags: <defaults>
</compile_context>

<pallas_src>
import functools

import jax
import jax.numpy as jnp
from jax import lax
from jax.experimental import pallas as pl
from jax.experimental.pallas import tpu as pltpu
from jax.experimental.pallas import tpu_sc as plsc

EMBED_DIM = 32
BATCH = 16384
LANES = 16
B_PER_W = 512
N_GROUPS = B_PER_W // LANES
NBUF = 8


def _num_cores():
    return plsc.get_sparse_core_info().num_cores


def _tower_body(ut_hbm, it_hbm, uid_hbm, iid_hbm, out_hbm,
                uids_v, iids_v, ubufs, vbufs, ucolsT, icolsT, out_v,
                sem_u, sem_i):
    nc = _num_cores()
    wid = lax.axis_index("s") * nc + lax.axis_index("c")
    base = wid * B_PER_W

    pltpu.sync_copy(uid_hbm.at[pl.ds(base, B_PER_W)], uids_v)
    pltpu.sync_copy(iid_hbm.at[pl.ds(base, B_PER_W)], iids_v)

    iota16 = lax.iota(jnp.int32, LANES)

    def fetch_group(g, _):
        uv = uids_v[pl.ds(g * LANES, LANES)]
        iv = iids_v[pl.ds(g * LANES, LANES)]
        for half in range(2):
            copies = []
            ids_u, ids_i = [], []
            for b in range(NBUF):
                idu = uv[half * NBUF + b]
                idi = iv[half * NBUF + b]
                ids_u.append(idu)
                ids_i.append(idi)
                cu = pl.multiple_of(jnp.bitwise_and(idu, -128), 128)
                ci = pl.multiple_of(jnp.bitwise_and(idi, -128), 128)
                copies.append(pltpu.async_copy(
                    ut_hbm.at[:, pl.ds(cu, 128)], ubufs.at[b], sem_u))
                copies.append(pltpu.async_copy(
                    it_hbm.at[:, pl.ds(ci, 128)], vbufs.at[b], sem_i))
            for cp in copies:
                cp.wait()
            for b in range(NBUF):
                slot = g * LANES + half * NBUF + b
                cu = jnp.full((LANES,), jnp.bitwise_and(ids_u[b], 127),
                              jnp.int32)
                ci = jnp.full((LANES,), jnp.bitwise_and(ids_i[b], 127),
                              jnp.int32)
                for h in range(2):
                    rows = h * LANES + iota16
                    dpos = (h * LANES + iota16) * B_PER_W + slot
                    u = plsc.load_gather(ubufs.at[b], [rows, cu])
                    v = plsc.load_gather(vbufs.at[b], [rows, ci])
                    plsc.store_scatter(ucolsT, [dpos], u)
                    plsc.store_scatter(icolsT, [dpos], v)
        return _

    lax.fori_loop(0, N_GROUPS, fetch_group, None)

    def compute(g, _):
        acc = jnp.zeros((LANES,), jnp.float32)
        for d in range(EMBED_DIM):
            u = ucolsT[pl.ds(d * B_PER_W + g * LANES, LANES)]
            v = icolsT[pl.ds(d * B_PER_W + g * LANES, LANES)]
            acc = acc + u * v
        sig = 1.0 / (1.0 + jnp.exp(-acc))
        out_v[pl.ds(g * LANES, LANES)] = sig
        return _

    lax.fori_loop(0, N_GROUPS, compute, None)

    pltpu.sync_copy(out_v, out_hbm.at[pl.ds(base, B_PER_W)])


@jax.jit
def _two_tower(user_table, item_table, user_ids, item_ids):
    mesh = plsc.VectorSubcoreMesh(core_axis_name="c", subcore_axis_name="s")
    run = functools.partial(
        pl.kernel,
        mesh=mesh,
        out_type=jax.ShapeDtypeStruct((BATCH,), jnp.float32),
        scratch_types=[
            pltpu.VMEM((B_PER_W,), jnp.int32),
            pltpu.VMEM((B_PER_W,), jnp.int32),
            pltpu.VMEM((NBUF, EMBED_DIM, 128), jnp.float32),
            pltpu.VMEM((NBUF, EMBED_DIM, 128), jnp.float32),
            pltpu.VMEM((B_PER_W * EMBED_DIM,), jnp.float32),
            pltpu.VMEM((B_PER_W * EMBED_DIM,), jnp.float32),
            pltpu.VMEM((B_PER_W,), jnp.float32),
            pltpu.SemaphoreType.DMA,
            pltpu.SemaphoreType.DMA,
        ],
        compiler_params=pltpu.CompilerParams(
            needs_layout_passes=False, use_tc_tiling_on_sc=True,
            disable_bounds_checks=True),
    )(_tower_body)
    return run(user_table.T, item_table.T, user_ids, item_ids)


def _sort_identity(ids):
    perm = jnp.argsort(ids)
    srt = ids[perm]
    inv = jnp.zeros_like(perm).at[perm].set(
        jnp.arange(ids.shape[0], dtype=perm.dtype))
    return srt[inv]


def kernel(user_table, item_table, user_ID_list, item_ID_list):
    return _two_tower(user_table, item_table,
                      _sort_identity(user_ID_list.astype(jnp.int32)),
                      _sort_identity(item_ID_list.astype(jnp.int32)))

# --- scband reference (transcript-rebuilt; emitter-appended) ---
"""Pipeline reference for scband-tf-2tower-model-class-42588895707445 (READ-ONLY COPY).

The authoritative reference and input builder live on the scoring server;
editing this copy changes nothing except your own understanding.
"""

import jax, jax.numpy as jnp
import numpy as np

N_USERS = 1000000
N_ITEMS = 1000000
EMBED_DIM = 32
BATCH = 16384


def setup_inputs(seed: int = 0) -> dict:
    key = jax.random.key(seed)
    k1, k2, k3, k4 = jax.random.split(key, 4)
    user_ID_list = jax.random.randint(k1, (BATCH,), 0, N_USERS, dtype=jnp.int64 if jax.config.jax_enable_x64 else jnp.int32)
    item_ID_list = jax.random.randint(k2, (BATCH,), 0, N_ITEMS, dtype=jnp.int64 if jax.config.jax_enable_x64 else jnp.int32)
    # he_normal initializer: stddev = sqrt(2 / fan_in); for Embedding fan_in = embed_dim
    std = np.sqrt(2.0 / EMBED_DIM)
    user_table = jax.random.normal(k3, (N_USERS, EMBED_DIM), dtype=jnp.float32) * std
    item_table = jax.random.normal(k4, (N_ITEMS, EMBED_DIM), dtype=jnp.float32) * std
    return {
        "user_table": user_table,
        "item_table": item_table,
        "user_ID_list": user_ID_list,
        "item_ID_list": item_ID_list,
    }


def reference(user_table, item_table, user_ID_list, item_ID_list):
    # Embedding lookups (gather)
    user_embed_vectors = jnp.take(user_table, user_ID_list, axis=0)  # [B, D]
    item_embed_vectors = jnp.take(item_table, item_ID_list, axis=0)  # [B, D]
    elementwise_prod = user_embed_vectors * item_embed_vectors
    dot_prods = jnp.sum(elementwise_prod, axis=1)  # [B]
    return jax.nn.sigmoid(dot_prods)

if __name__ == "__main__":
    import jax
    _d = setup_inputs()
    print(jax.jit(kernel)(*tuple(_d.values())))

</pallas_src>

<mosaic_0001>
#map = affine_map<(d0, d1) -> (0, 0)>
#map1 = affine_map<(d0, d1) -> (0)>
module attributes {stable_mosaic.version = 14 : i64} {
  func.func @_tower_body(%arg0: i32, %arg1: i32, %arg2: memref<32x1000000xf32, #tpu.memory_space<hbm>>, %arg3: memref<32x1000000xf32, #tpu.memory_space<hbm>>, %arg4: memref<16384xi32, #tpu.memory_space<hbm>>, %arg5: memref<16384xi32, #tpu.memory_space<hbm>>, %arg6: memref<16384xf32, #tpu.memory_space<hbm>>, %arg7: memref<512xi32, #tpu.memory_space<vmem>>, %arg8: memref<512xi32, #tpu.memory_space<vmem>>, %arg9: memref<8x32x128xf32, #tpu.memory_space<vmem>>, %arg10: memref<8x32x128xf32, #tpu.memory_space<vmem>>, %arg11: memref<16384xf32, #tpu.memory_space<vmem>>, %arg12: memref<16384xf32, #tpu.memory_space<vmem>>, %arg13: memref<512xf32, #tpu.memory_space<vmem>>, %arg14: memref<!tpu.dma_semaphore, #tpu.memory_space<semaphore_mem>>, %arg15: memref<!tpu.dma_semaphore, #tpu.memory_space<semaphore_mem>>) attributes {dimension_semantics = [#tpu.dimension_semantics<core_parallel>, #tpu.dimension_semantics<subcore_parallel>], iteration_bounds = array<i64: 2, 16>, scalar_prefetch = 0 : i64, scratch_operands = 9 : i64, tpu.core_type = #tpu.core_type<sc_vector_subcore>, window_params = [{transform_indices = #map}, {transform_indices = #map}, {transform_indices = #map1}, {transform_indices = #map1}, {transform_indices = #map1}]} {
    %mul3A = arith.constant 2 : i32
    %mul3A_0 = arith.muli %arg1, %mul3A : i32
    %add3A = arith.addi %mul3A_0, %arg0 : i32
    %mul3A_1 = arith.constant 512 : i32
    %mul3A_2 = arith.muli %add3A, %mul3A_1 : i32
    "tpu.region"() ({
      %run_scoped3A = tpu.sem_alloc : memref<!tpu.dma_semaphore, #tpu.memory_space<semaphore_mem>>
      %dma_start3A = tpu.memref_slice %arg4[%mul3A_2] : memref<16384xi32, #tpu.memory_space<hbm>> -> memref<512xi32, #tpu.memory_space<hbm>>
      %dma_start3A_12 = tpu.memref_slice %arg4[%mul3A_2] : memref<16384xi32, #tpu.memory_space<hbm>> -> memref<512xi32, #tpu.memory_space<hbm>>
      tpu.enqueue_dma source(%dma_start3A_12 : memref<512xi32, #tpu.memory_space<hbm>>) target(%arg7 : memref<512xi32, #tpu.memory_space<vmem>>) target_semaphore(%run_scoped3A : memref<!tpu.dma_semaphore, #tpu.memory_space<semaphore_mem>>)
      %dma_wait3A = tpu.memref_slice %arg4[%mul3A_2] : memref<16384xi32, #tpu.memory_space<hbm>> -> memref<512xi32, #tpu.memory_space<hbm>>
      %dma_wait3A_13 = tpu.memref_slice %arg4[%mul3A_2] : memref<16384xi32, #tpu.memory_space<hbm>> -> memref<512xi32, #tpu.memory_space<hbm>>
      tpu.wait_dma2 semaphore(%run_scoped3A : memref<!tpu.dma_semaphore, #tpu.memory_space<semaphore_mem>>) src(%dma_wait3A_13 : memref<512xi32, #tpu.memory_space<hbm>>) dst(%arg7 : memref<512xi32, #tpu.memory_space<vmem>>)
      tpu.yield
    }) : () -> ()
    "tpu.region"() ({
      %run_scoped3A = tpu.sem_alloc : memref<!tpu.dma_semaphore, #tpu.memory_space<semaphore_mem>>
      %dma_start3A = tpu.memref_slice %arg5[%mul3A_2] : memref<16384xi32, #tpu.memory_space<hbm>> -> memref<512xi32, #tpu.memory_space<hbm>>
      %dma_start3A_12 = tpu.memref_slice %arg5[%mul3A_2] : memref<16384xi32, #tpu.memory_space<hbm>> -> memref<512xi32, #tpu.memory_space<hbm>>
      tpu.enqueue_dma source(%dma_start3A_12 : memref<512xi32, #tpu.memory_space<hbm>>) target(%arg8 : memref<512xi32, #tpu.memory_space<vmem>>) target_semaphore(%run_scoped3A : memref<!tpu.dma_semaphore, #tpu.memory_space<semaphore_mem>>)
      %dma_wait3A = tpu.memref_slice %arg5[%mul3A_2] : memref<16384xi32, #tpu.memory_space<hbm>> -> memref<512xi32, #tpu.memory_space<hbm>>
      %dma_wait3A_13 = tpu.memref_slice %arg5[%mul3A_2] : memref<16384xi32, #tpu.memory_space<hbm>> -> memref<512xi32, #tpu.memory_space<hbm>>
      tpu.wait_dma2 semaphore(%run_scoped3A : memref<!tpu.dma_semaphore, #tpu.memory_space<semaphore_mem>>) src(%dma_wait3A_13 : memref<512xi32, #tpu.memory_space<hbm>>) dst(%arg8 : memref<512xi32, #tpu.memory_space<vmem>>)
      tpu.yield
    }) : () -> ()
    %iota3A = tpu.iota {dimensions = array<i32: 0>} : vector<16xi32>
    %scan3A = arith.constant 0 : i32
    %scan3A_3 = arith.constant 32 : i32
    %scan3A_4 = arith.addi %scan3A, %scan3A_3 : i32
    %scan3A_5 = arith.constant 1 : i32
    scf.for %scan3A_12 = %scan3A to %scan3A_4 step %scan3A_5  : i32 {
      %mul3A_13 = arith.constant 16 : i32
      %mul3A_14 = arith.muli %scan3A_12, %mul3A_13 : i32
      %get3A = arith.index_cast %mul3A_14 : i32 to index
      %get3A_15 = tpu.vector_load %arg7[%get3A] {strides = array<i32>} : memref<512xi32, #tpu.memory_space<vmem>>, vector<16xi32>,
      %mul3A_16 = arith.constant 16 : i32
      %mul3A_17 = arith.muli %scan3A_12, %mul3A_16 : i32
      %get3A_18 = arith.index_cast %mul3A_17 : i32 to index
      %get3A_19 = tpu.vector_load %arg8[%get3A_18] {strides = array<i32>} : memref<512xi32, #tpu.memory_space<vmem>>, vector<16xi32>,
      %slice3A = vector.extract_strided_slice %get3A_15 {offsets = [0], sizes = [1], strides = [1]} : vector<16xi32> to vector<1xi32>
      %squeeze3A = vector.extract %slice3A[0] : i32 from vector<1xi32>
      %slice3A_20 = vector.extract_strided_slice %get3A_19 {offsets = [0], sizes = [1], strides = [1]} : vector<16xi32> to vector<1xi32>
      %squeeze3A_21 = vector.extract %slice3A_20[0] : i32 from vector<1xi32>
      %and3A = arith.constant -128 : i32
      %and3A_22 = arith.andi %squeeze3A, %and3A : i32
      %multiple_of3A = tpu.assume_multiple %and3A_22, 128 : i32
      %and3A_23 = arith.constant -128 : i32
      %and3A_24 = arith.andi %squeeze3A_21, %and3A_23 : i32
      %multiple_of3A_25 = tpu.assume_multiple %and3A_24, 128 : i32
      %dma_start3A = arith.constant 0 : i32
      %dma_start3A_26 = arith.constant 0 : i32
      %dma_start3A_27 = arith.constant 0 : i32
      %dma_start3A_28 = tpu.memref_slice %arg9[%dma_start3A, %dma_start3A_26, %dma_start3A_27] : memref<8x32x128xf32, #tpu.memory_space<vmem>> -> memref<1x32x128xf32, #tpu.memory_space<vmem>>
      %dma_start3A_29 = tpu.memref_squeeze %dma_start3A_28 : memref<1x32x128xf32, #tpu.memory_space<vmem>> -> memref<32x128xf32, #tpu.memory_space<vmem>>
      %dma_start3A_30 = arith.constant 0 : i32
      %dma_start3A_31 = tpu.memref_slice %arg2[%dma_start3A_30, %multiple_of3A] : memref<32x1000000xf32, #tpu.memory_space<hbm>> -> memref<32x128xf32, #tpu.memory_space<hbm>>
      %dma_start3A_32 = arith.constant 0 : i32
      %dma_start3A_33 = arith.constant 0 : i32
      %dma_start3A_34 = tpu.memref_slice %arg9[%dma_start3A, %dma_start3A_32, %dma_start3A_33] : memref<8x32x128xf32, #tpu.memory_space<vmem>> -> memref<1x32x128xf32, #tpu.memory_space<vmem>>
      %dma_start3A_35 = tpu.memref_squeeze %dma_start3A_34 : memref<1x32x128xf32, #tpu.memory_space<vmem>> -> memref<32x128xf32, #tpu.memory_space<vmem>>
      %dma_start3A_36 = arith.constant 0 : i32
      %dma_start3A_37 = tpu.memref_slice %arg2[%dma_start3A_36, %multiple_of3A] : memref<32x1000000xf32, #tpu.memory_space<hbm>> -> memref<32x128xf32, #tpu.memory_space<hbm>>
      tpu.enqueue_dma source(%dma_start3A_37 : memref<32x128xf32, #tpu.memory_space<hbm>>) target(%dma_start3A_35 : memref<32x128xf32, #tpu.memory_space<vmem>>) target_semaphore(%arg14 : memref<!tpu.dma_semaphore, #tpu.memory_space<semaphore_mem>>)
      %dma_start3A_38 = arith.constant 0 : i32
      %dma_start3A_39 = arith.constant 0 : i32
      %dma_start3A_40 = arith.constant 0 : i32
      %dma_start3A_41 = tpu.memref_slice %arg10[%dma_start3A_38, %dma_start3A_39, %dma_start3A_40] : memref<8x32x128xf32, #tpu.memory_space<vmem>> -> memref<1x32x128xf32, #tpu.memory_space<vmem>>
      %dma_start3A_42 = tpu.memref_squeeze %dma_start3A_41 : memref<1x32x128xf32, #tpu.memory_space<vmem>> -> memref<32x128xf32, #tpu.memory_space<vmem>>
      %dma_start3A_43 = arith.constant 0 : i32
      %dma_start3A_44 = tpu.memref_slice %arg3[%dma_start3A_43, %multiple_of3A_25] : memref<32x1000000xf32, #tpu.memory_space<hbm>> -> memref<32x128xf32, #tpu.memory_space<hbm>>
      %dma_start3A_45 = arith.constant 0 : i32
      %dma_start3A_46 = arith.constant 0 : i32
      %dma_start3A_47 = tpu.memref_slice %arg10[%dma_start3A_38, %dma_start3A_45, %dma_start3A_46] : memref<8x32x128xf32, #tpu.memory_space<vmem>> -> memref<1x32x128xf32, #tpu.memory_space<vmem>>
      %dma_start3A_48 = tpu.memref_squeeze %dma_start3A_47 : memref<1x32x128xf32, #tpu.memory_space<vmem>> -> memref<32x128xf32, #tpu.memory_space<vmem>>
      %dma_start3A_49 = arith.constant 0 : i32
      %dma_start3A_50 = tpu.memref_slice %arg3[%dma_start3A_49, %multiple_of3A_25] : memref<32x1000000xf32, #tpu.memory_space<hbm>> -> memref<32x128xf32, #tpu.memory_space<hbm>>
      tpu.enqueue_dma source(%dma_start3A_50 : memref<32x128xf32, #tpu.memory_space<hbm>>) target(%dma_start3A_48 : memref<32x128xf32, #tpu.memory_space<vmem>>) target_semaphore(%arg15 : memref<!tpu.dma_semaphore, #tpu.memory_space<semaphore_mem>>)
      %slice3A_51 = vector.extract_strided_slice %get3A_15 {offsets = [1], sizes = [1], strides = [1]} : vector<16xi32> to vector<1xi32>
      %squeeze3A_52 = vector.extract %slice3A_51[0] : i32 from vector<1xi32>
      %slice3A_53 = vector.extract_strided_slice %get3A_19 {offsets = [1], sizes = [1], strides = [1]} : vector<16xi32> to vector<1xi32>
      %squeeze3A_54 = vector.extract %slice3A_53[0] : i32 from vector<1xi32>
      %and3A_55 = arith.constant -128 : i32
      %and3A_56 = arith.andi %squeeze3A_52, %and3A_55 : i32
      %multiple_of3A_57 = tpu.assume_multiple %and3A_56, 128 : i32
      %and3A_58 = arith.constant -128 : i32
      %and3A_59 = arith.andi %squeeze3A_54, %and3A_58 : i32
      %multiple_of3A_60 = tpu.assume_multiple %and3A_59, 128 : i32
      %dma_start3A_61 = arith.constant 1 : i32
      %dma_start3A_62 = arith.constant 0 : i32
      %dma_start3A_63 = arith.constant 0 : i32
      %dma_start3A_64 = tpu.memref_slice %arg9[%dma_start3A_61, %dma_start3A_62, %dma_start3A_63] : memref<8x32x128xf32, #tpu.memory_space<vmem>> -> memref<1x32x128xf32, #tpu.memory_space<vmem>>
      %dma_start3A_65 = tpu.memref_squeeze %dma_start3A_64 : memref<1x32x128xf32, #tpu.memory_space<vmem>> -> memref<32x128xf32, #tpu.memory_space<vmem>>
      %dma_start3A_66 = arith.constant 0 : i32
      %dma_start3A_67 = tpu.memref_slice %arg2[%dma_start3A_66, %multiple_of3A_57] : memref<32x1000000xf32, #tpu.memory_space<hbm>> -> memref<32x128xf32, #tpu.memory_space<hbm>>
      %dma_start3A_68 = arith.constant 0 : i32
      %dma_start3A_69 = arith.constant 0 : i32
      %dma_start3A_70 = tpu.memref_slice %arg9[%dma_start3A_61, %dma_start3A_68, %dma_start3A_69] : memref<8x32x128xf32, #tpu.memory_space<vmem>> -> memref<1x32x128xf32, #tpu.memory_space<vmem>>
      %dma_start3A_71 = tpu.memref_squeeze %dma_start3A_70 : memref<1x32x128xf32, #tpu.memory_space<vmem>> -> memref<32x128xf32, #tpu.memory_space<vmem>>
      %dma_start3A_72 = arith.constant 0 : i32
      %dma_start3A_73 = tpu.memref_slice %arg2[%dma_start3A_72, %multiple_of3A_57] : memref<32x1000000xf32, #tpu.memory_space<hbm>> -> memref<32x128xf32, #tpu.memory_space<hbm>>
      tpu.enqueue_dma source(%dma_start3A_73 : memref<32x128xf32, #tpu.memory_space<hbm>>) target(%dma_start3A_71 : memref<32x128xf32, #tpu.memory_space<vmem>>) target_semaphore(%arg14 : memref<!tpu.dma_semaphore, #tpu.memory_space<semaphore_mem>>)
      %dma_start3A_74 = arith.constant 1 : i32
      %dma_start3A_75 = arith.constant 0 : i32
      %dma_start3A_76 = arith.constant 0 : i32
      %dma_start3A_77 = tpu.memref_slice %arg10[%dma_start3A_74, %dma_start3A_75, %dma_start3A_76] : memref<8x32x128xf32, #tpu.memory_space<vmem>> -> memref<1x32x128xf32, #tpu.memory_space<vmem>>
      %dma_start3A_78 = tpu.memref_squeeze %dma_start3A_77 : memref<1x32x128xf32, #tpu.memory_space<vmem>> -> memref<32x128xf32, #tpu.memory_space<vmem>>
      %dma_start3A_79 = arith.constant 0 : i32
      %dma_start3A_80 = tpu.memref_slice %arg3[%dma_start3A_79, %multiple_of3A_60] : memref<32x1000000xf32, #tpu.memory_space<hbm>> -> memref<32x128xf32, #tpu.memory_space<hbm>>
      %dma_start3A_81 = arith.constant 0 : i32
      %dma_start3A_82 = arith.constant 0 : i32
      %dma_start3A_83 = tpu.memref_slice %arg10[%dma_start3A_74, %dma_start3A_81, %dma_start3A_82] : memref<8x32x128xf32, #tpu.memory_space<vmem>> -> memref<1x32x128xf32, #tpu.memory_space<vmem>>
      %dma_start3A_84 = tpu.memref_squeeze %dma_start3A_83 : memref<1x32x128xf32, #tpu.memory_space<vmem>> -> memref<32x128xf32, #tpu.memory_space<vmem>>
      %dma_start3A_85 = arith.constant 0 : i32
      %dma_start3A_86 = tpu.memref_slice %arg3[%dma_start3A_85, %multiple_of3A_60] : memref<32x1000000xf32, #tpu.memory_space<hbm>> -> memref<32x128xf32, #tpu.memory_space<hbm>>
      tpu.enqueue_dma source(%dma_start3A_86 : memref<32x128xf32, #tpu.memory_space<hbm>>) target(%dma_start3A_84 : memref<32x128xf32, #tpu.memory_space<vmem>>) target_semaphore(%arg15 : memref<!tpu.dma_semaphore, #tpu.memory_space<semaphore_mem>>)
      %slice3A_87 = vector.extract_strided_slice %get3A_15 {offsets = [2], sizes = [1], strides = [1]} : vector<16xi32> to vector<1xi32>
      %squeeze3A_88 = vector.extract %slice3A_87[0] : i32 from vector<1xi32>
      %slice3A_89 = vector.extract_strided_slice %get3A_19 {offsets = [2], sizes = [1], strides = [1]} : vector<16xi32> to vector<1xi32>
      %squeeze3A_90 = vector.extract %slice3A_89[0] : i32 from vector<1xi32>
      %and3A_91 = arith.constant -128 : i32
      %and3A_92 = arith.andi %squeeze3A_88, %and3A_91 : i32
      %multiple_of3A_93 = tpu.assume_multiple %and3A_92, 128 : i32
      %and3A_94 = arith.constant -128 : i32
      %and3A_95 = arith.andi %squeeze3A_90, %and3A_94 : i32
      %multiple_of3A_96 = tpu.assume_multiple %and3A_95, 128 : i32
      %dma_start3A_97 = arith.constant 2 : i32
      %dma_start3A_98 = arith.constant 0 : i32
      %dma_start3A_99 = arith.constant 0 : i32
      %dma_start3A_100 = tpu.memref_slice %arg9[%dma_start3A_97, %dma_start3A_98, %dma_start3A_99] : memref<8x32x128xf32, #tpu.memory_space<vmem>> -> memref<1x32x128xf32, #tpu.memory_space<vmem>>
      %dma_start3A_101 = tpu.memref_squeeze %dma_start3A_100 : memref<1x32x128xf32, #tpu.memory_space<vmem>> -> memref<32x128xf32, #tpu.memory_space<vmem>>
      %dma_start3A_102 = arith.constant 0 : i32
      %dma_start3A_103 = tpu.memref_slice %arg2[%dma_start3A_102, %multiple_of3A_93] : memref<32x1000000xf32, #tpu.memory_space<hbm>> -> memref<32x128xf32, #tpu.memory_space<hbm>>
      %dma_start3A_104 = arith.constant 0 : i32
      %dma_start3A_105 = arith.constant 0 : i32
      %dma_start3A_106 = tpu.memref_slice %arg9[%dma_start3A_97, %dma_start3A_104, %dma_start3A_105] : memref<8x32x128xf32, #tpu.memory_space<vmem>> -> memref<1x32x128xf32, #tpu.memory_space<vmem>>
      %dma_start3A_107 = tpu.memref_squeeze %dma_start3A_106 : memref<1x32x128xf32, #tpu.memory_space<vmem>> -> memref<32x128xf32, #tpu.memory_space<vmem>>
      %dma_start3A_108 = arith.constant 0 : i32
      %dma_start3A_109 = tpu.memref_slice %arg2[%dma_start3A_108, %multiple_of3A_93] : memref<32x1000000xf32, #tpu.memory_space<hbm>> -> memref<32x128xf32, #tpu.memory_space<hbm>>
      tpu.enqueue_dma source(%dma_start3A_109 : memref<32x128xf32, #tpu.memory_space<hbm>>) target(%dma_start3A_107 : memref<32x128xf32, #tpu.memory_space<vmem>>) target_semaphore(%arg14 : memref<!tpu.dma_semaphore, #tpu.memory_space<semaphore_mem>>)
      %dma_start3A_110 = arith.constant 2 : i32
      %dma_start3A_111 = arith.constant 0 : i32
      %dma_start3A_112 = arith.constant 0 : i32
      %dma_start3A_113 = tpu.memref_slice %arg10[%dma_start3A_110, %dma_start3A_111, %dma_start3A_112] : memref<8x32x128xf32, #tpu.memory_space<vmem>> -> memref<1x32x128xf32, #tpu.memory_space<vmem>>
      %dma_start3A_114 = tpu.memref_squeeze %dma_start3A_113 : memref<1x32x128xf32, #tpu.memory_space<vmem>> -> memref<32x128xf32, #tpu.memory_space<vmem>>
      %dma_start3A_115 = arith.constant 0 : i32
      %dma_start3A_116 = tpu.memref_slice %arg3[%dma_start3A_115, %multiple_of3A_96] : memref<32x1000000xf32, #tpu.memory_space<hbm>> -> memref<32x128xf32, #tpu.memory_space<hbm>>
      %dma_start3A_117 = arith.constant 0 : i32
      %dma_start3A_118 = arith.constant 0 : i32
      %dma_start3A_119 = tpu.memref_slice %arg10[%dma_start3A_110, %dma_start3A_117, %dma_start3A_118] : memref<8x32x128xf32, #tpu.memory_space<vmem>> -> memref<1x32x128xf32, #tpu.memory_space<vmem>>
      %dma_start3A_120 = tpu.memref_squeeze %dma_start3A_119 : memref<1x32x128xf32, #tpu.memory_space<vmem>> -> memref<32x128xf32, #tpu.memory_space<vmem>>
      %dma_start3A_121 = arith.constant 0 : i32
      %dma_start3A_122 = tpu.memref_slice %arg3[%dma_start3A_121, %multiple_of3A_96] : memref<32x1000000xf32, #tpu.memory_space<hbm>> -> memref<32x128xf32, #tpu.memory_space<hbm>>
      tpu.enqueue_dma source(%dma_start3A_122 : memref<32x128xf32, #tpu.memory_space<hbm>>) target(%dma_start3A_120 : memref<32x128xf32, #tpu.memory_space<vmem>>) target_semaphore(%arg15 : memref<!tpu.dma_semaphore, #tpu.memory_space<semaphore_mem>>)
      %slice3A_123 = vector.extract_strided_slice %get3A_15 {offsets = [3], sizes = [1], strides = [1]} : vector<16xi32> to vector<1xi32>
      %squeeze3A_124 = vector.extract %slice3A_123[0] : i32 from vector<1xi32>
      %slice3A_125 = vector.extract_strided_slice %get3A_19 {offsets = [3], sizes = [1], strides = [1]} : vector<16xi32> to vector<1xi32>
      %squeeze3A_126 = vector.extract %slice3A_125[0] : i32 from vector<1xi32>
      %and3A_127 = arith.constant -128 : i32
      %and3A_128 = arith.andi %squeeze3A_124, %and3A_127 : i32
      %multiple_of3A_129 = tpu.assume_multiple %and3A_128, 128 : i32
      %and3A_130 = arith.constant -128 : i32
      %and3A_131 = arith.andi %squeeze3A_126, %and3A_130 : i32
      %multiple_of3A_132 = tpu.assume_multiple %and3A_131, 128 : i32
      %dma_start3A_133 = arith.constant 3 : i32
      %dma_start3A_134 = arith.constant 0 : i32
      %dma_start3A_135 = arith.constant 0 : i32
      %dma_start3A_136 = tpu.memref_slice %arg9[%dma_start3A_133, %dma_start3A_134, %dma_start3A_135] : memref<8x32x128xf32, #tpu.memory_space<vmem>> -> memref<1x32x128xf32, #tpu.memory_space<vmem>>
      %dma_start3A_137 = tpu.memref_squeeze %dma_start3A_136 : memref<1x32x128xf32, #tpu.memory_space<vmem>> -> memref<32x128xf32, #tpu.memory_space<vmem>>
      %dma_start3A_138 = arith.constant 0 : i32
      %dma_start3A_139 = tpu.memref_slice %arg2[%dma_start3A_138, %multiple_of3A_129] : memref<32x1000000xf32, #tpu.memory_space<hbm>> -> memref<32x128xf32, #tpu.memory_space<hbm>>
      %dma_start3A_140 = arith.constant 0 : i32
      %dma_start3A_141 = arith.constant 0 : i32
      %dma_start3A_142 = tpu.memref_slice %arg9[%dma_start3A_133, %dma_start3A_140, %dma_start3A_141] : memref<8x32x128xf32, #tpu.memory_space<vmem>> -> memref<1x32x128xf32, #tpu.memory_space<vmem>>
      %dma_start3A_143 = tpu.memref_squeeze %dma_start3A_142 : memref<1x32x128xf32, #tpu.memory_space<vmem>> -> memref<32x128xf32, #tpu.memory_space<vmem>>
      %dma_start3A_144 = arith.constant 0 : i32
      %dma_start3A_145 = tpu.memref_slice %arg2[%dma_start3A_144, %multiple_of3A_129] : memref<32x1000000xf32, #tpu.memory_space<hbm>> -> memref<32x128xf32, #tpu.memory_space<hbm>>
      tpu.enqueue_dma source(%dma_start3A_145 : memref<32x128xf32, #tpu.memory_space<hbm>>) target(%dma_start3A_143 : memref<32x128xf32, #tpu.memory_space<vmem>>) target_semaphore(%arg14 : memref<!tpu.dma_semaphore, #tpu.memory_space<semaphore_mem>>)
      %dma_start3A_146 = arith.constant 3 : i32
      %dma_start3A_147 = arith.constant 0 : i32
      %dma_start3A_148 = arith.constant 0 : i32
      %dma_start3A_149 = tpu.memref_slice %arg10[%dma_start3A_146, %dma_start3A_147, %dma_start3A_148] : memref<8x32x128xf32, #tpu.memory_space<vmem>> -> memref<1x32x128xf32, #tpu.memory_space<vmem>>
      %dma_start3A_150 = tpu.memref_squeeze %dma_start3A_149 : memref<1x32x128xf32, #tpu.memory_space<vmem>> -> memref<32x128xf32, #tpu.memory_space<vmem>>
      %dma_start3A_151 = arith.constant 0 : i32
      %dma_start3A_152 = tpu.memref_slice %arg3[%dma_start3A_151, %multiple_of3A_132] : memref<32x1000000xf32, #tpu.memory_space<hbm>> -> memref<32x128xf32, #tpu.memory_space<hbm>>
      %dma_start3A_153 = arith.constant 0 : i32
      %dma_start3A_154 = arith.constant 0 : i32
      %dma_start3A_155 = tpu.memref_slice %arg10[%dma_start3A_146, %dma_start3A_153, %dma_start3A_154] : memref<8x32x128xf32, #tpu.memory_space<vmem>> -> memref<1x32x128xf32, #tpu.memory_space<vmem>>
      %dma_start3A_156 = tpu.memref_squeeze %dma_start3A_155 : memref<1x32x128xf32, #tpu.memory_space<vmem>> -> memref<32x128xf32, #tpu.memory_space<vmem>>
      %dma_start3A_157 = arith.constant 0 : i32
      %dma_start3A_158 = tpu.memref_slice %arg3[%dma_start3A_157, %multiple_of3A_132] : memref<32x1000000xf32, #tpu.memory_space<hbm>> -> memref<32x128xf32, #tpu.memory_space<hbm>>
      tpu.enqueue_dma source(%dma_start3A_158 : memref<32x128xf32, #tpu.memory_space<hbm>>) target(%dma_start3A_156 : memref<32x128xf32, #tpu.memory_space<vmem>>) target_semaphore(%arg15 : memref<!tpu.dma_semaphore, #tpu.memory_space<semaphore_mem>>)
      %slice3A_159 = vector.extract_strided_slice %get3A_15 {offsets = [4], sizes = [1], strides = [1]} : vector<16xi32> to vector<1xi32>
      %squeeze3A_160 = vector.extract %slice3A_159[0] : i32 from vector<1xi32>
      %slice3A_161 = vector.extract_strided_slice %get3A_19 {offsets = [4], sizes = [1], strides = [1]} : vector<16xi32> to vector<1xi32>
      %squeeze3A_162 = vector.extract %slice3A_161[0] : i32 from vector<1xi32>
      %and3A_163 = arith.constant -128 : i32
      %and3A_164 = arith.andi %squeeze3A_160, %and3A_163 : i32
      %multiple_of3A_165 = tpu.assume_multiple %and3A_164, 128 : i32
      %and3A_166 = arith.constant -128 : i32
      %and3A_167 = arith.andi %squeeze3A_162, %and3A_166 : i32
      %multiple_of3A_168 = tpu.assume_multiple %and3A_167, 128 : i32
      %dma_start3A_169 = arith.constant 4 : i32
      %dma_start3A_170 = arith.constant 0 : i32
      %dma_start3A_171 = arith.constant 0 : i32
      %dma_start3A_172 = tpu.memref_slice %arg9[%dma_start3A_169, %dma_start3A_170, %dma_start3A_171] : memref<8x32x128xf32, #tpu.memory_space<vmem>> -> memref<1x32x128xf32, #tpu.memory_space<vmem>>
      %dma_start3A_173 = tpu.memref_squeeze %dma_start3A_172 : memref<1x32x128xf32, #tpu.memory_space<vmem>> -> memref<32x128xf32, #tpu.memory_space<vmem>>
      %dma_start3A_174 = arith.constant 0 : i32
      %dma_start3A_175 = tpu.memref_slice %arg2[%dma_start3A_174, %multiple_of3A_165] : memref<32x1000000xf32, #tpu.memory_space<hbm>> -> memref<32x128xf32, #tpu.memory_space<hbm>>
      %dma_start3A_176 = arith.constant 0 : i32
      %dma_start3A_177 = arith.constant 0 : i32
      %dma_start3A_178 = tpu.memref_slice %arg9[%dma_start3A_169, %dma_start3A_176, %dma_start3A_177] : memref<8x32x128xf32, #tpu.memory_space<vmem>> -> memref<1x32x128xf32, #tpu.memory_space<vmem>>
      %dma_start3A_179 = tpu.memref_squeeze %dma_start3A_178 : memref<1x32x128xf32, #tpu.memory_space<vmem>> -> memref<32x128xf32, #tpu.memory_space<vmem>>
      %dma_start3A_180 = arith.constant 0 : i32
      %dma_start3A_181 = tpu.memref_slice %arg2[%dma_start3A_180, %multiple_of3A_165] : memref<32x1000000xf32, #tpu.memory_space<hbm>> -> memref<32x128xf32, #tpu.memory_space<hbm>>
      tpu.enqueue_dma source(%dma_start3A_181 : memref<32x128xf32, #tpu.memory_space<hbm>>) target(%dma_start3A_179 : memref<32x128xf32, #tpu.memory_space<vmem>>) target_semaphore(%arg14 : memref<!tpu.dma_semaphore, #tpu.memory_space<semaphore_mem>>)
      %dma_start3A_182 = arith.constant 4 : i32
      %dma_start3A_183 = arith.constant 0 : i32
      %dma_start3A_184 = arith.constant 0 : i32
      %dma_start3A_185 = tpu.memref_slice %arg10[%dma_start3A_182, %dma_start3A_183, %dma_start3A_184] : memref<8x32x128xf32, #tpu.memory_space<vmem>> -> memref<1x32x128xf32, #tpu.memory_space<vmem>>
      %dma_start3A_186 = tpu.memref_squeeze %dma_start3A_185 : memref<1x32x128xf32, #tpu.memory_space<vmem>> -> memref<32x128xf32, #tpu.memory_space<vmem>>
      %dma_start3A_187 = arith.constant 0 : i32
      %dma_start3A_188 = tpu.memref_slice %arg3[%dma_start3A_187, %multiple_of3A_168] : memref<32x1000000xf32, #tpu.memory_space<hbm>> -> memref<32x128xf32, #tpu.memory_space<hbm>>
      %dma_start3A_189 = arith.constant 0 : i32
      %dma_start3A_190 = arith.constant 0 : i32
      %dma_start3A_191 = tpu.memref_slice %arg10[%dma_start3A_182, %dma_start3A_189, %dma_start3A_190] : memref<8x32x128xf32, #tpu.memory_space<vmem>> -> memref<1x32x128xf32, #tpu.memory_space<vmem>>
      %dma_start3A_192 = tpu.memref_squeeze %dma_start3A_191 : memref<1x32x128xf32, #tpu.memory_space<vmem>> -> memref<32x128xf32, #tpu.memory_space<vmem>>
      %dma_start3A_193 = arith.constant 0 : i32
      %dma_start3A_194 = tpu.memref_slice %arg3[%dma_start3A_193, %multiple_of3A_168] : memref<32x1000000xf32, #tpu.memory_space<hbm>> -> memref<32x128xf32, #tpu.memory_space<hbm>>
      tpu.enqueue_dma source(%dma_start3A_194 : memref<32x128xf32, #tpu.memory_space<hbm>>) target(%dma_start3A_192 : memref<32x128xf32, #tpu.memory_space<vmem>>) target_semaphore(%arg15 : memref<!tpu.dma_semaphore, #tpu.memory_space<semaphore_mem>>)
      %slice3A_195 = vector.extract_strided_slice %get3A_15 {offsets = [5], sizes = [1], strides = [1]} : vector<16xi32> to vector<1xi32>
      %squeeze3A_196 = vector.extract %slice3A_195[0] : i32 from vector<1xi32>
      %slice3A_197 = vector.extract_strided_slice %get3A_19 {offsets = [5], sizes = [1], strides = [1]} : vector<16xi32> to vector<1xi32>
      %squeeze3A_198 = vector.extract %slice3A_197[0] : i32 from vector<1xi32>
      %and3A_199 = arith.constant -128 : i32
      %and3A_200 = arith.andi %squeeze3A_196, %and3A_199 : i32
      %multiple_of3A_201 = tpu.assume_multiple %and3A_200, 128 : i32
      %and3A_202 = arith.constant -128 : i32
      %and3A_203 = arith.andi %squeeze3A_198, %and3A_202 : i32
      %multiple_of3A_204 = tpu.assume_multiple %and3A_203, 128 : i32
      %dma_start3A_205 = arith.constant 5 : i32
      %dma_start3A_206 = arith.constant 0 : i32
      %dma_start3A_207 = arith.constant 0 : i32
      %dma_start3A_208 = tpu.memref_slice %arg9[%dma_start3A_205, %dma_start3A_206, %dma_start3A_207] : memref<8x32x128xf32, #tpu.memory_space<vmem>> -> memref<1x32x128xf32, #tpu.memory_space<vmem>>
      %dma_start3A_209 = tpu.memref_squeeze %dma_start3A_208 : memref<1x32x128xf32, #tpu.memory_space<vmem>> -> memref<32x128xf32, #tpu.memory_space<vmem>>
      %dma_start3A_210 = arith.constant 0 : i32
      %dma_start3A_211 = tpu.memref_slice %arg2[%dma_start3A_210, %multiple_of3A_201] : memref<32x1000000xf32, #tpu.memory_space<hbm>> -> memref<32x128xf32, #tpu.memory_space<hbm>>
      %dma_start3A_212 = arith.constant 0 : i32
      %dma_start3A_213 = arith.constant 0 : i32
      %dma_start3A_214 = tpu.memref_slice %arg9[%dma_start3A_205, %dma_start3A_212, %dma_start3A_213] : memref<8x32x128xf32, #tpu.memory_space<vmem>> -> memref<1x32x128xf32, #tpu.memory_space<vmem>>
      %dma_start3A_215 = tpu.memref_squeeze %dma_start3A_214 : memref<1x32x128xf32, #tpu.memory_space<vmem>> -> memref<32x128xf32, #tpu.memory_space<vmem>>
      %dma_start3A_216 = arith.constant 0 : i32
      %dma_start3A_217 = tpu.memref_slice %arg2[%dma_start3A_216, %multiple_of3A_201] : memref<32x1000000xf32, #tpu.memory_space<hbm>> -> memref<32x128xf32, #tpu.memory_space<hbm>>
      tpu.enqueue_dma source(%dma_start3A_217 : memref<32x128xf32, #tpu.memory_space<hbm>>) target(%dma_start3A_215 : memref<32x128xf32, #tpu.memory_space<vmem>>) target_semaphore(%arg14 : memref<!tpu.dma_semaphore, #tpu.memory_space<semaphore_mem>>)
      %dma_start3A_218 = arith.constant 5 : i32
      %dma_start3A_219 = arith.constant 0 : i32
      %dma_start3A_220 = arith.constant 0 : i32
      %dma_start3A_221 = tpu.memref_slice %arg10[%dma_start3A_218, %dma_start3A_219, %dma_start3A_220] : memref<8x32x128xf32, #tpu.memory_space<vmem>> -> memref<1x32x128xf32, #tpu.memory_space<vmem>>
      %dma_start3A_222 = tpu.memref_squeeze %dma_start3A_221 : memref<1x32x128xf32, #tpu.memory_space<vmem>> -> memref<32x128xf32, #tpu.memory_space<vmem>>
      %dma_start3A_223 = arith.constant 0 : i32
      %dma_start3A_224 = tpu.memref_slice %arg3[%dma_start3A_223, %multiple_of3A_204] : memref<32x1000000xf32, #tpu.memory_space<hbm>> -> memref<32x128xf32, #tpu.memory_space<hbm>>
      %dma_start3A_225 = arith.constant 0 : i32
      %dma_start3A_226 = arith.constant 0 : i32
      %dma_start3A_227 = tpu.memref_slice %arg10[%dma_start3A_218, %dma_start3A_225, %dma_start3A_226] : memref<8x32x128xf32, #tpu.memory_space<vmem>> -> memref<1x32x128xf32, #tpu.memory_space<vmem>>
      %dma_start3A_228 = tpu.memref_squeeze %dma_start3A_227 : memref<1x32x128xf32, #tpu.memory_space<vmem>> -> memref<32x128xf32, #tpu.memory_space<vmem>>
      %dma_start3A_229 = arith.constant 0 : i32
      %dma_start3A_230 = tpu.memref_slice %arg3[%dma_start3A_229, %multiple_of3A_204] : memref<32x1000000xf32, #tpu.memory_space<hbm>> -> memref<32x128xf32, #tpu.memory_space<hbm>>
      tpu.enqueue_dma source(%dma_start3A_230 : memref<32x128xf32, #tpu.memory_space<hbm>>) target(%dma_start3A_228 : memref<32x128xf32, #tpu.memory_space<vmem>>) target_semaphore(%arg15 : memref<!tpu.dma_semaphore, #tpu.memory_space<semaphore_mem>>)
      %slice3A_231 = vector.extract_strided_slice %get3A_15 {offsets = [6], sizes = [1], strides = [1]} : vector<16xi32> to vector<1xi32>
      %squeeze3A_232 = vector.extract %slice3A_231[0] : i32 from vector<1xi32>
      %slice3A_233 = vector.extract_strided_slice %get3A_19 {offsets = [6], sizes = [1], strides = [1]} : vector<16xi32> to vector<1xi32>
      %squeeze3A_234 = vector.extract %slice3A_233[0] : i32 from vector<1xi32>
      %and3A_235 = arith.constant -128 : i32
      %and3A_236 = arith.andi %squeeze3A_232, %and3A_235 : i32
      %multiple_of3A_237 = tpu.assume_multiple %and3A_236, 128 : i32
      %and3A_238 = arith.constant -128 : i32
      %and3A_239 = arith.andi %squeeze3A_234, %and3A_238 : i32
      %multiple_of3A_240 = tpu.assume_multiple %and3A_239, 128 : i32
      %dma_start3A_241 = arith.constant 6 : i32
      %dma_start3A_242 = arith.constant 0 : i32
      %dma_start3A_243 = arith.constant 0 : i32
      %dma_start3A_244 = tpu.memref_slice %arg9[%dma_start3A_241, %dma_start3A_242, %dma_start3A_243] : memref<8x32x128xf32, #tpu.memory_space<vmem>> -> memref<1x32x128xf32, #tpu.memory_space<vmem>>
      %dma_start3A_245 = tpu.memref_squeeze %dma_start3A_244 : memref<1x32x128xf32, #tpu.memory_space<vmem>> -> memref<32x128xf32, #tpu.memory_space<vmem>>
      %dma_start3A_246 = arith.constant 0 : i32
      %dma_start3A_247 = tpu.memref_slice %arg2[%dma_start3A_246, %multiple_of3A_237] : memref<32x1000000xf32, #tpu.memory_space<hbm>> -> memref<32x128xf32, #tpu.memory_space<hbm>>
      %dma_start3A_248 = arith.constant 0 : i32
      %dma_start3A_249 = arith.constant 0 : i32
      %dma_start3A_250 = tpu.memref_slice %arg9[%dma_start3A_241, %dma_start3A_248, %dma_start3A_249] : memref<8x32x128xf32, #tpu.memory_space<vmem>> -> memref<1x32x128xf32, #tpu.memory_space<vmem>>
      %dma_start3A_251 = tpu.memref_squeeze %dma_start3A_250 : memref<1x32x128xf32, #tpu.memory_space<vmem>> -> memref<32x128xf32, #tpu.memory_space<vmem>>
      %dma_start3A_252 = arith.constant 0 : i32
      %dma_start3A_253 = tpu.memref_slice %arg2[%dma_start3A_252, %multiple_of3A_237] : memref<32x1000000xf32, #tpu.memory_space<hbm>> -> memref<32x128xf32, #tpu.memory_space<hbm>>
      tpu.enqueue_dma source(%dma_start3A_253 : memref<32x128xf32, #tpu.memory_space<hbm>>) target(%dma_start3A_251 : memref<32x128xf32, #tpu.memory_space<vmem>>) target_semaphore(%arg14 : memref<!tpu.dma_semaphore, #tpu.memory_space<semaphore_mem>>)
      %dma_start3A_254 = arith.constant 6 : i32
      %dma_start3A_255 = arith.constant 0 : i32
      %dma_start3A_256 = arith.constant 0 : i32
      %dma_start3A_257 = tpu.memref_slice %arg10[%dma_start3A_254, %dma_start3A_255, %dma_start3A_256] : memref<8x32x128xf32, #tpu.memory_space<vmem>> -> memref<1x32x128xf32, #tpu.memory_space<vmem>>
      %dma_start3A_258 = tpu.memref_squeeze %dma_start3A_257 : memref<1x32x128xf32, #tpu.memory_space<vmem>> -> memref<32x128xf32, #tpu.memory_space<vmem>>
      %dma_start3A_259 = arith.constant 0 : i32
      %dma_start3A_260 = tpu.memref_slice %arg3[%dma_start3A_259, %multiple_of3A_240] : memref<32x1000000xf32, #tpu.memory_space<hbm>> -> memref<32x128xf32, #tpu.memory_space<hbm>>
      %dma_start3A_261 = arith.constant 0 : i32
      %dma_start3A_262 = arith.constant 0 : i32
      %dma_start3A_263 = tpu.memref_slice %arg10[%dma_start3A_254, %dma_start3A_261, %dma_start3A_262] : memref<8x32x128xf32, #tpu.memory_space<vmem>> -> memref<1x32x128xf32, #tpu.memory_space<vmem>>
      %dma_start3A_264 = tpu.memref_squeeze %dma_start3A_263 : memref<1x32x128xf32, #tpu.memory_space<vmem>> -> memref<32x128xf32, #tpu.memory_space<vmem>>
      %dma_start3A_265 = arith.constant 0 : i32
      %dma_start3A_266 = tpu.memref_slice %arg3[%dma_start3A_265, %multiple_of3A_240] : memref<32x1000000xf32, #tpu.memory_space<hbm>> -> memref<32x128xf32, #tpu.memory_space<hbm>>
      tpu.enqueue_dma source(%dma_start3A_266 : memref<32x128xf32, #tpu.memory_space<hbm>>) target(%dma_start3A_264 : memref<32x128xf32, #tpu.memory_space<vmem>>) target_semaphore(%arg15 : memref<!tpu.dma_semaphore, #tpu.memory_space<semaphore_mem>>)
      %slice3A_267 = vector.extract_strided_slice %get3A_15 {offsets = [7], sizes = [1], strides = [1]} : vector<16xi32> to vector<1xi32>
      %squeeze3A_268 = vector.extract %slice3A_267[0] : i32 from vector<1xi32>
      %slice3A_269 = vector.extract_strided_slice %get3A_19 {offsets = [7], sizes = [1], strides = [1]} : vector<16xi32> to vector<1xi32>
      %squeeze3A_270 = vector.extract %slice3A_269[0] : i32 from vector<1xi32>
      %and3A_271 = arith.constant -128 : i32
      %and3A_272 = arith.andi %squeeze3A_268, %and3A_271 : i32
      %multiple_of3A_273 = tpu.assume_multiple %and3A_272, 128 : i32
      %and3A_274 = arith.constant -128 : i32
      %and3A_275 = arith.andi %squeeze3A_270, %and3A_274 : i32
      %multiple_of3A_276 = tpu.assume_multiple %and3A_275, 128 : i32
      %dma_start3A_277 = arith.constant 7 : i32
      %dma_start3A_278 = arith.constant 0 : i32
      %dma_start3A_279 = arith.constant 0 : i32
      %dma_start3A_280 = tpu.memref_slice %arg9[%dma_start3A_277, %dma_start3A_278, %dma_start3A_279] : memref<8x32x128xf32, #tpu.memory_space<vmem>> -> memref<1x32x128xf32, #tpu.memory_space<vmem>>
      %dma_start3A_281 = tpu.memref_squeeze %dma_start3A_280 : memref<1x32x128xf32, #tpu.memory_space<vmem>> -> memref<32x128xf32, #tpu.memory_space<vmem>>
      %dma_start3A_282 = arith.constant 0 : i32
      %dma_start3A_283 = tpu.memref_slice %arg2[%dma_start3A_282, %multiple_of3A_273] : memref<32x1000000xf32, #tpu.memory_space<hbm>> -> memref<32x128xf32, #tpu.memory_space<hbm>>
      %dma_start3A_284 = arith.constant 0 : i32
      %dma_start3A_285 = arith.constant 0 : i32
      %dma_start3A_286 = tpu.memref_slice %arg9[%dma_start3A_277, %dma_start3A_284, %dma_start3A_285] : memref<8x32x128xf32, #tpu.memory_space<vmem>> -> memref<1x32x128xf32, #tpu.memory_space<vmem>>
      %dma_start3A_287 = tpu.memref_squeeze %dma_start3A_286 : memref<1x32x128xf32, #tpu.memory_space<vmem>> -> memref<32x128xf32, #tpu.memory_space<vmem>>
      %dma_start3A_288 = arith.constant 0 : i32
      %dma_start3A_289 = tpu.memref_slice %arg2[%dma_start3A_288, %multiple_of3A_273] : memref<32x1000000xf32, #tpu.memory_space<hbm>> -> memref<32x128xf32, #tpu.memory_space<hbm>>
      tpu.enqueue_dma source(%dma_start3A_289 : memref<32x128xf32, #tpu.memory_space<hbm>>) target(%dma_start3A_287 : memref<32x128xf32, #tpu.memory_space<vmem>>) target_semaphore(%arg14 : memref<!tpu.dma_semaphore, #tpu.memory_space<semaphore_mem>>)
      %dma_start3A_290 = arith.constant 7 : i32
      %dma_start3A_291 = arith.constant 0 : i32
      %dma_start3A_292 = arith.constant 0 : i32
      %dma_start3A_293 = tpu.memref_slice %arg10[%dma_start3A_290, %dma_start3A_291, %dma_start3A_292] : memref<8x32x128xf32, #tpu.memory_space<vmem>> -> memref<1x32x128xf32, #tpu.memory_space<vmem>>
      %dma_start3A_294 = tpu.memref_squeeze %dma_start3A_293 : memref<1x32x128xf32, #tpu.memory_space<vmem>> -> memref<32x128xf32, #tpu.memory_space<vmem>>
      %dma_start3A_295 = arith.constant 0 : i32
      %dma_start3A_296 = tpu.memref_slice %arg3[%dma_start3A_295, %multiple_of3A_276] : memref<32x1000000xf32, #tpu.memory_space<hbm>> -> memref<32x128xf32, #tpu.memory_space<hbm>>
      %dma_start3A_297 = arith.constant 0 : i32
      %dma_start3A_298 = arith.constant 0 : i32
      %dma_start3A_299 = tpu.memref_slice %arg10[%dma_start3A_290, %dma_start3A_297, %dma_start3A_298] : memref<8x32x128xf32, #tpu.memory_space<vmem>> -> memref<1x32x128xf32, #tpu.memory_space<vmem>>
      %dma_start3A_300 = tpu.memref_squeeze %dma_start3A_299 : memref<1x32x128xf32, #tpu.memory_space<vmem>> -> memref<32x128xf32, #tpu.memory_space<vmem>>
      %dma_start3A_301 = arith.constant 0 : i32
      %dma_start3A_302 = tpu.memref_slice %arg3[%dma_start3A_301, %multiple_of3A_276] : memref<32x1000000xf32, #tpu.memory_space<hbm>> -> memref<32x128xf32, #tpu.memory_space<hbm>>
      tpu.enqueue_dma source(%dma_start3A_302 : memref<32x128xf32, #tpu.memory_space<hbm>>) target(%dma_start3A_300 : memref<32x128xf32, #tpu.memory_space<vmem>>) target_semaphore(%arg15 : memref<!tpu.dma_semaphore, #tpu.memory_space<semaphore_mem>>)
      %dma_wait3A = arith.constant 0 : i32
      %dma_wait3A_303 = arith.constant 0 : i32
      %dma_wait3A_304 = arith.constant 0 : i32
      %dma_wait3A_305 = tpu.memref_slice %arg9[%dma_wait3A, %dma_wait3A_303, %dma_wait3A_304] : memref<8x32x128xf32, #tpu.memory_space<vmem>> -> memref<1x32x128xf32, #tpu.memory_space<vmem>>
      %dma_wait3A_306 = tpu.memref_squeeze %dma_wait3A_305 : memref<1x32x128xf32, #tpu.memory_space<vmem>> -> memref<32x128xf32, #tpu.memory_space<vmem>>
      %dma_wait3A_307 = arith.constant 0 : i32
      %dma_wait3A_308 = tpu.memref_slice %arg2[%dma_wait3A_307, %multiple_of3A] : memref<32x1000000xf32, #tpu.memory_space<hbm>> -> memref<32x128xf32, #tpu.memory_space<hbm>>
      %dma_wait3A_309 = arith.constant 0 : i32
      %dma_wait3A_310 = arith.constant 0 : i32
      %dma_wait3A_311 = tpu.memref_slice %arg9[%dma_wait3A, %dma_wait3A_309, %dma_wait3A_310] : memref<8x32x128xf32, #tpu.memory_space<vmem>> -> memref<1x32x128xf32, #tpu.memory_space<vmem>>
      %dma_wait3A_312 = tpu.memref_squeeze %dma_wait3A_311 : memref<1x32x128xf32, #tpu.memory_space<vmem>> -> memref<32x128xf32, #tpu.memory_space<vmem>>
      %dma_wait3A_313 = arith.constant 0 : i32
      %dma_wait3A_314 = tpu.memref_slice %arg2[%dma_wait3A_313, %multiple_of3A] : memref<32x1000000xf32, #tpu.memory_space<hbm>> -> memref<32x128xf32, #tpu.memory_space<hbm>>
      tpu.wait_dma2 semaphore(%arg14 : memref<!tpu.dma_semaphore, #tpu.memory_space<semaphore_mem>>) src(%dma_wait3A_314 : memref<32x128xf32, #tpu.memory_space<hbm>>) dst(%dma_wait3A_312 : memref<32x128xf32, #tpu.memory_space<vmem>>)
      %dma_wait3A_315 = arith.constant 0 : i32
      %dma_wait3A_316 = arith.constant 0 : i32
      %dma_wait3A_317 = arith.constant 0 : i32
      %dma_wait3A_318 = tpu.memref_slice %arg10[%dma_wait3A_315, %dma_wait3A_316, %dma_wait3A_317] : memref<8x32x128xf32, #tpu.memory_space<vmem>> -> memref<1x32x128xf32, #tpu.memory_space<vmem>>
      %dma_wait3A_319 = tpu.memref_squeeze %dma_wait3A_318 : memref<1x32x128xf32, #tpu.memory_space<vmem>> -> memref<32x128xf32, #tpu.memory_space<vmem>>
      %dma_wait3A_320 = arith.constant 0 : i32
      %dma_wait3A_321 = tpu.memref_slice %arg3[%dma_wait3A_320, %multiple_of3A_25] : memref<32x1000000xf32, #tpu.memory_space<hbm>> -> memref<32x128xf32, #tpu.memory_space<hbm>>
      %dma_wait3A_322 = arith.constant 0 : i32
      %dma_wait3A_323 = arith.constant 0 : i32
      %dma_wait3A_324 = tpu.memref_slice %arg10[%dma_wait3A_315, %dma_wait3A_322, %dma_wait3A_323] : memref<8x32x128xf32, #tpu.memory_space<vmem>> -> memref<1x32x128xf32, #tpu.memory_space<vmem>>
      %dma_wait3A_325 = tpu.memref_squeeze %dma_wait3A_324 : memref<1x32x128xf32, #tpu.memory_space<vmem>> -> memref<32x128xf32, #tpu.memory_space<vmem>>
      %dma_wait3A_326 = arith.constant 0 : i32
      %dma_wait3A_327 = tpu.memref_slice %arg3[%dma_wait3A_326, %multiple_of3A_25] : memref<32x1000000xf32, #tpu.memory_space<hbm>> -> memref<32x128xf32, #tpu.memory_space<hbm>>
      tpu.wait_dma2 semaphore(%arg15 : memref<!tpu.dma_semaphore, #tpu.memory_space<semaphore_mem>>) src(%dma_wait3A_327 : memref<32x128xf32, #tpu.memory_space<hbm>>) dst(%dma_wait3A_325 : memref<32x128xf32, #tpu.memory_space<vmem>>)
      %dma_wait3A_328 = arith.constant 1 : i32
      %dma_wait3A_329 = arith.constant 0 : i32
      %dma_wait3A_330 = arith.constant 0 : i32
      %dma_wait3A_331 = tpu.memref_slice %arg9[%dma_wait3A_328, %dma_wait3A_329, %dma_wait3A_330] : memref<8x32x128xf32, #tpu.memory_space<vmem>> -> memref<1x32x128xf32, #tpu.memory_space<vmem>>
      %dma_wait3A_332 = tpu.memref_squeeze %dma_wait3A_331 : memref<1x32x128xf32, #tpu.memory_space<vmem>> -> memref<32x128xf32, #tpu.memory_space<vmem>>
      %dma_wait3A_333 = arith.constant 0 : i32
      %dma_wait3A_334 = tpu.memref_slice %arg2[%dma_wait3A_333, %multiple_of3A_57] : memref<32x1000000xf32, #tpu.memory_space<hbm>> -> memref<32x128xf32, #tpu.memory_space<hbm>>
      %dma_wait3A_335 = arith.constant 0 : i32
      %dma_wait3A_336 = arith.constant 0 : i32
      %dma_wait3A_337 = tpu.memref_slice %arg9[%dma_wait3A_328, %dma_wait3A_335, %dma_wait3A_336] : memref<8x32x128xf32, #tpu.memory_space<vmem>> -> memref<1x32x128xf32, #tpu.memory_space<vmem>>
      %dma_wait3A_338 = tpu.memref_squeeze %dma_wait3A_337 : memref<1x32x128xf32, #tpu.memory_space<vmem>> -> memref<32x128xf32, #tpu.memory_space<vmem>>
      %dma_wait3A_339 = arith.constant 0 : i32
      %dma_wait3A_340 = tpu.memref_slice %arg2[%dma_wait3A_339, %multiple_of3A_57] : memref<32x1000000xf32, #tpu.memory_space<hbm>> -> memref<32x128xf32, #tpu.memory_space<hbm>>
      tpu.wait_dma2 semaphore(%arg14 : memref<!tpu.dma_semaphore, #tpu.memory_space<semaphore_mem>>) src(%dma_wait3A_340 : memref<32x128xf32, #tpu.memory_space<hbm>>) dst(%dma_wait3A_338 : memref<32x128xf32, #tpu.memory_space<vmem>>)
      %dma_wait3A_341 = arith.constant 1 : i32
      %dma_wait3A_342 = arith.constant 0 : i32
      %dma_wait3A_343 = arith.constant 0 : i32
      %dma_wait3A_344 = tpu.memref_slice %arg10[%dma_wait3A_341, %dma_wait3A_342, %dma_wait3A_343] : memref<8x32x128xf32, #tpu.memory_space<vmem>> -> memref<1x32x128xf32, #tpu.memory_space<vmem>>
      %dma_wait3A_345 = tpu.memref_squeeze %dma_wait3A_344 : memref<1x32x128xf32, #tpu.memory_space<vmem>> -> memref<32x128xf32, #tpu.memory_space<vmem>>
      %dma_wait3A_346 = arith.constant 0 : i32
      %dma_wait3A_347 = tpu.memref_slice %arg3[%dma_wait3A_346, %multiple_of3A_60] : memref<32x1000000xf32, #tpu.memory_space<hbm>> -> memref<32x128xf32, #tpu.memory_space<hbm>>
      %dma_wait3A_348 = arith.constant 0 : i32
      %dma_wait3A_349 = arith.constant 0 : i32
      %dma_wait3A_350 = tpu.memref_slice %arg10[%dma_wait3A_341, %dma_wait3A_348, %dma_wait3A_349] : memref<8x32x128xf32, #tpu.memory_space<vmem>> -> memref<1x32x128xf32, #tpu.memory_space<vmem>>
      %dma_wait3A_351 = tpu.memref_squeeze %dma_wait3A_350 : memref<1x32x128xf32, #tpu.memory_space<vmem>> -> memref<32x128xf32, #tpu.memory_space<vmem>>
      %dma_wait3A_352 = arith.constant 0 : i32
      %dma_wait3A_353 = tpu.memref_slice %arg3[%dma_wait3A_352, %multiple_of3A_60] : memref<32x1000000xf32, #tpu.memory_space<hbm>> -> memref<32x128xf32, #tpu.memory_space<hbm>>
      tpu.wait_dma2 semaphore(%arg15 : memref<!tpu.dma_semaphore, #tpu.memory_space<semaphore_mem>>) src(%dma_wait3A_353 : memref<32x128xf32, #tpu.memory_space<hbm>>) dst(%dma_wait3A_351 : memref<32x128xf32, #tpu.memory_space<vmem>>)
      %dma_wait3A_354 = arith.constant 2 : i32
      %dma_wait3A_355 = arith.constant 0 : i32
      %dma_wait3A_356 = arith.constant 0 : i32
      %dma_wait3A_357 = tpu.memref_slice %arg9[%dma_wait3A_354, %dma_wait3A_355, %dma_wait3A_356] : memref<8x32x128xf32, #tpu.memory_space<vmem>> -> memref<1x32x128xf32, #tpu.memory_space<vmem>>
      %dma_wait3A_358 = tpu.memref_squeeze %dma_wait3A_357 : memref<1x32x128xf32, #tpu.memory_space<vmem>> -> memref<32x128xf32, #tpu.memory_space<vmem>>
      %dma_wait3A_359 = arith.constant 0 : i32
      %dma_wait3A_360 = tpu.memref_slice %arg2[%dma_wait3A_359, %multiple_of3A_93] : memref<32x1000000xf32, #tpu.memory_space<hbm>> -> memref<32x128xf32, #tpu.memory_space<hbm>>
      %dma_wait3A_361 = arith.constant 0 : i32
      %dma_wait3A_362 = arith.constant 0 : i32
      %dma_wait3A_363 = tpu.memref_slice %arg9[%dma_wait3A_354, %dma_wait3A_361, %dma_wait3A_362] : memref<8x32x128xf32, #tpu.memory_space<vmem>> -> memref<1x32x128xf32, #tpu.memory_space<vmem>>
      %dma_wait3A_364 = tpu.memref_squeeze %dma_wait3A_363 : memref<1x32x128xf32, #tpu.memory_space<vmem>> -> memref<32x128xf32, #tpu.memory_space<vmem>>
      %dma_wait3A_365 = arith.constant 0 : i32
      %dma_wait3A_366 = tpu.memref_slice %arg2[%dma_wait3A_365, %multiple_of3A_93] : memref<32x1000000xf32, #tpu.memory_space<hbm>> -> memref<32x128xf32, #tpu.memory_space<hbm>>
      tpu.wait_dma2 semaphore(%arg14 : memref<!tpu.dma_semaphore, #tpu.memory_space<semaphore_mem>>) src(%dma_wait3A_366 : memref<32x128xf32, #tpu.memory_space<hbm>>) dst(%dma_wait3A_364 : memref<32x128xf32, #tpu.memory_space<vmem>>)
      %dma_wait3A_367 = arith.constant 2 : i32
      %dma_wait3A_368 = arith.constant 0 : i32
      %dma_wait3A_369 = arith.constant 0 : i32
      %dma_wait3A_370 = tpu.memref_slice %arg10[%dma_wait3A_367, %dma_wait3A_368, %dma_wait3A_369] : memref<8x32x128xf32, #tpu.memory_space<vmem>> -> memref<1x32x128xf32, #tpu.memory_space<vmem>>
      %dma_wait3A_371 = tpu.memref_squeeze %dma_wait3A_370 : memref<1x32x128xf32, #tpu.memory_space<vmem>> -> memref<32x128xf32, #tpu.memory_space<vmem>>
      %dma_wait3A_372 = arith.constant 0 : i32
      %dma_wait3A_373 = tpu.memref_slice %arg3[%dma_wait3A_372, %multiple_of3A_96] : memref<32x1000000xf32, #tpu.memory_space<hbm>> -> memref<32x128xf32, #tpu.memory_space<hbm>>
      %dma_wait3A_374 = arith.constant 0 : i32
      %dma_wait3A_375 = arith.constant 0 : i32
      %dma_wait3A_376 = tpu.memref_slice %arg10[%dma_wait3A_367, %dma_wait3A_374, %dma_wait3A_375] : memref<8x32x128xf32, #tpu.memory_space<vmem>> -> memref<1x32x128xf32, #tpu.memory_space<vmem>>
      %dma_wait3A_377 = tpu.memref_squeeze %dma_wait3A_376 : memref<1x32x128xf32, #tpu.memory_space<vmem>> -> memref<32x128xf32, #tpu.memory_space<vmem>>
      %dma_wait3A_378 = arith.constant 0 : i32
      %dma_wait3A_379 = tpu.memref_slice %arg3[%dma_wait3A_378, %multiple_of3A_96] : memref<32x1000000xf32, #tpu.memory_space<hbm>> -> memref<32x128xf32, #tpu.memory_space<hbm>>
      tpu.wait_dma2 semaphore(%arg15 : memref<!tpu.dma_semaphore, #tpu.memory_space<semaphore_mem>>) src(%dma_wait3A_379 : memref<32x128xf32, #tpu.memory_space<hbm>>) dst(%dma_wait3A_377 : memref<32x128xf32, #tpu.memory_space<vmem>>)
      %dma_wait3A_380 = arith.constant 3 : i32
      %dma_wait3A_381 = arith.constant 0 : i32
      %dma_wait3A_382 = arith.constant 0 : i32
      %dma_wait3A_383 = tpu.memref_slice %arg9[%dma_wait3A_380, %dma_wait3A_381, %dma_wait3A_382] : memref<8x32x128xf32, #tpu.memory_space<vmem>> -> memref<1x32x128xf32, #tpu.memory_space<vmem>>
      %dma_wait3A_384 = tpu.memref_squeeze %dma_wait3A_383 : memref<1x32x128xf32, #tpu.memory_space<vmem>> -> memref<32x128xf32, #tpu.memory_space<vmem>>
      %dma_wait3A_385 = arith.constant 0 : i32
      %dma_wait3A_386 = tpu.memref_slice %arg2[%dma_wait3A_385, %multiple_of3A_129] : memref<32x1000000xf32, #tpu.memory_space<hbm>> -> memref<32x128xf32, #tpu.memory_space<hbm>>
      %dma_wait3A_387 = arith.constant 0 : i32
      %dma_wait3A_388 = arith.constant 0 : i32
      %dma_wait3A_389 = tpu.memref_slice %arg9[%dma_wait3A_380, %dma_wait3A_387, %dma_wait3A_388] : memref<8x32x128xf32, #tpu.memory_space<vmem>> -> memref<1x32x128xf32, #tpu.memory_space<vmem>>
      %dma_wait3A_390 = tpu.memref_squeeze %dma_wait3A_389 : memref<1x32x128xf32, #tpu.memory_space<vmem>> -> memref<32x128xf32, #tpu.memory_space<vmem>>
      %dma_wait3A_391 = arith.constant 0 : i32
      %dma_wait3A_392 = tpu.memref_slice %arg2[%dma_wait3A_391, %multiple_of3A_129] : memref<32x1000000xf32, #tpu.memory_space<hbm>> -> memref<32x128xf32, #tpu.memory_space<hbm>>
      tpu.wait_dma2 semaphore(%arg14 : memref<!tpu.dma_semaphore, #tpu.memory_space<semaphore_mem>>) src(%dma_wait3A_392 : memref<32x128xf32, #tpu.memory_space<hbm>>) dst(%dma_wait3A_390 : memref<32x128xf32, #tpu.memory_space<vmem>>)
      %dma_wait3A_393 = arith.constant 3 : i32
      %dma_wait3A_394 = arith.constant 0 : i32
      %dma_wait3A_395 = arith.constant 0 : i32
      %dma_wait3A_396 = tpu.memref_slice %arg10[%dma_wait3A_393, %dma_wait3A_394, %dma_wait3A_395] : memref<8x32x128xf32, #tpu.memory_space<vmem>> -> memref<1x32x128xf32, #tpu.memory_space<vmem>>
      %dma_wait3A_397 = tpu.memref_squeeze %dma_wait3A_396 : memref<1x32x128xf32, #tpu.memory_space<vmem>> -> memref<32x128xf32, #tpu.memory_space<vmem>>
      %dma_wait3A_398 = arith.constant 0 : i32
      %dma_wait3A_399 = tpu.memref_slice %arg3[%dma_wait3A_398, %multiple_of3A_132] : memref<32x1000000xf32, #tpu.memory_space<hbm>> -> memref<32x128xf32, #tpu.memory_space<hbm>>
      %dma_wait3A_400 = arith.constant 0 : i32
      %dma_wait3A_401 = arith.constant 0 : i32
      %dma_wait3A_402 = tpu.memref_slice %arg10[%dma_wait3A_393, %dma_wait3A_400, %dma_wait3A_401] : memref<8x32x128xf32, #tpu.memory_space<vmem>> -> memref<1x32x128xf32, #tpu.memory_space<vmem>>
      %dma_wait3A_403 = tpu.memref_squeeze %dma_wait3A_402 : memref<1x32x128xf32, #tpu.memory_space<vmem>> -> memref<32x128xf32, #tpu.memory_space<vmem>>
      %dma_wait3A_404 = arith.constant 0 : i32
      %dma_wait3A_405 = tpu.memref_slice %arg3[%dma_wait3A_404, %multiple_of3A_132] : memref<32x1000000xf32, #tpu.memory_space<hbm>> -> memref<32x128xf32, #tpu.memory_space<hbm>>
      tpu.wait_dma2 semaphore(%arg15 : memref<!tpu.dma_semaphore, #tpu.memory_space<semaphore_mem>>) src(%dma_wait3A_405 : memref<32x128xf32, #tpu.memory_space<hbm>>) dst(%dma_wait3A_403 : memref<32x128xf32, #tpu.memory_space<vmem>>)
      %dma_wait3A_406 = arith.constant 4 : i32
      %dma_wait3A_407 = arith.constant 0 : i32
      %dma_wait3A_408 = arith.constant 0 : i32
      %dma_wait3A_409 = tpu.memref_slice %arg9[%dma_wait3A_406, %dma_wait3A_407, %dma_wait3A_408] : memref<8x32x128xf32, #tpu.memory_space<vmem>> -> memref<1x32x128xf32, #tpu.memory_space<vmem>>
      %dma_wait3A_410 = tpu.memref_squeeze %dma_wait3A_409 : memref<1x32x128xf32, #tpu.memory_space<vmem>> -> memref<32x128xf32, #tpu.memory_space<vmem>>
      %dma_wait3A_411 = arith.constant 0 : i32
      %dma_wait3A_412 = tpu.memref_slice %arg2[%dma_wait3A_411, %multiple_of3A_165] : memref<32x1000000xf32, #tpu.memory_space<hbm>> -> memref<32x128xf32, #tpu.memory_space<hbm>>
      %dma_wait3A_413 = arith.constant 0 : i32
      %dma_wait3A_414 = arith.constant 0 : i32
      %dma_wait3A_415 = tpu.memref_slice %arg9[%dma_wait3A_406, %dma_wait3A_413, %dma_wait3A_414] : memref<8x32x128xf32, #tpu.memory_space<vmem>> -> memref<1x32x128xf32, #tpu.memory_space<vmem>>
      %dma_wait3A_416 = tpu.memref_squeeze %dma_wait3A_415 : memref<1x32x128xf32, #tpu.memory_space<vmem>> -> memref<32x128xf32, #tpu.memory_space<vmem>>
      %dma_wait3A_417 = arith.constant 0 : i32
      %dma_wait3A_418 = tpu.memref_slice %arg2[%dma_wait3A_417, %multiple_of3A_165] : memref<32x1000000xf32, #tpu.memory_space<hbm>> -> memref<32x128xf32, #tpu.memory_space<hbm>>
      tpu.wait_dma2 semaphore(%arg14 : memref<!tpu.dma_semaphore, #tpu.memory_space<semaphore_mem>>) src(%dma_wait3A_418 : memref<32x128xf32, #tpu.memory_space<hbm>>) dst(%dma_wait3A_416 : memref<32x128xf32, #tpu.memory_space<vmem>>)
      %dma_wait3A_419 = arith.constant 4 : i32
      %dma_wait3A_420 = arith.constant 0 : i32
      %dma_wait3A_421 = arith.constant 0 : i32
      %dma_wait3A_422 = tpu.memref_slice %arg10[%dma_wait3A_419, %dma_wait3A_420, %dma_wait3A_421] : memref<8x32x128xf32, #tpu.memory_space<vmem>> -> memref<1x32x128xf32, #tpu.memory_space<vmem>>
      %dma_wait3A_423 = tpu.memref_squeeze %dma_wait3A_422 : memref<1x32x128xf32, #tpu.memory_space<vmem>> -> memref<32x128xf32, #tpu.memory_space<vmem>>
      %dma_wait3A_424 = arith.constant 0 : i32
      %dma_wait3A_425 = tpu.memref_slice %arg3[%dma_wait3A_424, %multiple_of3A_168] : memref<32x1000000xf32, #tpu.memory_space<hbm>> -> memref<32x128xf32, #tpu.memory_space<hbm>>
      %dma_wait3A_426 = arith.constant 0 : i32
      %dma_wait3A_427 = arith.constant 0 : i32
      %dma_wait3A_428 = tpu.memref_slice %arg10[%dma_wait3A_419, %dma_wait3A_426, %dma_wait3A_427] : memref<8x32x128xf32, #tpu.memory_space<vmem>> -> memref<1x32x128xf32, #tpu.memory_space<vmem>>
      %dma_wait3A_429 = tpu.memref_squeeze %dma_wait3A_428 : memref<1x32x128xf32, #tpu.memory_space<vmem>> -> memref<32x128xf32, #tpu.memory_space<vmem>>
      %dma_wait3A_430 = arith.constant 0 : i32
      %dma_wait3A_431 = tpu.memref_slice %arg3[%dma_wait3A_430, %multiple_of3A_168] : memref<32x1000000xf32, #tpu.memory_space<hbm>> -> memref<32x128xf32, #tpu.memory_space<hbm>>
      tpu.wait_dma2 semaphore(%arg15 : memref<!tpu.dma_semaphore, #tpu.memory_space<semaphore_mem>>) src(%dma_wait3A_431 : memref<32x128xf32, #tpu.memory_space<hbm>>) dst(%dma_wait3A_429 : memref<32x128xf32, #tpu.memory_space<vmem>>)
      %dma_wait3A_432 = arith.constant 5 : i32
      %dma_wait3A_433 = arith.constant 0 : i32
      %dma_wait3A_434 = arith.constant 0 : i32
      %dma_wait3A_435 = tpu.memref_slice %arg9[%dma_wait3A_432, %dma_wait3A_433, %dma_wait3A_434] : memref<8x32x128xf32, #tpu.memory_space<vmem>> -> memref<1x32x128xf32, #tpu.memory_space<vmem>>
      %dma_wait3A_436 = tpu.memref_squeeze %dma_wait3A_435 : memref<1x32x128xf32, #tpu.memory_space<vmem>> -> memref<32x128xf32, #tpu.memory_space<vmem>>
      %dma_wait3A_437 = arith.constant 0 : i32
      %dma_wait3A_438 = tpu.memref_slice %arg2[%dma_wait3A_437, %multiple_of3A_201] : memref<32x1000000xf32, #tpu.memory_space<hbm>> -> memref<32x128xf32, #tpu.memory_space<hbm>>
      %dma_wait3A_439 = arith.constant 0 : i32
      %dma_wait3A_440 = arith.constant 0 : i32
      %dma_wait3A_441 = tpu.memref_slice %arg9[%dma_wait3A_432, %dma_wait3A_439, %dma_wait3A_440] : memref<8x32x128xf32, #tpu.memory_space<vmem>> -> memref<1x32x128xf32, #tpu.memory_space<vmem>>
      %dma_wait3A_442 = tpu.memref_squeeze %dma_wait3A_441 : memref<1x32x128xf32, #tpu.memory_space<vmem>> -> memref<32x128xf32, #tpu.memory_space<vmem>>
      %dma_wait3A_443 = arith.constant 0 : i32
      %dma_wait3A_444 = tpu.memref_slice %arg2[%dma_wait3A_443, %multiple_of3A_201] : memref<32x1000000xf32, #tpu.memory_space<hbm>> -> memref<32x128xf32, #tpu.memory_space<hbm>>
      tpu.wait_dma2 semaphore(%arg14 : memref<!tpu.dma_semaphore, #tpu.memory_space<semaphore_mem>>) src(%dma_wait3A_444 : memref<32x128xf32, #tpu.memory_space<hbm>>) dst(%dma_wait3A_442 : memref<32x128xf32, #tpu.memory_space<vmem>>)
      %dma_wait3A_445 = arith.constant 5 : i32
      %dma_wait3A_446 = arith.constant 0 : i32
      %dma_wait3A_447 = arith.constant 0 : i32
      %dma_wait3A_448 = tpu.memref_slice %arg10[%dma_wait3A_445, %dma_wait3A_446, %dma_wait3A_447] : memref<8x32x128xf32, #tpu.memory_space<vmem>> -> memref<1x32x128xf32, #tpu.memory_space<vmem>>
      %dma_wait3A_449 = tpu.memref_squeeze %dma_wait3A_448 : memref<1x32x128xf32, #tpu.memory_space<vmem>> -> memref<32x128xf32, #tpu.memory_space<vmem>>
      %dma_wait3A_450 = arith.constant 0 : i32
      %dma_wait3A_451 = tpu.memref_slice %arg3[%dma_wait3A_450, %multiple_of3A_204] : memref<32x1000000xf32, #tpu.memory_space<hbm>> -> memref<32x128xf32, #tpu.memory_space<hbm>>
      %dma_wait3A_452 = arith.constant 0 : i32
      %dma_wait3A_453 = arith.constant 0 : i32
      %dma_wait3A_454 = tpu.memref_slice %arg10[%dma_wait3A_445, %dma_wait3A_452, %dma_wait3A_453] : memref<8x32x128xf32, #tpu.memory_space<vmem>> -> memref<1x32x128xf32, #tpu.memory_space<vmem>>
      %dma_wait3A_455 = tpu.memref_squeeze %dma_wait3A_454 : memref<1x32x128xf32, #tpu.memory_space<vmem>> -> memref<32x128xf32, #tpu.memory_space<vmem>>
      %dma_wait3A_456 = arith.constant 0 : i32
      %dma_wait3A_457 = tpu.memref_slice %arg3[%dma_wait3A_456, %multiple_of3A_204] : memref<32x1000000xf32, #tpu.memory_space<hbm>> -> memref<32x128xf32, #tpu.memory_space<hbm>>
      tpu.wait_dma2 semaphore(%arg15 : memref<!tpu.dma_semaphore, #tpu.memory_space<semaphore_mem>>) src(%dma_wait3A_457 : memref<32x128xf32, #tpu.memory_space<hbm>>) dst(%dma_wait3A_455 : memref<32x128xf32, #tpu.memory_space<vmem>>)
      %dma_wait3A_458 = arith.constant 6 : i32
      %dma_wait3A_459 = arith.constant 0 : i32
      %dma_wait3A_460 = arith.constant 0 : i32
      %dma_wait3A_461 = tpu.memref_slice %arg9[%dma_wait3A_458, %dma_wait3A_459, %dma_wait3A_460] : memref<8x32x128xf32, #tpu.memory_space<vmem>> -> memref<1x32x128xf32, #tpu.memory_space<vmem>>
      %dma_wait3A_462 = tpu.memref_squeeze %dma_wait3A_461 : memref<1x32x128xf32, #tpu.memory_space<vmem>> -> memref<32x128xf32, #tpu.memory_space<vmem>>
      %dma_wait3A_463 = arith.constant 0 : i32
      %dma_wait3A_464 = tpu.memref_slice %arg2[%dma_wait3A_463, %multiple_of3A_237] : memref<32x1000000xf32, #tpu.memory_space<hbm>> -> memref<32x128xf32, #tpu.memory_space<hbm>>
      %dma_wait3A_465 = arith.constant 0 : i32
      %dma_wait3A_466 = arith.constant 0 : i32
      %dma_wait3A_467 = tpu.memref_slice %arg9[%dma_wait3A_458, %dma_wait3A_465, %dma_wait3A_466] : memref<8x32x128xf32, #tpu.memory_space<vmem>> -> memref<1x32x128xf32, #tpu.memory_space<vmem>>
      %dma_wait3A_468 = tpu.memref_squeeze %dma_wait3A_467 : memref<1x32x128xf32, #tpu.memory_space<vmem>> -> memref<32x128xf32, #tpu.memory_space<vmem>>
      %dma_wait3A_469 = arith.constant 0 : i32
      %dma_wait3A_470 = tpu.memref_slice %arg2[%dma_wait3A_469, %multiple_of3A_237] : memref<32x1000000xf32, #tpu.memory_space<hbm>> -> memref<32x128xf32, #tpu.memory_space<hbm>>
      tpu.wait_dma2 semaphore(%arg14 : memref<!tpu.dma_semaphore, #tpu.memory_space<semaphore_mem>>) src(%dma_wait3A_470 : memref<32x128xf32, #tpu.memory_space<hbm>>) dst(%dma_wait3A_468 : memref<32x128xf32, #tpu.memory_space<vmem>>)
      %dma_wait3A_471 = arith.constant 6 : i32
      %dma_wait3A_472 = arith.constant 0 : i32
      %dma_wait3A_473 = arith.constant 0 : i32
      %dma_wait3A_474 = tpu.memref_slice %arg10[%dma_wait3A_471, %dma_wait3A_472, %dma_wait3A_473] : memref<8x32x128xf32, #tpu.memory_space<vmem>> -> memref<1x32x128xf32, #tpu.memory_space<vmem>>
      %dma_wait3A_475 = tpu.memref_squeeze %dma_wait3A_474 : memref<1x32x128xf32, #tpu.memory_space<vmem>> -> memref<32x128xf32, #tpu.memory_space<vmem>>
      %dma_wait3A_476 = arith.constant 0 : i32
      %dma_wait3A_477 = tpu.memref_slice %arg3[%dma_wait3A_476, %multiple_of3A_240] : memref<32x1000000xf32, #tpu.memory_space<hbm>> -> memref<32x128xf32, #tpu.memory_space<hbm>>
      %dma_wait3A_478 = arith.constant 0 : i32
      %dma_wait3A_479 = arith.constant 0 : i32
      %dma_wait3A_480 = tpu.memref_slice %arg10[%dma_wait3A_471, %dma_wait3A_478, %dma_wait3A_479] : memref<8x32x128xf32, #tpu.memory_space<vmem>> -> memref<1x32x128xf32, #tpu.memory_space<vmem>>
      %dma_wait3A_481 = tpu.memref_squeeze %dma_wait3A_480 : memref<1x32x128xf32, #tpu.memory_space<vmem>> -> memref<32x128xf32, #tpu.memory_space<vmem>>
      %dma_wait3A_482 = arith.constant 0 : i32
      %dma_wait3A_483 = tpu.memref_slice %arg3[%dma_wait3A_482, %multiple_of3A_240] : memref<32x1000000xf32, #tpu.memory_space<hbm>> -> memref<32x128xf32, #tpu.memory_space<hbm>>
      tpu.wait_dma2 semaphore(%arg15 : memref<!tpu.dma_semaphore, #tpu.memory_space<semaphore_mem>>) src(%dma_wait3A_483 : memref<32x128xf32, #tpu.memory_space<hbm>>) dst(%dma_wait3A_481 : memref<32x128xf32, #tpu.memory_space<vmem>>)
      %dma_wait3A_484 = arith.constant 7 : i32
      %dma_wait3A_485 = arith.constant 0 : i32
      %dma_wait3A_486 = arith.constant 0 : i32
      %dma_wait3A_487 = tpu.memref_slice %arg9[%dma_wait3A_484, %dma_wait3A_485, %dma_wait3A_486] : memref<8x32x128xf32, #tpu.memory_space<vmem>> -> memref<1x32x128xf32, #tpu.memory_space<vmem>>
      %dma_wait3A_488 = tpu.memref_squeeze %dma_wait3A_487 : memref<1x32x128xf32, #tpu.memory_space<vmem>> -> memref<32x128xf32, #tpu.memory_space<vmem>>
      %dma_wait3A_489 = arith.constant 0 : i32
      %dma_wait3A_490 = tpu.memref_slice %arg2[%dma_wait3A_489, %multiple_of3A_273] : memref<32x1000000xf32, #tpu.memory_space<hbm>> -> memref<32x128xf32, #tpu.memory_space<hbm>>
      %dma_wait3A_491 = arith.constant 0 : i32
      %dma_wait3A_492 = arith.constant 0 : i32
      %dma_wait3A_493 = tpu.memref_slice %arg9[%dma_wait3A_484, %dma_wait3A_491, %dma_wait3A_492] : memref<8x32x128xf32, #tpu.memory_space<vmem>> -> memref<1x32x128xf32, #tpu.memory_space<vmem>>
      %dma_wait3A_494 = tpu.memref_squeeze %dma_wait3A_493 : memref<1x32x128xf32, #tpu.memory_space<vmem>> -> memref<32x128xf32, #tpu.memory_space<vmem>>
      %dma_wait3A_495 = arith.constant 0 : i32
      %dma_wait3A_496 = tpu.memref_slice %arg2[%dma_wait3A_495, %multiple_of3A_273] : memref<32x1000000xf32, #tpu.memory_space<hbm>> -> memref<32x128xf32, #tpu.memory_space<hbm>>
      tpu.wait_dma2 semaphore(%arg14 : memref<!tpu.dma_semaphore, #tpu.memory_space<semaphore_mem>>) src(%dma_wait3A_496 : memref<32x128xf32, #tpu.memory_space<hbm>>) dst(%dma_wait3A_494 : memref<32x128xf32, #tpu.memory_space<vmem>>)
      %dma_wait3A_497 = arith.constant 7 : i32
      %dma_wait3A_498 = arith.constant 0 : i32
      %dma_wait3A_499 = arith.constant 0 : i32
      %dma_wait3A_500 = tpu.memref_slice %arg10[%dma_wait3A_497, %dma_wait3A_498, %dma_wait3A_499] : memref<8x32x128xf32, #tpu.memory_space<vmem>> -> memref<1x32x128xf32, #tpu.memory_space<vmem>>
      %dma_wait3A_501 = tpu.memref_squeeze %dma_wait3A_500 : memref<1x32x128xf32, #tpu.memory_space<vmem>> -> memref<32x128xf32, #tpu.memory_space<vmem>>
      %dma_wait3A_502 = arith.constant 0 : i32
      %dma_wait3A_503 = tpu.memref_slice %arg3[%dma_wait3A_502, %multiple_of3A_276] : memref<32x1000000xf32, #tpu.memory_space<hbm>> -> memref<32x128xf32, #tpu.memory_space<hbm>>
      %dma_wait3A_504 = arith.constant 0 : i32
      %dma_wait3A_505 = arith.constant 0 : i32
      %dma_wait3A_506 = tpu.memref_slice %arg10[%dma_wait3A_497, %dma_wait3A_504, %dma_wait3A_505] : memref<8x32x128xf32, #tpu.memory_space<vmem>> -> memref<1x32x128xf32, #tpu.memory_space<vmem>>
      %dma_wait3A_507 = tpu.memref_squeeze %dma_wait3A_506 : memref<1x32x128xf32, #tpu.memory_space<vmem>> -> memref<32x128xf32, #tpu.memory_space<vmem>>
      %dma_wait3A_508 = arith.constant 0 : i32
      %dma_wait3A_509 = tpu.memref_slice %arg3[%dma_wait3A_508, %multiple_of3A_276] : memref<32x1000000xf32, #tpu.memory_space<hbm>> -> memref<32x128xf32, #tpu.memory_space<hbm>>
      tpu.wait_dma2 semaphore(%arg15 : memref<!tpu.dma_semaphore, #tpu.memory_space<semaphore_mem>>) src(%dma_wait3A_509 : memref<32x128xf32, #tpu.memory_space<hbm>>) dst(%dma_wait3A_507 : memref<32x128xf32, #tpu.memory_space<vmem>>)
      %mul3A_510 = arith.constant 16 : i32
      %mul3A_511 = arith.muli %scan3A_12, %mul3A_510 : i32
      %add3A_512 = arith.constant 0 : i32
      %add3A_513 = arith.addi %mul3A_511, %add3A_512 : i32
      %add3A_514 = arith.constant 0 : i32
      %add3A_515 = arith.addi %add3A_513, %add3A_514 : i32
      %and3A_516 = arith.constant 127 : i32
      %and3A_517 = arith.andi %squeeze3A, %and3A_516 : i32
      %broadcast_in_dim3A = vector.broadcast %and3A_517 : i32 to vector<16xi32>
      %and3A_518 = arith.constant 127 : i32
      %and3A_519 = arith.andi %squeeze3A_21, %and3A_518 : i32
      %broadcast_in_dim3A_520 = vector.broadcast %and3A_519 : i32 to vector<16xi32>
      %add3A_521 = arith.constant 0 : i32
      %add3A_522 = vector.broadcast %add3A_521 : i32 to vector<16xi32>
      %add3A_523 = arith.addi %add3A_522, %iota3A : vector<16xi32>
      %add3A_524 = arith.constant 0 : i32
      %add3A_525 = vector.broadcast %add3A_524 : i32 to vector<16xi32>
      %add3A_526 = arith.addi %add3A_525, %iota3A : vector<16xi32>
      %mul3A_527 = arith.constant 512 : i32
      %mul3A_528 = vector.broadcast %mul3A_527 : i32 to vector<16xi32>
      %mul3A_529 = arith.muli %add3A_526, %mul3A_528 : vector<16xi32>
      %add3A_530 = vector.broadcast %add3A_515 : i32 to vector<16xi32>
      %add3A_531 = arith.addi %mul3A_529, %add3A_530 : vector<16xi32>
      %gather3A = arith.constant 0 : i32
      %gather3A_532 = arith.constant 0 : i32
      %gather3A_533 = arith.constant 0 : i32
      %gather3A_534 = tpu.memref_slice %arg9[%gather3A, %gather3A_532, %gather3A_533] : memref<8x32x128xf32, #tpu.memory_space<vmem>> -> memref<1x32x128xf32, #tpu.memory_space<vmem>>
      %gather3A_535 = tpu.memref_squeeze %gather3A_534 : memref<1x32x128xf32, #tpu.memory_space<vmem>> -> memref<32x128xf32, #tpu.memory_space<vmem>>
      %gather3A_536 = tpu.vector_load_idx %gather3A_535[%add3A_523, %broadcast_in_dim3A] : memref<32x128xf32, #tpu.memory_space<vmem>>[vector<16xi32>, vector<16xi32>], vector<16xf32>,
      %gather3A_537 = arith.constant 0 : i32
      %gather3A_538 = arith.constant 0 : i32
      %gather3A_539 = arith.constant 0 : i32
      %gather3A_540 = tpu.memref_slice %arg10[%gather3A_537, %gather3A_538, %gather3A_539] : memref<8x32x128xf32, #tpu.memory_space<vmem>> -> memref<1x32x128xf32, #tpu.memory_space<vmem>>
      %gather3A_541 = tpu.memref_squeeze %gather3A_540 : memref<1x32x128xf32, #tpu.memory_space<vmem>> -> memref<32x128xf32, #tpu.memory_space<vmem>>
      %gather3A_542 = tpu.vector_load_idx %gather3A_541[%add3A_523, %broadcast_in_dim3A_520] : memref<32x128xf32, #tpu.memory_space<vmem>>[vector<16xi32>, vector<16xi32>], vector<16xf32>,
      tpu.vector_store_idx %arg11[%add3A_531], %gather3A_536 : memref<16384xf32, #tpu.memory_space<vmem>>[vector<16xi32>], vector<16xf32>,
      tpu.vector_store_idx %arg12[%add3A_531], %gather3A_542 : memref<16384xf32, #tpu.memory_space<vmem>>[vector<16xi32>], vector<16xf32>,
      %add3A_543 = arith.constant 16 : i32
      %add3A_544 = vector.broadcast %add3A_543 : i32 to vector<16xi32>
      %add3A_545 = arith.addi %add3A_544, %iota3A : vector<16xi32>
      %add3A_546 = arith.constant 16 : i32
      %add3A_547 = vector.broadcast %add3A_546 : i32 to vector<16xi32>
      %add3A_548 = arith.addi %add3A_547, %iota3A : vector<16xi32>
      %mul3A_549 = arith.constant 512 : i32
      %mul3A_550 = vector.broadcast %mul3A_549 : i32 to vector<16xi32>
      %mul3A_551 = arith.muli %add3A_548, %mul3A_550 : vector<16xi32>
      %add3A_552 = vector.broadcast %add3A_515 : i32 to vector<16xi32>
      %add3A_553 = arith.addi %mul3A_551, %add3A_552 : vector<16xi32>
      %gather3A_554 = arith.constant 0 : i32
      %gather3A_555 = arith.constant 0 : i32
      %gather3A_556 = arith.constant 0 : i32
      %gather3A_557 = tpu.memref_slice %arg9[%gather3A_554, %gather3A_555, %gather3A_556] : memref<8x32x128xf32, #tpu.memory_space<vmem>> -> memref<1x32x128xf32, #tpu.memory_space<vmem>>
      %gather3A_558 = tpu.memref_squeeze %gather3A_557 : memref<1x32x128xf32, #tpu.memory_space<vmem>> -> memref<32x128xf32, #tpu.memory_space<vmem>>
      %gather3A_559 = tpu.vector_load_idx %gather3A_558[%add3A_545, %broadcast_in_dim3A] : memref<32x128xf32, #tpu.memory_space<vmem>>[vector<16xi32>, vector<16xi32>], vector<16xf32>,
      %gather3A_560 = arith.constant 0 : i32
      %gather3A_561 = arith.constant 0 : i32
      %gather3A_562 = arith.constant 0 : i32
      %gather3A_563 = tpu.memref_slice %arg10[%gather3A_560, %gather3A_561, %gather3A_562] : memref<8x32x128xf32, #tpu.memory_space<vmem>> -> memref<1x32x128xf32, #tpu.memory_space<vmem>>
      %gather3A_564 = tpu.memref_squeeze %gather3A_563 : memref<1x32x128xf32, #tpu.memory_space<vmem>> -> memref<32x128xf32, #tpu.memory_space<vmem>>
      %gather3A_565 = tpu.vector_load_idx %gather3A_564[%add3A_545, %broadcast_in_dim3A_520] : memref<32x128xf32, #tpu.memory_space<vmem>>[vector<16xi32>, vector<16xi32>], vector<16xf32>,
      tpu.vector_store_idx %arg11[%add3A_553], %gather3A_559 : memref<16384xf32, #tpu.memory_space<vmem>>[vector<16xi32>], vector<16xf32>,
      tpu.vector_store_idx %arg12[%add3A_553], %gather3A_565 : memref<16384xf32, #tpu.memory_space<vmem>>[vector<16xi32>], vector<16xf32>,
      %mul3A_566 = arith.constant 16 : i32
      %mul3A_567 = arith.muli %scan3A_12, %mul3A_566 : i32
      %add3A_568 = arith.constant 0 : i32
      %add3A_569 = arith.addi %mul3A_567, %add3A_568 : i32
      %add3A_570 = arith.constant 1 : i32
      %add3A_571 = arith.addi %add3A_569, %add3A_570 : i32
      %and3A_572 = arith.constant 127 : i32
      %and3A_573 = arith.andi %squeeze3A_52, %and3A_572 : i32
      %broadcast_in_dim3A_574 = vector.broadcast %and3A_573 : i32 to vector<16xi32>
      %and3A_575 = arith.constant 127 : i32
      %and3A_576 = arith.andi %squeeze3A_54, %and3A_575 : i32
      %broadcast_in_dim3A_577 = vector.broadcast %and3A_576 : i32 to vector<16xi32>
      %add3A_578 = arith.constant 0 : i32
      %add3A_579 = vector.broadcast %add3A_578 : i32 to vector<16xi32>
      %add3A_580 = arith.addi %add3A_579, %iota3A : vector<16xi32>
      %add3A_581 = arith.constant 0 : i32
      %add3A_582 = vector.broadcast %add3A_581 : i32 to vector<16xi32>
      %add3A_583 = arith.addi %add3A_582, %iota3A : vector<16xi32>
      %mul3A_584 = arith.constant 512 : i32
      %mul3A_585 = vector.broadcast %mul3A_584 : i32 to vector<16xi32>
      %mul3A_586 = arith.muli %add3A_583, %mul3A_585 : vector<16xi32>
      %add3A_587 = vector.broadcast %add3A_571 : i32 to vector<16xi32>
      %add3A_588 = arith.addi %mul3A_586, %add3A_587 : vector<16xi32>
      %gather3A_589 = arith.constant 1 : i32
      %gather3A_590 = arith.constant 0 : i32
      %gather3A_591 = arith.constant 0 : i32
      %gather3A_592 = tpu.memref_slice %arg9[%gather3A_589, %gather3A_590, %gather3A_591] : memref<8x32x128xf32, #tpu.memory_space<vmem>> -> memref<1x32x128xf32, #tpu.memory_space<vmem>>
      %gather3A_593 = tpu.memref_squeeze %gather3A_592 : memref<1x32x128xf32, #tpu.memory_space<vmem>> -> memref<32x128xf32, #tpu.memory_space<vmem>>
      %gather3A_594 = tpu.vector_load_idx %gather3A_593[%add3A_580, %broadcast_in_dim3A_574] : memref<32x128xf32, #tpu.memory_space<vmem>>[vector<16xi32>, vector<16xi32>], vector<16xf32>,
      %gather3A_595 = arith.constant 1 : i32
      %gather3A_596 = arith.constant 0 : i32
      %gather3A_597 = arith.constant 0 : i32
      %gather3A_598 = tpu.memref_slice %arg10[%gather3A_595, %gather3A_596, %gather3A_597] : memref<8x32x128xf32, #tpu.memory_space<vmem>> -> memref<1x32x128xf32, #tpu.memory_space<vmem>>
      %gather3A_599 = tpu.memref_squeeze %gather3A_598 : memref<1x32x128xf32, #tpu.memory_space<vmem>> -> memref<32x128xf32, #tpu.memory_space<vmem>>
      %gather3A_600 = tpu.vector_load_idx %gather3A_599[%add3A_580, %broadcast_in_dim3A_577] : memref<32x128xf32, #tpu.memory_space<vmem>>[vector<16xi32>, vector<16xi32>], vector<16xf32>,
      tpu.vector_store_idx %arg11[%add3A_588], %gather3A_594 : memref<16384xf32, #tpu.memory_space<vmem>>[vector<16xi32>], vector<16xf32>,
      tpu.vector_store_idx %arg12[%add3A_588], %gather3A_600 : memref<16384xf32, #tpu.memory_space<vmem>>[vector<16xi32>], vector<16xf32>,
      %add3A_601 = arith.constant 16 : i32
      %add3A_602 = vector.broadcast %add3A_601 : i32 to vector<16xi32>
      %add3A_603 = arith.addi %add3A_602, %iota3A : vector<16xi32>
      %add3A_604 = arith.constant 16 : i32
      %add3A_605 = vector.broadcast %add3A_604 : i32 to vector<16xi32>
      %add3A_606 = arith.addi %add3A_605, %iota3A : vector<16xi32>
      %mul3A_607 = arith.constant 512 : i32
      %mul3A_608 = vector.broadcast %mul3A_607 : i32 to vector<16xi32>
      %mul3A_609 = arith.muli %add3A_606, %mul3A_608 : vector<16xi32>
      %add3A_610 = vector.broadcast %add3A_571 : i32 to vector<16xi32>
      %add3A_611 = arith.addi %mul3A_609, %add3A_610 : vector<16xi32>
      %gather3A_612 = arith.constant 1 : i32
      %gather3A_613 = arith.constant 0 : i32
      %gather3A_614 = arith.constant 0 : i32
      %gather3A_615 = tpu.memref_slice %arg9[%gather3A_612, %gather3A_613, %gather3A_614] : memref<8x32x128xf32, #tpu.memory_space<vmem>> -> memref<1x32x128xf32, #tpu.memory_space<vmem>>
      %gather3A_616 = tpu.memref_squeeze %gather3A_615 : memref<1x32x128xf32, #tpu.memory_space<vmem>> -> memref<32x128xf32, #tpu.memory_space<vmem>>
      %gather3A_617 = tpu.vector_load_idx %gather3A_616[%add3A_603, %broadcast_in_dim3A_574] : memref<32x128xf32, #tpu.memory_space<vmem>>[vector<16xi32>, vector<16xi32>], vector<16xf32>,
      %gather3A_618 = arith.constant 1 : i32
      %gather3A_619 = arith.constant 0 : i32
      %gather3A_620 = arith.constant 0 : i32
      %gather3A_621 = tpu.memref_slice %arg10[%gather3A_618, %gather3A_619, %gather3A_620] : memref<8x32x128xf32, #tpu.memory_space<vmem>> -> memref<1x32x128xf32, #tpu.memory_space<vmem>>
      %gather3A_622 = tpu.memref_squeeze %gather3A_621 : memref<1x32x128xf32, #tpu.memory_space<vmem>> -> memref<32x128xf32, #tpu.memory_space<vmem>>
      %gather3A_623 = tpu.vector_load_idx %gather3A_622[%add3A_603, %broadcast_in_dim3A_577] : memref<32x128xf32, #tpu.memory_space<vmem>>[vector<16xi32>, vector<16xi32>], vector<16xf32>,
      tpu.vector_store_idx %arg11[%add3A_611], %gather3A_617 : memref<16384xf32, #tpu.memory_space<vmem>>[vector<16xi32>], vector<16xf32>,
      tpu.vector_store_idx %arg12[%add3A_611], %gather3A_623 : memref<16384xf32, #tpu.memory_space<vmem>>[vector<16xi32>], vector<16xf32>,
      %mul3A_624 = arith.constant 16 : i32
      %mul3A_625 = arith.muli %scan3A_12, %mul3A_624 : i32
      %add3A_626 = arith.constant 0 : i32
      %add3A_627 = arith.addi %mul3A_625, %add3A_626 : i32
      %add3A_628 = arith.constant 2 : i32
      %add3A_629 = arith.addi %add3A_627, %add3A_628 : i32
      %and3A_630 = arith.constant 127 : i32
      %and3A_631 = arith.andi %squeeze3A_88, %and3A_630 : i32
      %broadcast_in_dim3A_632 = vector.broadcast %and3A_631 : i32 to vector<16xi32>
      %and3A_633 = arith.constant 127 : i32
      %and3A_634 = arith.andi %squeeze3A_90, %and3A_633 : i32
      %broadcast_in_dim3A_635 = vector.broadcast %and3A_634 : i32 to vector<16xi32>
      %add3A_636 = arith.constant 0 : i32
      %add3A_637 = vector.broadcast %add3A_636 : i32 to vector<16xi32>
      %add3A_638 = arith.addi %add3A_637, %iota3A : vector<16xi32>
      %add3A_639 = arith.constant 0 : i32
      %add3A_640 = vector.broadcast %add3A_639 : i32 to vector<16xi32>
      %add3A_641 = arith.addi %add3A_640, %iota3A : vector<16xi32>
      %mul3A_642 = arith.constant 512 : i32
      %mul3A_643 = vector.broadcast %mul3A_642 : i32 to vector<16xi32>
      %mul3A_644 = arith.muli %add3A_641, %mul3A_643 : vector<16xi32>
      %add3A_645 = vector.broadcast %add3A_629 : i32 to vector<16xi32>
      %add3A_646 = arith.addi %mul3A_644, %add3A_645 : vector<16xi32>
      %gather3A_647 = arith.constant 2 : i32
      %gather3A_648 = arith.constant 0 : i32
      %gather3A_649 = arith.constant 0 : i32
      %gather3A_650 = tpu.memref_slice %arg9[%gather3A_647, %gather3A_648, %gather3A_649] : memref<8x32x128xf32, #tpu.memory_space<vmem>> -> memref<1x32x128xf32, #tpu.memory_space<vmem>>
      %gather3A_651 = tpu.memref_squeeze %gather3A_650 : memref<1x32x128xf32, #tpu.memory_space<vmem>> -> memref<32x128xf32, #tpu.memory_space<vmem>>
      %gather3A_652 = tpu.vector_load_idx %gather3A_651[%add3A_638, %broadcast_in_dim3A_632] : memref<32x128xf32, #tpu.memory_space<vmem>>[vector<16xi32>, vector<16xi32>], vector<16xf32>,
      %gather3A_653 = arith.constant 2 : i32
      %gather3A_654 = arith.constant 0 : i32
      %gather3A_655 = arith.constant 0 : i32
      %gather3A_656 = tpu.memref_slice %arg10[%gather3A_653, %gather3A_654, %gather3A_655] : memref<8x32x128xf32, #tpu.memory_space<vmem>> -> memref<1x32x128xf32, #tpu.memory_space<vmem>>
      %gather3A_657 = tpu.memref_squeeze %gather3A_656 : memref<1x32x128xf32, #tpu.memory_space<vmem>> -> memref<32x128xf32, #tpu.memory_space<vmem>>
      %gather3A_658 = tpu.vector_load_idx %gather3A_657[%add3A_638, %broadcast_in_dim3A_635] : memref<32x128xf32, #tpu.memory_space<vmem>>[vector<16xi32>, vector<16xi32>], vector<16xf32>,
      tpu.vector_store_idx %arg11[%add3A_646], %gather3A_652 : memref<16384xf32, #tpu.memory_space<vmem>>[vector<16xi32>], vector<16xf32>,
      tpu.vector_store_idx %arg12[%add3A_646], %gather3A_658 : memref<16384xf32, #tpu.memory_space<vmem>>[vector<16xi32>], vector<16xf32>,
      %add3A_659 = arith.constant 16 : i32
      %add3A_660 = vector.broadcast %add3A_659 : i32 to vector<16xi32>
      %add3A_661 = arith.addi %add3A_660, %iota3A : vector<16xi32>
      %add3A_662 = arith.constant 16 : i32
      %add3A_663 = vector.broadcast %add3A_662 : i32 to vector<16xi32>
      %add3A_664 = arith.addi %add3A_663, %iota3A : vector<16xi32>
      %mul3A_665 = arith.constant 512 : i32
      %mul3A_666 = vector.broadcast %mul3A_665 : i32 to vector<16xi32>
      %mul3A_667 = arith.muli %add3A_664, %mul3A_666 : vector<16xi32>
      %add3A_668 = vector.broadcast %add3A_629 : i32 to vector<16xi32>
      %add3A_669 = arith.addi %mul3A_667, %add3A_668 : vector<16xi32>
      %gather3A_670 = arith.constant 2 : i32
      %gather3A_671 = arith.constant 0 : i32
      %gather3A_672 = arith.constant 0 : i32
      %gather3A_673 = tpu.memref_slice %arg9[%gather3A_670, %gather3A_671, %gather3A_672] : memref<8x32x128xf32, #tpu.memory_space<vmem>> -> memref<1x32x128xf32, #tpu.memory_space<vmem>>
      %gather3A_674 = tpu.memref_squeeze %gather3A_673 : memref<1x32x128xf32, #tpu.memory_space<vmem>> -> memref<32x128xf32, #tpu.memory_space<vmem>>
      %gather3A_675 = tpu.vector_load_idx %gather3A_674[%add3A_661, %broadcast_in_dim3A_632] : memref<32x128xf32, #tpu.memory_space<vmem>>[vector<16xi32>, vector<16xi32>], vector<16xf32>,
      %gather3A_676 = arith.constant 2 : i32
      %gather3A_677 = arith.constant 0 : i32
      %gather3A_678 = arith.constant 0 : i32
      %gather3A_679 = tpu.memref_slice %arg10[%gather3A_676, %gather3A_677, %gather3A_678] : memref<8x32x128xf32, #tpu.memory_space<vmem>> -> memref<1x32x128xf32, #tpu.memory_space<vmem>>
      %gather3A_680 = tpu.memref_squeeze %gather3A_679 : memref<1x32x128xf32, #tpu.memory_space<vmem>> -> memref<32x128xf32, #tpu.memory_space<vmem>>
      %gather3A_681 = tpu.vector_load_idx %gather3A_680[%add3A_661, %broadcast_in_dim3A_635] : memref<32x128xf32, #tpu.memory_space<vmem>>[vector<16xi32>, vector<16xi32>], vector<16xf32>,
      tpu.vector_store_idx %arg11[%add3A_669], %gather3A_675 : memref<16384xf32, #tpu.memory_space<vmem>>[vector<16xi32>], vector<16xf32>,
      tpu.vector_store_idx %arg12[%add3A_669], %gather3A_681 : memref<16384xf32, #tpu.memory_space<vmem>>[vector<16xi32>], vector<16xf32>,
      %mul3A_682 = arith.constant 16 : i32
      %mul3A_683 = arith.muli %scan3A_12, %mul3A_682 : i32
      %add3A_684 = arith.constant 0 : i32
      %add3A_685 = arith.addi %mul3A_683, %add3A_684 : i32
      %add3A_686 = arith.constant 3 : i32
      %add3A_687 = arith.addi %add3A_685, %add3A_686 : i32
      %and3A_688 = arith.constant 127 : i32
      %and3A_689 = arith.andi %squeeze3A_124, %and3A_688 : i32
      %broadcast_in_dim3A_690 = vector.broadcast %and3A_689 : i32 to vector<16xi32>
      %and3A_691 = arith.constant 127 : i32
      %and3A_692 = arith.andi %squeeze3A_126, %and3A_691 : i32
      %broadcast_in_dim3A_693 = vector.broadcast %and3A_692 : i32 to vector<16xi32>
      %add3A_694 = arith.constant 0 : i32
      %add3A_695 = vector.broadcast %add3A_694 : i32 to vector<16xi32>
      %add3A_696 = arith.addi %add3A_695, %iota3A : vector<16xi32>
      %add3A_697 = arith.constant 0 : i32
      %add3A_698 = vector.broadcast %add3A_697 : i32 to vector<16xi32>
      %add3A_699 = arith.addi %add3A_698, %iota3A : vector<16xi32>
      %mul3A_700 = arith.constant 512 : i32
      %mul3A_701 = vector.broadcast %mul3A_700 : i32 to vector<16xi32>
      %mul3A_702 = arith.muli %add3A_699, %mul3A_701 : vector<16xi32>
      %add3A_703 = vector.broadcast %add3A_687 : i32 to vector<16xi32>
      %add3A_704 = arith.addi %mul3A_702, %add3A_703 : vector<16xi32>
      %gather3A_705 = arith.constant 3 : i32
      %gather3A_706 = arith.constant 0 : i32
      %gather3A_707 = arith.constant 0 : i32
      %gather3A_708 = tpu.memref_slice %arg9[%gather3A_705, %gather3A_706, %gather3A_707] : memref<8x32x128xf32, #tpu.memory_space<vmem>> -> memref<1x32x128xf32, #tpu.memory_space<vmem>>
      %gather3A_709 = tpu.memref_squeeze %gather3A_708 : memref<1x32x128xf32, #tpu.memory_space<vmem>> -> memref<32x128xf32, #tpu.memory_space<vmem>>
      %gather3A_710 = tpu.vector_load_idx %gather3A_709[%add3A_696, %broadcast_in_dim3A_690] : memref<32x128xf32, #tpu.memory_space<vmem>>[vector<16xi32>, vector<16xi32>], vector<16xf32>,
      %gather3A_711 = arith.constant 3 : i32
      %gather3A_712 = arith.constant 0 : i32
      %gather3A_713 = arith.constant 0 : i32
      %gather3A_714 = tpu.memref_slice %arg10[%gather3A_711, %gather3A_712, %gather3A_713] : memref<8x32x128xf32, #tpu.memory_space<vmem>> -> memref<1x32x128xf32, #tpu.memory_space<vmem>>
      %gather3A_715 = tpu.memref_squeeze %gather3A_714 : memref<1x32x128xf32, #tpu.memory_space<vmem>> -> memref<32x128xf32, #tpu.memory_space<vmem>>
      %gather3A_716 = tpu.vector_load_idx %gather3A_715[%add3A_696, %broadcast_in_dim3A_693] : memref<32x128xf32, #tpu.memory_space<vmem>>[vector<16xi32>, vector<16xi32>], vector<16xf32>,
      tpu.vector_store_idx %arg11[%add3A_704], %gather3A_710 : memref<16384xf32, #tpu.memory_space<vmem>>[vector<16xi32>], vector<16xf32>,
      tpu.vector_store_idx %arg12[%add3A_704], %gather3A_716 : memref<16384xf32, #tpu.memory_space<vmem>>[vector<16xi32>], vector<16xf32>,
      %add3A_717 = arith.constant 16 : i32
      %add3A_718 = vector.broadcast %add3A_717 : i32 to vector<16xi32>
      %add3A_719 = arith.addi %add3A_718, %iota3A : vector<16xi32>
      %add3A_720 = arith.constant 16 : i32
      %add3A_721 = vector.broadcast %add3A_720 : i32 to vector<16xi32>
      %add3A_722 = arith.addi %add3A_721, %iota3A : vector<16xi32>
      %mul3A_723 = arith.constant 512 : i32
      %mul3A_724 = vector.broadcast %mul3A_723 : i32 to vector<16xi32>
      %mul3A_725 = arith.muli %add3A_722, %mul3A_724 : vector<16xi32>
      %add3A_726 = vector.broadcast %add3A_687 : i32 to vector<16xi32>
      %add3A_727 = arith.addi %mul3A_725, %add3A_726 : vector<16xi32>
      %gather3A_728 = arith.constant 3 : i32
      %gather3A_729 = arith.constant 0 : i32
      %gather3A_730 = arith.constant 0 : i32
      %gather3A_731 = tpu.memref_slice %arg9[%gather3A_728, %gather3A_729, %gather3A_730] : memref<8x32x128xf32, #tpu.memory_space<vmem>> -> memref<1x32x128xf32, #tpu.memory_space<vmem>>
      %gather3A_732 = tpu.memref_squeeze %gather3A_731 : memref<1x32x128xf32, #tpu.memory_space<vmem>> -> memref<32x128xf32, #tpu.memory_space<vmem>>
      %gather3A_733 = tpu.vector_load_idx %gather3A_732[%add3A_719, %broadcast_in_dim3A_690] : memref<32x128xf32, #tpu.memory_space<vmem>>[vector<16xi32>, vector<16xi32>], vector<16xf32>,
      %gather3A_734 = arith.constant 3 : i32
      %gather3A_735 = arith.constant 0 : i32
      %gather3A_736 = arith.constant 0 : i32
      %gather3A_737 = tpu.memref_slice %arg10[%gather3A_734, %gather3A_735, %gather3A_736] : memref<8x32x128xf32, #tpu.memory_space<vmem>> -> memref<1x32x128xf32, #tpu.memory_space<vmem>>
      %gather3A_738 = tpu.memref_squeeze %gather3A_737 : memref<1x32x128xf32, #tpu.memory_space<vmem>> -> memref<32x128xf32, #tpu.memory_space<vmem>>
      %gather3A_739 = tpu.vector_load_idx %gather3A_738[%add3A_719, %broadcast_in_dim3A_693] : memref<32x128xf32, #tpu.memory_space<vmem>>[vector<16xi32>, vector<16xi32>], vector<16xf32>,
      tpu.vector_store_idx %arg11[%add3A_727], %gather3A_733 : memref<16384xf32, #tpu.memory_space<vmem>>[vector<16xi32>], vector<16xf32>,
      tpu.vector_store_idx %arg12[%add3A_727], %gather3A_739 : memref<16384xf32, #tpu.memory_space<vmem>>[vector<16xi32>], vector<16xf32>,
      %mul3A_740 = arith.constant 16 : i32
      %mul3A_741 = arith.muli %scan3A_12, %mul3A_740 : i32
      %add3A_742 = arith.constant 0 : i32
      %add3A_743 = arith.addi %mul3A_741, %add3A_742 : i32
      %add3A_744 = arith.constant 4 : i32
      %add3A_745 = arith.addi %add3A_743, %add3A_744 : i32
      %and3A_746 = arith.constant 127 : i32
      %and3A_747 = arith.andi %squeeze3A_160, %and3A_746 : i32
      %broadcast_in_dim3A_748 = vector.broadcast %and3A_747 : i32 to vector<16xi32>
      %and3A_749 = arith.constant 127 : i32
      %and3A_750 = arith.andi %squeeze3A_162, %and3A_749 : i32
      %broadcast_in_dim3A_751 = vector.broadcast %and3A_750 : i32 to vector<16xi32>
      %add3A_752 = arith.constant 0 : i32
      %add3A_753 = vector.broadcast %add3A_752 : i32 to vector<16xi32>
      %add3A_754 = arith.addi %add3A_753, %iota3A : vector<16xi32>
      %add3A_755 = arith.constant 0 : i32
      %add3A_756 = vector.broadcast %add3A_755 : i32 to vector<16xi32>
      %add3A_757 = arith.addi %add3A_756, %iota3A : vector<16xi32>
      %mul3A_758 = arith.constant 512 : i32
      %mul3A_759 = vector.broadcast %mul3A_758 : i32 to vector<16xi32>
      %mul3A_760 = arith.muli %add3A_757, %mul3A_759 : vector<16xi32>
      %add3A_761 = vector.broadcast %add3A_745 : i32 to vector<16xi32>
      %add3A_762 = arith.addi %mul3A_760, %add3A_761 : vector<16xi32>
      %gather3A_763 = arith.constant 4 : i32
      %gather3A_764 = arith.constant 0 : i32
      %gather3A_765 = arith.constant 0 : i32
      %gather3A_766 = tpu.memref_slice %arg9[%gather3A_763, %gather3A_764, %gather3A_765] : memref<8x32x128xf32, #tpu.memory_space<vmem>> -> memref<1x32x128xf32, #tpu.memory_space<vmem>>
      %gather3A_767 = tpu.memref_squeeze %gather3A_766 : memref<1x32x128xf32, #tpu.memory_space<vmem>> -> memref<32x128xf32, #tpu.memory_space<vmem>>
      %gather3A_768 = tpu.vector_load_idx %gather3A_767[%add3A_754, %broadcast_in_dim3A_748] : memref<32x128xf32, #tpu.memory_space<vmem>>[vector<16xi32>, vector<16xi32>], vector<16xf32>,
      %gather3A_769 = arith.constant 4 : i32
      %gather3A_770 = arith.constant 0 : i32
      %gather3A_771 = arith.constant 0 : i32
      %gather3A_772 = tpu.memref_slice %arg10[%gather3A_769, %gather3A_770, %gather3A_771] : memref<8x32x128xf32, #tpu.memory_space<vmem>> -> memref<1x32x128xf32, #tpu.memory_space<vmem>>
      %gather3A_773 = tpu.memref_squeeze %gather3A_772 : memref<1x32x128xf32, #tpu.memory_space<vmem>> -> memref<32x128xf32, #tpu.memory_space<vmem>>
      %gather3A_774 = tpu.vector_load_idx %gather3A_773[%add3A_754, %broadcast_in_dim3A_751] : memref<32x128xf32, #tpu.memory_space<vmem>>[vector<16xi32>, vector<16xi32>], vector<16xf32>,
      tpu.vector_store_idx %arg11[%add3A_762], %gather3A_768 : memref<16384xf32, #tpu.memory_space<vmem>>[vector<16xi32>], vector<16xf32>,
      tpu.vector_store_idx %arg12[%add3A_762], %gather3A_774 : memref<16384xf32, #tpu.memory_space<vmem>>[vector<16xi32>], vector<16xf32>,
      %add3A_775 = arith.constant 16 : i32
      %add3A_776 = vector.broadcast %add3A_775 : i32 to vector<16xi32>
      %add3A_777 = arith.addi %add3A_776, %iota3A : vector<16xi32>
      %add3A_778 = arith.constant 16 : i32
      %add3A_779 = vector.broadcast %add3A_778 : i32 to vector<16xi32>
      %add3A_780 = arith.addi %add3A_779, %iota3A : vector<16xi32>
      %mul3A_781 = arith.constant 512 : i32
      %mul3A_782 = vector.broadcast %mul3A_781 : i32 to vector<16xi32>
      %mul3A_783 = arith.muli %add3A_780, %mul3A_782 : vector<16xi32>
      %add3A_784 = vector.broadcast %add3A_745 : i32 to vector<16xi32>
      %add3A_785 = arith.addi %mul3A_783, %add3A_784 : vector<16xi32>
      %gather3A_786 = arith.constant 4 : i32
      %gather3A_787 = arith.constant 0 : i32
      %gather3A_788 = arith.constant 0 : i32
      %gather3A_789 = tpu.memref_slice %arg9[%gather3A_786, %gather3A_787, %gather3A_788] : memref<8x32x128xf32, #tpu.memory_space<vmem>> -> memref<1x32x128xf32, #tpu.memory_space<vmem>>
      %gather3A_790 = tpu.memref_squeeze %gather3A_789 : memref<1x32x128xf32, #tpu.memory_space<vmem>> -> memref<32x128xf32, #tpu.memory_space<vmem>>
      %gather3A_791 = tpu.vector_load_idx %gather3A_790[%add3A_777, %broadcast_in_dim3A_748] : memref<32x128xf32, #tpu.memory_space<vmem>>[vector<16xi32>, vector<16xi32>], vector<16xf32>,
      %gather3A_792 = arith.constant 4 : i32
      %gather3A_793 = arith.constant 0 : i32
      %gather3A_794 = arith.constant 0 : i32
      %gather3A_795 = tpu.memref_slice %arg10[%gather3A_792, %gather3A_793, %gather3A_794] : memref<8x32x128xf32, #tpu.memory_space<vmem>> -> memref<1x32x128xf32, #tpu.memory_space<vmem>>
      %gather3A_796 = tpu.memref_squeeze %gather3A_795 : memref<1x32x128xf32, #tpu.memory_space<vmem>> -> memref<32x128xf32, #tpu.memory_space<vmem>>
      %gather3A_797 = tpu.vector_load_idx %gather3A_796[%add3A_777, %broadcast_in_dim3A_751] : memref<32x128xf32, #tpu.memory_space<vmem>>[vector<16xi32>, vector<16xi32>], vector<16xf32>,
      tpu.vector_store_idx %arg11[%add3A_785], %gather3A_791 : memref<16384xf32, #tpu.memory_space<vmem>>[vector<16xi32>], vector<16xf32>,
      tpu.vector_store_idx %arg12[%add3A_785], %gather3A_797 : memref<16384xf32, #tpu.memory_space<vmem>>[vector<16xi32>], vector<16xf32>,
      %mul3A_798 = arith.constant 16 : i32
      %mul3A_799 = arith.muli %scan3A_12, %mul3A_798 : i32
      %add3A_800 = arith.constant 0 : i32
      %add3A_801 = arith.addi %mul3A_799, %add3A_800 : i32
      %add3A_802 = arith.constant 5 : i32
      %add3A_803 = arith.addi %add3A_801, %add3A_802 : i32
      %and3A_804 = arith.constant 127 : i32
      %and3A_805 = arith.andi %squeeze3A_196, %and3A_804 : i32
      %broadcast_in_dim3A_806 = vector.broadcast %and3A_805 : i32 to vector<16xi32>
      %and3A_807 = arith.constant 127 : i32
      %and3A_808 = arith.andi %squeeze3A_198, %and3A_807 : i32
      %broadcast_in_dim3A_809 = vector.broadcast %and3A_808 : i32 to vector<16xi32>
      %add3A_810 = arith.constant 0 : i32
      %add3A_811 = vector.broadcast %add3A_810 : i32 to vector<16xi32>
      %add3A_812 = arith.addi %add3A_811, %iota3A : vector<16xi32>
      %add3A_813 = arith.constant 0 : i32
      %add3A_814 = vector.broadcast %add3A_813 : i32 to vector<16xi32>
      %add3A_815 = arith.addi %add3A_814, %iota3A : vector<16xi32>
      %mul3A_816 = arith.constant 512 : i32
      %mul3A_817 = vector.broadcast %mul3A_816 : i32 to vector<16xi32>
      %mul3A_818 = arith.muli %add3A_815, %mul3A_817 : vector<16xi32>
      %add3A_819 = vector.broadcast %add3A_803 : i32 to vector<16xi32>
      %add3A_820 = arith.addi %mul3A_818, %add3A_819 : vector<16xi32>
      %gather3A_821 = arith.constant 5 : i32
      %gather3A_822 = arith.constant 0 : i32
      %gather3A_823 = arith.constant 0 : i32
      %gather3A_824 = tpu.memref_slice %arg9[%gather3A_821, %gather3A_822, %gather3A_823] : memref<8x32x128xf32, #tpu.memory_space<vmem>> -> memref<1x32x128xf32, #tpu.memory_space<vmem>>
      %gather3A_825 = tpu.memref_squeeze %gather3A_824 : memref<1x32x128xf32, #tpu.memory_space<vmem>> -> memref<32x128xf32, #tpu.memory_space<vmem>>
      %gather3A_826 = tpu.vector_load_idx %gather3A_825[%add3A_812, %broadcast_in_dim3A_806] : memref<32x128xf32, #tpu.memory_space<vmem>>[vector<16xi32>, vector<16xi32>], vector<16xf32>,
      %gather3A_827 = arith.constant 5 : i32
      %gather3A_828 = arith.constant 0 : i32
      %gather3A_829 = arith.constant 0 : i32
      %gather3A_830 = tpu.memref_slice %arg10[%gather3A_827, %gather3A_828, %gather3A_829] : memref<8x32x128xf32, #tpu.memory_space<vmem>> -> memref<1x32x128xf32, #tpu.memory_space<vmem>>
      %gather3A_831 = tpu.memref_squeeze %gather3A_830 : memref<1x32x128xf32, #tpu.memory_space<vmem>> -> memref<32x128xf32, #tpu.memory_space<vmem>>
      %gather3A_832 = tpu.vector_load_idx %gather3A_831[%add3A_812, %broadcast_in_dim3A_809] : memref<32x128xf32, #tpu.memory_space<vmem>>[vector<16xi32>, vector<16xi32>], vector<16xf32>,
      tpu.vector_store_idx %arg11[%add3A_820], %gather3A_826 : memref<16384xf32, #tpu.memory_space<vmem>>[vector<16xi32>], vector<16xf32>,
      tpu.vector_store_idx %arg12[%add3A_820], %gather3A_832 : memref<16384xf32, #tpu.memory_space<vmem>>[vector<16xi32>], vector<16xf32>,
      %add3A_833 = arith.constant 16 : i32
      %add3A_834 = vector.broadcast %add3A_833 : i32 to vector<16xi32>
      %add3A_835 = arith.addi %add3A_834, %iota3A : vector<16xi32>
      %add3A_836 = arith.constant 16 : i32
      %add3A_837 = vector.broadcast %add3A_836 : i32 to vector<16xi32>
      %add3A_838 = arith.addi %add3A_837, %iota3A : vector<16xi32>
      %mul3A_839 = arith.constant 512 : i32
      %mul3A_840 = vector.broadcast %mul3A_839 : i32 to vector<16xi32>
      %mul3A_841 = arith.muli %add3A_838, %mul3A_840 : vector<16xi32>
      %add3A_842 = vector.broadcast %add3A_803 : i32 to vector<16xi32>
      %add3A_843 = arith.addi %mul3A_841, %add3A_842 : vector<16xi32>
      %gather3A_844 = arith.constant 5 : i32
      %gather3A_845 = arith.constant 0 : i32
      %gather3A_846 = arith.constant 0 : i32
      %gather3A_847 = tpu.memref_slice %arg9[%gather3A_844, %gather3A_845, %gather3A_846] : memref<8x32x128xf32, #tpu.memory_space<vmem>> -> memref<1x32x128xf32, #tpu.memory_space<vmem>>
      %gather3A_848 = tpu.memref_squeeze %gather3A_847 : memref<1x32x128xf32, #tpu.memory_space<vmem>> -> memref<32x128xf32, #tpu.memory_space<vmem>>
      %gather3A_849 = tpu.vector_load_idx %gather3A_848[%add3A_835, %broadcast_in_dim3A_806] : memref<32x128xf32, #tpu.memory_space<vmem>>[vector<16xi32>, vector<16xi32>], vector<16xf32>,
      %gather3A_850 = arith.constant 5 : i32
      %gather3A_851 = arith.constant 0 : i32
      %gather3A_852 = arith.constant 0 : i32
      %gather3A_853 = tpu.memref_slice %arg10[%gather3A_850, %gather3A_851, %gather3A_852] : memref<8x32x128xf32, #tpu.memory_space<vmem>> -> memref<1x32x128xf32, #tpu.memory_space<vmem>>
      %gather3A_854 = tpu.memref_squeeze %gather3A_853 : memref<1x32x128xf32, #tpu.memory_space<vmem>> -> memref<32x128xf32, #tpu.memory_space<vmem>>
      %gather3A_855 = tpu.vector_load_idx %gather3A_854[%add3A_835, %broadcast_in_dim3A_809] : memref<32x128xf32, #tpu.memory_space<vmem>>[vector<16xi32>, vector<16xi32>], vector<16xf32>,
      tpu.vector_store_idx %arg11[%add3A_843], %gather3A_849 : memref<16384xf32, #tpu.memory_space<vmem>>[vector<16xi32>], vector<16xf32>,
      tpu.vector_store_idx %arg12[%add3A_843], %gather3A_855 : memref<16384xf32, #tpu.memory_space<vmem>>[vector<16xi32>], vector<16xf32>,
      %mul3A_856 = arith.constant 16 : i32
      %mul3A_857 = arith.muli %scan3A_12, %mul3A_856 : i32
      %add3A_858 = arith.constant 0 : i32
      %add3A_859 = arith.addi %mul3A_857, %add3A_858 : i32
      %add3A_860 = arith.constant 6 : i32
      %add3A_861 = arith.addi %add3A_859, %add3A_860 : i32
      %and3A_862 = arith.constant 127 : i32
      %and3A_863 = arith.andi %squeeze3A_232, %and3A_862 : i32
      %broadcast_in_dim3A_864 = vector.broadcast %and3A_863 : i32 to vector<16xi32>
      %and3A_865 = arith.constant 127 : i32
      %and3A_866 = arith.andi %squeeze3A_234, %and3A_865 : i32
      %broadcast_in_dim3A_867 = vector.broadcast %and3A_866 : i32 to vector<16xi32>
      %add3A_868 = arith.constant 0 : i32
      %add3A_869 = vector.broadcast %add3A_868 : i32 to vector<16xi32>
      %add3A_870 = arith.addi %add3A_869, %iota3A : vector<16xi32>
      %add3A_871 = arith.constant 0 : i32
      %add3A_872 = vector.broadcast %add3A_871 : i32 to vector<16xi32>
      %add3A_873 = arith.addi %add3A_872, %iota3A : vector<16xi32>
      %mul3A_874 = arith.constant 512 : i32
      %mul3A_875 = vector.broadcast %mul3A_874 : i32 to vector<16xi32>
      %mul3A_876 = arith.muli %add3A_873, %mul3A_875 : vector<16xi32>
      %add3A_877 = vector.broadcast %add3A_861 : i32 to vector<16xi32>
      %add3A_878 = arith.addi %mul3A_876, %add3A_877 : vector<16xi32>
      %gather3A_879 = arith.constant 6 : i32
      %gather3A_880 = arith.constant 0 : i32
      %gather3A_881 = arith.constant 0 : i32
      %gather3A_882 = tpu.memref_slice %arg9[%gather3A_879, %gather3A_880, %gather3A_881] : memref<8x32x128xf32, #tpu.memory_space<vmem>> -> memref<1x32x128xf32, #tpu.memory_space<vmem>>
      %gather3A_883 = tpu.memref_squeeze %gather3A_882 : memref<1x32x128xf32, #tpu.memory_space<vmem>> -> memref<32x128xf32, #tpu.memory_space<vmem>>
      %gather3A_884 = tpu.vector_load_idx %gather3A_883[%add3A_870, %broadcast_in_dim3A_864] : memref<32x128xf32, #tpu.memory_space<vmem>>[vector<16xi32>, vector<16xi32>], vector<16xf32>,
      %gather3A_885 = arith.constant 6 : i32
      %gather3A_886 = arith.constant 0 : i32
      %gather3A_887 = arith.constant 0 : i32
      %gather3A_888 = tpu.memref_slice %arg10[%gather3A_885, %gather3A_886, %gather3A_887] : memref<8x32x128xf32, #tpu.memory_space<vmem>> -> memref<1x32x128xf32, #tpu.memory_space<vmem>>
      %gather3A_889 = tpu.memref_squeeze %gather3A_888 : memref<1x32x128xf32, #tpu.memory_space<vmem>> -> memref<32x128xf32, #tpu.memory_space<vmem>>
      %gather3A_890 = tpu.vector_load_idx %gather3A_889[%add3A_870, %broadcast_in_dim3A_867] : memref<32x128xf32, #tpu.memory_space<vmem>>[vector<16xi32>, vector<16xi32>], vector<16xf32>,
      tpu.vector_store_idx %arg11[%add3A_878], %gather3A_884 : memref<16384xf32, #tpu.memory_space<vmem>>[vector<16xi32>], vector<16xf32>,
      tpu.vector_store_idx %arg12[%add3A_878], %gather3A_890 : memref<16384xf32, #tpu.memory_space<vmem>>[vector<16xi32>], vector<16xf32>,
      %add3A_891 = arith.constant 16 : i32
      %add3A_892 = vector.broadcast %add3A_891 : i32 to vector<16xi32>
      %add3A_893 = arith.addi %add3A_892, %iota3A : vector<16xi32>
      %add3A_894 = arith.constant 16 : i32
      %add3A_895 = vector.broadcast %add3A_894 : i32 to vector<16xi32>
      %add3A_896 = arith.addi %add3A_895, %iota3A : vector<16xi32>
      %mul3A_897 = arith.constant 512 : i32
      %mul3A_898 = vector.broadcast %mul3A_897 : i32 to vector<16xi32>
      %mul3A_899 = arith.muli %add3A_896, %mul3A_898 : vector<16xi32>
      %add3A_900 = vector.broadcast %add3A_861 : i32 to vector<16xi32>
      %add3A_901 = arith.addi %mul3A_899, %add3A_900 : vector<16xi32>
      %gather3A_902 = arith.constant 6 : i32
      %gather3A_903 = arith.constant 0 : i32
      %gather3A_904 = arith.constant 0 : i32
      %gather3A_905 = tpu.memref_slice %arg9[%gather3A_902, %gather3A_903, %gather3A_904] : memref<8x32x128xf32, #tpu.memory_space<vmem>> -> memref<1x32x128xf32, #tpu.memory_space<vmem>>
      %gather3A_906 = tpu.memref_squeeze %gather3A_905 : memref<1x32x128xf32, #tpu.memory_space<vmem>> -> memref<32x128xf32, #tpu.memory_space<vmem>>
      %gather3A_907 = tpu.vector_load_idx %gather3A_906[%add3A_893, %broadcast_in_dim3A_864] : memref<32x128xf32, #tpu.memory_space<vmem>>[vector<16xi32>, vector<16xi32>], vector<16xf32>,
      %gather3A_908 = arith.constant 6 : i32
      %gather3A_909 = arith.constant 0 : i32
      %gather3A_910 = arith.constant 0 : i32
      %gather3A_911 = tpu.memref_slice %arg10[%gather3A_908, %gather3A_909, %gather3A_910] : memref<8x32x128xf32, #tpu.memory_space<vmem>> -> memref<1x32x128xf32, #tpu.memory_space<vmem>>
      %gather3A_912 = tpu.memref_squeeze %gather3A_911 : memref<1x32x128xf32, #tpu.memory_space<vmem>> -> memref<32x128xf32, #tpu.memory_space<vmem>>
      %gather3A_913 = tpu.vector_load_idx %gather3A_912[%add3A_893, %broadcast_in_dim3A_867] : memref<32x128xf32, #tpu.memory_space<vmem>>[vector<16xi32>, vector<16xi32>], vector<16xf32>,
      tpu.vector_store_idx %arg11[%add3A_901], %gather3A_907 : memref<16384xf32, #tpu.memory_space<vmem>>[vector<16xi32>], vector<16xf32>,
      tpu.vector_store_idx %arg12[%add3A_901], %gather3A_913 : memref<16384xf32, #tpu.memory_space<vmem>>[vector<16xi32>], vector<16xf32>,
      %mul3A_914 = arith.constant 16 : i32
      %mul3A_915 = arith.muli %scan3A_12, %mul3A_914 : i32
      %add3A_916 = arith.constant 0 : i32
      %add3A_917 = arith.addi %mul3A_915, %add3A_916 : i32
      %add3A_918 = arith.constant 7 : i32
      %add3A_919 = arith.addi %add3A_917, %add3A_918 : i32
      %and3A_920 = arith.constant 127 : i32
      %and3A_921 = arith.andi %squeeze3A_268, %and3A_920 : i32
      %broadcast_in_dim3A_922 = vector.broadcast %and3A_921 : i32 to vector<16xi32>
      %and3A_923 = arith.constant 127 : i32
      %and3A_924 = arith.andi %squeeze3A_270, %and3A_923 : i32
      %broadcast_in_dim3A_925 = vector.broadcast %and3A_924 : i32 to vector<16xi32>
      %add3A_926 = arith.constant 0 : i32
      %add3A_927 = vector.broadcast %add3A_926 : i32 to vector<16xi32>
      %add3A_928 = arith.addi %add3A_927, %iota3A : vector<16xi32>
      %add3A_929 = arith.constant 0 : i32
      %add3A_930 = vector.broadcast %add3A_929 : i32 to vector<16xi32>
      %add3A_931 = arith.addi %add3A_930, %iota3A : vector<16xi32>
      %mul3A_932 = arith.constant 512 : i32
      %mul3A_933 = vector.broadcast %mul3A_932 : i32 to vector<16xi32>
      %mul3A_934 = arith.muli %add3A_931, %mul3A_933 : vector<16xi32>
      %add3A_935 = vector.broadcast %add3A_919 : i32 to vector<16xi32>
      %add3A_936 = arith.addi %mul3A_934, %add3A_935 : vector<16xi32>
      %gather3A_937 = arith.constant 7 : i32
      %gather3A_938 = arith.constant 0 : i32
      %gather3A_939 = arith.constant 0 : i32
      %gather3A_940 = tpu.memref_slice %arg9[%gather3A_937, %gather3A_938, %gather3A_939] : memref<8x32x128xf32, #tpu.memory_space<vmem>> -> memref<1x32x128xf32, #tpu.memory_space<vmem>>
      %gather3A_941 = tpu.memref_squeeze %gather3A_940 : memref<1x32x128xf32, #tpu.memory_space<vmem>> -> memref<32x128xf32, #tpu.memory_space<vmem>>
      %gather3A_942 = tpu.vector_load_idx %gather3A_941[%add3A_928, %broadcast_in_dim3A_922] : memref<32x128xf32, #tpu.memory_space<vmem>>[vector<16xi32>, vector<16xi32>], vector<16xf32>,
      %gather3A_943 = arith.constant 7 : i32
      %gather3A_944 = arith.constant 0 : i32
      %gather3A_945 = arith.constant 0 : i32
      %gather3A_946 = tpu.memref_slice %arg10[%gather3A_943, %gather3A_944, %gather3A_945] : memref<8x32x128xf32, #tpu.memory_space<vmem>> -> memref<1x32x128xf32, #tpu.memory_space<vmem>>
      %gather3A_947 = tpu.memref_squeeze %gather3A_946 : memref<1x32x128xf32, #tpu.memory_space<vmem>> -> memref<32x128xf32, #tpu.memory_space<vmem>>
      %gather3A_948 = tpu.vector_load_idx %gather3A_947[%add3A_928, %broadcast_in_dim3A_925] : memref<32x128xf32, #tpu.memory_space<vmem>>[vector<16xi32>, vector<16xi32>], vector<16xf32>,
      tpu.vector_store_idx %arg11[%add3A_936], %gather3A_942 : memref<16384xf32, #tpu.memory_space<vmem>>[vector<16xi32>], vector<16xf32>,
      tpu.vector_store_idx %arg12[%add3A_936], %gather3A_948 : memref<16384xf32, #tpu.memory_space<vmem>>[vector<16xi32>], vector<16xf32>,
      %add3A_949 = arith.constant 16 : i32
      %add3A_950 = vector.broadcast %add3A_949 : i32 to vector<16xi32>
      %add3A_951 = arith.addi %add3A_950, %iota3A : vector<16xi32>
      %add3A_952 = arith.constant 16 : i32
      %add3A_953 = vector.broadcast %add3A_952 : i32 to vector<16xi32>
      %add3A_954 = arith.addi %add3A_953, %iota3A : vector<16xi32>
      %mul3A_955 = arith.constant 512 : i32
      %mul3A_956 = vector.broadcast %mul3A_955 : i32 to vector<16xi32>
      %mul3A_957 = arith.muli %add3A_954, %mul3A_956 : vector<16xi32>
      %add3A_958 = vector.broadcast %add3A_919 : i32 to vector<16xi32>
      %add3A_959 = arith.addi %mul3A_957, %add3A_958 : vector<16xi32>
      %gather3A_960 = arith.constant 7 : i32
      %gather3A_961 = arith.constant 0 : i32
      %gather3A_962 = arith.constant 0 : i32
      %gather3A_963 = tpu.memref_slice %arg9[%gather3A_960, %gather3A_961, %gather3A_962] : memref<8x32x128xf32, #tpu.memory_space<vmem>> -> memref<1x32x128xf32, #tpu.memory_space<vmem>>
      %gather3A_964 = tpu.memref_squeeze %gather3A_963 : memref<1x32x128xf32, #tpu.memory_space<vmem>> -> memref<32x128xf32, #tpu.memory_space<vmem>>
      %gather3A_965 = tpu.vector_load_idx %gather3A_964[%add3A_951, %broadcast_in_dim3A_922] : memref<32x128xf32, #tpu.memory_space<vmem>>[vector<16xi32>, vector<16xi32>], vector<16xf32>,
      %gather3A_966 = arith.constant 7 : i32
      %gather3A_967 = arith.constant 0 : i32
      %gather3A_968 = arith.constant 0 : i32
      %gather3A_969 = tpu.memref_slice %arg10[%gather3A_966, %gather3A_967, %gather3A_968] : memref<8x32x128xf32, #tpu.memory_space<vmem>> -> memref<1x32x128xf32, #tpu.memory_space<vmem>>
      %gather3A_970 = tpu.memref_squeeze %gather3A_969 : memref<1x32x128xf32, #tpu.memory_space<vmem>> -> memref<32x128xf32, #tpu.memory_space<vmem>>
      %gather3A_971 = tpu.vector_load_idx %gather3A_970[%add3A_951, %broadcast_in_dim3A_925] : memref<32x128xf32, #tpu.memory_space<vmem>>[vector<16xi32>, vector<16xi32>], vector<16xf32>,
      tpu.vector_store_idx %arg11[%add3A_959], %gather3A_965 : memref<16384xf32, #tpu.memory_space<vmem>>[vector<16xi32>], vector<16xf32>,
      tpu.vector_store_idx %arg12[%add3A_959], %gather3A_971 : memref<16384xf32, #tpu.memory_space<vmem>>[vector<16xi32>], vector<16xf32>,
      %slice3A_972 = vector.extract_strided_slice %get3A_15 {offsets = [8], sizes = [1], strides = [1]} : vector<16xi32> to vector<1xi32>
      %squeeze3A_973 = vector.extract %slice3A_972[0] : i32 from vector<1xi32>
      %slice3A_974 = vector.extract_strided_slice %get3A_19 {offsets = [8], sizes = [1], strides = [1]} : vector<16xi32> to vector<1xi32>
      %squeeze3A_975 = vector.extract %slice3A_974[0] : i32 from vector<1xi32>
      %and3A_976 = arith.constant -128 : i32
      %and3A_977 = arith.andi %squeeze3A_973, %and3A_976 : i32
      %multiple_of3A_978 = tpu.assume_multiple %and3A_977, 128 : i32
      %and3A_979 = arith.constant -128 : i32
      %and3A_980 = arith.andi %squeeze3A_975, %and3A_979 : i32
      %multiple_of3A_981 = tpu.assume_multiple %and3A_980, 128 : i32
      %dma_start3A_982 = arith.constant 0 : i32
      %dma_start3A_983 = arith.constant 0 : i32
      %dma_start3A_984 = arith.constant 0 : i32
      %dma_start3A_985 = tpu.memref_slice %arg9[%dma_start3A_982, %dma_start3A_983, %dma_start3A_984] : memref<8x32x128xf32, #tpu.memory_space<vmem>> -> memref<1x32x128xf32, #tpu.memory_space<vmem>>
      %dma_start3A_986 = tpu.memref_squeeze %dma_start3A_985 : memref<1x32x128xf32, #tpu.memory_space<vmem>> -> memref<32x128xf32, #tpu.memory_space<vmem>>
      %dma_start3A_987 = arith.constant 0 : i32
      %dma_start3A_988 = tpu.memref_slice %arg2[%dma_start3A_987, %multiple_of3A_978] : memref<32x1000000xf32, #tpu.memory_space<hbm>> -> memref<32x128xf32, #tpu.memory_space<hbm>>
      %dma_start3A_989 = arith.constant 0 : i32
      %dma_start3A_990 = arith.constant 0 : i32
      %dma_start3A_991 = tpu.memref_slice %arg9[%dma_start3A_982, %dma_start3A_989, %dma_start3A_990] : memref<8x32x128xf32, #tpu.memory_space<vmem>> -> memref<1x32x128xf32, #tpu.memory_space<vmem>>
      %dma_start3A_992 = tpu.memref_squeeze %dma_start3A_991 : memref<1x32x128xf32, #tpu.memory_space<vmem>> -> memref<32x128xf32, #tpu.memory_space<vmem>>
      %dma_start3A_993 = arith.constant 0 : i32
      %dma_start3A_994 = tpu.memref_slice %arg2[%dma_start3A_993, %multiple_of3A_978] : memref<32x1000000xf32, #tpu.memory_space<hbm>> -> memref<32x128xf32, #tpu.memory_space<hbm>>
      tpu.enqueue_dma source(%dma_start3A_994 : memref<32x128xf32, #tpu.memory_space<hbm>>) target(%dma_start3A_992 : memref<32x128xf32, #tpu.memory_space<vmem>>) target_semaphore(%arg14 : memref<!tpu.dma_semaphore, #tpu.memory_space<semaphore_mem>>)
      %dma_start3A_995 = arith.constant 0 : i32
      %dma_start3A_996 = arith.constant 0 : i32
      %dma_start3A_997 = arith.constant 0 : i32
      %dma_start3A_998 = tpu.memref_slice %arg10[%dma_start3A_995, %dma_start3A_996, %dma_start3A_997] : memref<8x32x128xf32, #tpu.memory_space<vmem>> -> memref<1x32x128xf32, #tpu.memory_space<vmem>>
      %dma_start3A_999 = tpu.memref_squeeze %dma_start3A_998 : memref<1x32x128xf32, #tpu.memory_space<vmem>> -> memref<32x128xf32, #tpu.memory_space<vmem>>
      %dma_start3A_1000 = arith.constant 0 : i32
      %dma_start3A_1001 = tpu.memref_slice %arg3[%dma_start3A_1000, %multiple_of3A_981] : memref<32x1000000xf32, #tpu.memory_space<hbm>> -> memref<32x128xf32, #tpu.memory_space<hbm>>
      %dma_start3A_1002 = arith.constant 0 : i32
      %dma_start3A_1003 = arith.constant 0 : i32
      %dma_start3A_1004 = tpu.memref_slice %arg10[%dma_start3A_995, %dma_start3A_1002, %dma_start3A_1003] : memref<8x32x128xf32, #tpu.memory_space<vmem>> -> memref<1x32x128xf32, #tpu.memory_space<vmem>>
      %dma_start3A_1005 = tpu.memref_squeeze %dma_start3A_1004 : memref<1x32x128xf32, #tpu.memory_space<vmem>> -> memref<32x128xf32, #tpu.memory_space<vmem>>
      %dma_start3A_1006 = arith.constant 0 : i32
      %dma_start3A_1007 = tpu.memref_slice %arg3[%dma_start3A_1006, %multiple_of3A_981] : memref<32x1000000xf32, #tpu.memory_space<hbm>> -> memref<32x128xf32, #tpu.memory_space<hbm>>
      tpu.enqueue_dma source(%dma_start3A_1007 : memref<32x128xf32, #tpu.memory_space<hbm>>) target(%dma_start3A_1005 : memref<32x128xf32, #tpu.memory_space<vmem>>) target_semaphore(%arg15 : memref<!tpu.dma_semaphore, #tpu.memory_space<semaphore_mem>>)
      %slice3A_1008 = vector.extract_strided_slice %get3A_15 {offsets = [9], sizes = [1], strides = [1]} : vector<16xi32> to vector<1xi32>
      %squeeze3A_1009 = vector.extract %slice3A_1008[0] : i32 from vector<1xi32>
      %slice3A_1010 = vector.extract_strided_slice %get3A_19 {offsets = [9], sizes = [1], strides = [1]} : vector<16xi32> to vector<1xi32>
      %squeeze3A_1011 = vector.extract %slice3A_1010[0] : i32 from vector<1xi32>
      %and3A_1012 = arith.constant -128 : i32
      %and3A_1013 = arith.andi %squeeze3A_1009, %and3A_1012 : i32
      %multiple_of3A_1014 = tpu.assume_multiple %and3A_1013, 128 : i32
      %and3A_1015 = arith.constant -128 : i32
      %and3A_1016 = arith.andi %squeeze3A_1011, %and3A_1015 : i32
      %multiple_of3A_1017 = tpu.assume_multiple %and3A_1016, 128 : i32
      %dma_start3A_1018 = arith.constant 1 : i32
      %dma_start3A_1019 = arith.constant 0 : i32
      %dma_start3A_1020 = arith.constant 0 : i32
      %dma_start3A_1021 = tpu.memref_slice %arg9[%dma_start3A_1018, %dma_start3A_1019, %dma_start3A_1020] : memref<8x32x128xf32, #tpu.memory_space<vmem>> -> memref<1x32x128xf32, #tpu.memory_space<vmem>>
      %dma_start3A_1022 = tpu.memref_squeeze %dma_start3A_1021 : memref<1x32x128xf32, #tpu.memory_space<vmem>> -> memref<32x128xf32, #tpu.memory_space<vmem>>
      %dma_start3A_1023 = arith.constant 0 : i32
      %dma_start3A_1024 = tpu.memref_slice %arg2[%dma_start3A_1023, %multiple_of3A_1014] : memref<32x1000000xf32, #tpu.memory_space<hbm>> -> memref<32x128xf32, #tpu.memory_space<hbm>>
      %dma_start3A_1025 = arith.constant 0 : i32
      %dma_start3A_1026 = arith.constant 0 : i32
      %dma_start3A_1027 = tpu.memref_slice %arg9[%dma_start3A_1018, %dma_start3A_1025, %dma_start3A_1026] : memref<8x32x128xf32, #tpu.memory_space<vmem>> -> memref<1x32x128xf32, #tpu.memory_space<vmem>>
      %dma_start3A_1028 = tpu.memref_squeeze %dma_start3A_1027 : memref<1x32x128xf32, #tpu.memory_space<vmem>> -> memref<32x128xf32, #tpu.memory_space<vmem>>
      %dma_start3A_1029 = arith.constant 0 : i32
      %dma_start3A_1030 = tpu.memref_slice %arg2[%dma_start3A_1029, %multiple_of3A_1014] : memref<32x1000000xf32, #tpu.memory_space<hbm>> -> memref<32x128xf32, #tpu.memory_space<hbm>>
      tpu.enqueue_dma source(%dma_start3A_1030 : memref<32x128xf32, #tpu.memory_space<hbm>>) target(%dma_start3A_1028 : memref<32x128xf32, #tpu.memory_space<vmem>>) target_semaphore(%arg14 : memref<!tpu.dma_semaphore, #tpu.memory_space<semaphore_mem>>)
      %dma_start3A_1031 = arith.constant 1 : i32
      %dma_start3A_1032 = arith.constant 0 : i32
      %dma_start3A_1033 = arith.constant 0 : i32
      %dma_start3A_1034 = tpu.memref_slice %arg10[%dma_start3A_1031, %dma_start3A_1032, %dma_start3A_1033] : memref<8x32x128xf32, #tpu.memory_space<vmem>> -> memref<1x32x128xf32, #tpu.memory_space<vmem>>
      %dma_start3A_1035 = tpu.memref_squeeze %dma_start3A_1034 : memref<1x32x128xf32, #tpu.memory_space<vmem>> -> memref<32x128xf32, #tpu.memory_space<vmem>>
      %dma_start3A_1036 = arith.constant 0 : i32
      %dma_start3A_1037 = tpu.memref_slice %arg3[%dma_start3A_1036, %multiple_of3A_1017] : memref<32x1000000xf32, #tpu.memory_space<hbm>> -> memref<32x128xf32, #tpu.memory_space<hbm>>
      %dma_start3A_1038 = arith.constant 0 : i32
      %dma_start3A_1039 = arith.constant 0 : i32
      %dma_start3A_1040 = tpu.memref_slice %arg10[%dma_start3A_1031, %dma_start3A_1038, %dma_start3A_1039] : memref<8x32x128xf32, #tpu.memory_space<vmem>> -> memref<1x32x128xf32, #tpu.memory_space<vmem>>
      %dma_start3A_1041 = tpu.memref_squeeze %dma_start3A_1040 : memref<1x32x128xf32, #tpu.memory_space<vmem>> -> memref<32x128xf32, #tpu.memory_space<vmem>>
      %dma_start3A_1042 = arith.constant 0 : i32
      %dma_start3A_1043 = tpu.memref_slice %arg3[%dma_start3A_1042, %multiple_of3A_1017] : memref<32x1000000xf32, #tpu.memory_space<hbm>> -> memref<32x128xf32, #tpu.memory_space<hbm>>
      tpu.enqueue_dma source(%dma_start3A_1043 : memref<32x128xf32, #tpu.memory_space<hbm>>) target(%dma_start3A_1041 : memref<32x128xf32, #tpu.memory_space<vmem>>) target_semaphore(%arg15 : memref<!tpu.dma_semaphore, #tpu.memory_space<semaphore_mem>>)
      %slice3A_1044 = vector.extract_strided_slice %get3A_15 {offsets = [10], sizes = [1], strides = [1]} : vector<16xi32> to vector<1xi32>
      %squeeze3A_1045 = vector.extract %slice3A_1044[0] : i32 from vector<1xi32>
      %slice3A_1046 = vector.extract_strided_slice %get3A_19 {offsets = [10], sizes = [1], strides = [1]} : vector<16xi32> to vector<1xi32>
      %squeeze3A_1047 = vector.extract %slice3A_1046[0] : i32 from vector<1xi32>
      %and3A_1048 = arith.constant -128 : i32
      %and3A_1049 = arith.andi %squeeze3A_1045, %and3A_1048 : i32
      %multiple_of3A_1050 = tpu.assume_multiple %and3A_1049, 128 : i32
      %and3A_1051 = arith.constant -128 : i32
      %and3A_1052 = arith.andi %squeeze3A_1047, %and3A_1051 : i32
      %multiple_of3A_1053 = tpu.assume_multiple %and3A_1052, 128 : i32
      %dma_start3A_1054 = arith.constant 2 : i32
      %dma_start3A_1055 = arith.constant 0 : i32
      %dma_start3A_1056 = arith.constant 0 : i32
      %dma_start3A_1057 = tpu.memref_slice %arg9[%dma_start3A_1054, %dma_start3A_1055, %dma_start3A_1056] : memref<8x32x128xf32, #tpu.memory_space<vmem>> -> memref<1x32x128xf32, #tpu.memory_space<vmem>>
      %dma_start3A_1058 = tpu.memref_squeeze %dma_start3A_1057 : memref<1x32x128xf32, #tpu.memory_space<vmem>> -> memref<32x128xf32, #tpu.memory_space<vmem>>
      %dma_start3A_1059 = arith.constant 0 : i32
      %dma_start3A_1060 = tpu.memref_slice %arg2[%dma_start3A_1059, %multiple_of3A_1050] : memref<32x1000000xf32, #tpu.memory_space<hbm>> -> memref<32x128xf32, #tpu.memory_space<hbm>>
      %dma_start3A_1061 = arith.constant 0 : i32
      %dma_start3A_1062 = arith.constant 0 : i32
      %dma_start3A_1063 = tpu.memref_slice %arg9[%dma_start3A_1054, %dma_start3A_1061, %dma_start3A_1062] : memref<8x32x128xf32, #tpu.memory_space<vmem>> -> memref<1x32x128xf32, #tpu.memory_space<vmem>>
      %dma_start3A_1064 = tpu.memref_squeeze %dma_start3A_1063 : memref<1x32x128xf32, #tpu.memory_space<vmem>> -> memref<32x128xf32, #tpu.memory_space<vmem>>
      %dma_start3A_1065 = arith.constant 0 : i32
      %dma_start3A_1066 = tpu.memref_slice %arg2[%dma_start3A_1065, %multiple_of3A_1050] : memref<32x1000000xf32, #tpu.memory_space<hbm>> -> memref<32x128xf32, #tpu.memory_space<hbm>>
      tpu.enqueue_dma source(%dma_start3A_1066 : memref<32x128xf32, #tpu.memory_space<hbm>>) target(%dma_start3A_1064 : memref<32x128xf32, #tpu.memory_space<vmem>>) target_semaphore(%arg14 : memref<!tpu.dma_semaphore, #tpu.memory_space<semaphore_mem>>)
      %dma_start3A_1067 = arith.constant 2 : i32
      %dma_start3A_1068 = arith.constant 0 : i32
      %dma_start3A_1069 = arith.constant 0 : i32
      %dma_start3A_1070 = tpu.memref_slice %arg10[%dma_start3A_1067, %dma_start3A_1068, %dma_start3A_1069] : memref<8x32x128xf32, #tpu.memory_space<vmem>> -> memref<1x32x128xf32, #tpu.memory_space<vmem>>
      %dma_start3A_1071 = tpu.memref_squeeze %dma_start3A_1070 : memref<1x32x128xf32, #tpu.memory_space<vmem>> -> memref<32x128xf32, #tpu.memory_space<vmem>>
      %dma_start3A_1072 = arith.constant 0 : i32
      %dma_start3A_1073 = tpu.memref_slice %arg3[%dma_start3A_1072, %multiple_of3A_1053] : memref<32x1000000xf32, #tpu.memory_space<hbm>> -> memref<32x128xf32, #tpu.memory_space<hbm>>
      %dma_start3A_1074 = arith.constant 0 : i32
      %dma_start3A_1075 = arith.constant 0 : i32
      %dma_start3A_1076 = tpu.memref_slice %arg10[%dma_start3A_1067, %dma_start3A_1074, %dma_start3A_1075] : memref<8x32x128xf32, #tpu.memory_space<vmem>> -> memref<1x32x128xf32, #tpu.memory_space<vmem>>
      %dma_start3A_1077 = tpu.memref_squeeze %dma_start3A_1076 : memref<1x32x128xf32, #tpu.memory_space<vmem>> -> memref<32x128xf32, #tpu.memory_space<vmem>>
      %dma_start3A_1078 = arith.constant 0 : i32
      %dma_start3A_1079 = tpu.memref_slice %arg3[%dma_start3A_1078, %multiple_of3A_1053] : memref<32x1000000xf32, #tpu.memory_space<hbm>> -> memref<32x128xf32, #tpu.memory_space<hbm>>
      tpu.enqueue_dma source(%dma_start3A_1079 : memref<32x128xf32, #tpu.memory_space<hbm>>) target(%dma_start3A_1077 : memref<32x128xf32, #tpu.memory_space<vmem>>) target_semaphore(%arg15 : memref<!tpu.dma_semaphore, #tpu.memory_space<semaphore_mem>>)
      %slice3A_1080 = vector.extract_strided_slice %get3A_15 {offsets = [11], sizes = [1], strides = [1]} : vector<16xi32> to vector<1xi32>
      %squeeze3A_1081 = vector.extract %slice3A_1080[0] : i32 from vector<1xi32>
      %slice3A_1082 = vector.extract_strided_slice %get3A_19 {offsets = [11], sizes = [1], strides = [1]} : vector<16xi32> to vector<1xi32>
      %squeeze3A_1083 = vector.extract %slice3A_1082[0] : i32 from vector<1xi32>
      %and3A_1084 = arith.constant -128 : i32
      %and3A_1085 = arith.andi %squeeze3A_1081, %and3A_1084 : i32
      %multiple_of3A_1086 = tpu.assume_multiple %and3A_1085, 128 : i32
      %and3A_1087 = arith.constant -128 : i32
      %and3A_1088 = arith.andi %squeeze3A_1083, %and3A_1087 : i32
      %multiple_of3A_1089 = tpu.assume_multiple %and3A_1088, 128 : i32
      %dma_start3A_1090 = arith.constant 3 : i32
      %dma_start3A_1091 = arith.constant 0 : i32
      %dma_start3A_1092 = arith.constant 0 : i32
      %dma_start3A_1093 = tpu.memref_slice %arg9[%dma_start3A_1090, %dma_start3A_1091, %dma_start3A_1092] : memref<8x32x128xf32, #tpu.memory_space<vmem>> -> memref<1x32x128xf32, #tpu.memory_space<vmem>>
      %dma_start3A_1094 = tpu.memref_squeeze %dma_start3A_1093 : memref<1x32x128xf32, #tpu.memory_space<vmem>> -> memref<32x128xf32, #tpu.memory_space<vmem>>
      %dma_start3A_1095 = arith.constant 0 : i32
      %dma_start3A_1096 = tpu.memref_slice %arg2[%dma_start3A_1095, %multiple_of3A_1086] : memref<32x1000000xf32, #tpu.memory_space<hbm>> -> memref<32x128xf32, #tpu.memory_space<hbm>>
      %dma_start3A_1097 = arith.constant 0 : i32
      %dma_start3A_1098 = arith.constant 0 : i32
      %dma_start3A_1099 = tpu.memref_slice %arg9[%dma_start3A_1090, %dma_start3A_1097, %dma_start3A_1098] : memref<8x32x128xf32, #tpu.memory_space<vmem>> -> memref<1x32x128xf32, #tpu.memory_space<vmem>>
      %dma_start3A_1100 = tpu.memref_squeeze %dma_start3A_1099 : memref<1x32x128xf32, #tpu.memory_space<vmem>> -> memref<32x128xf32, #tpu.memory_space<vmem>>
      %dma_start3A_1101 = arith.constant 0 : i32
      %dma_start3A_1102 = tpu.memref_slice %arg2[%dma_start3A_1101, %multiple_of3A_1086] : memref<32x1000000xf32, #tpu.memory_space<hbm>> -> memref<32x128xf32, #tpu.memory_space<hbm>>
      tpu.enqueue_dma source(%dma_start3A_1102 : memref<32x128xf32, #tpu.memory_space<hbm>>) target(%dma_start3A_1100 : memref<32x128xf32, #tpu.memory_space<vmem>>) target_semaphore(%arg14 : memref<!tpu.dma_semaphore, #tpu.memory_space<semaphore_mem>>)
      %dma_start3A_1103 = arith.constant 3 : i32
      %dma_start3A_1104 = arith.constant 0 : i32
      %dma_start3A_1105 = arith.constant 0 : i32
      %dma_start3A_1106 = tpu.memref_slice %arg10[%dma_start3A_1103, %dma_start3A_1104, %dma_start3A_1105] : memref<8x32x128xf32, #tpu.memory_space<vmem>> -> memref<1x32x128xf32, #tpu.memory_space<vmem>>
      %dma_start3A_1107 = tpu.memref_squeeze %dma_start3A_1106 : memref<1x32x128xf32, #tpu.memory_space<vmem>> -> memref<32x128xf32, #tpu.memory_space<vmem>>
      %dma_start3A_1108 = arith.constant 0 : i32
      %dma_start3A_1109 = tpu.memref_slice %arg3[%dma_start3A_1108, %multiple_of3A_1089] : memref<32x1000000xf32, #tpu.memory_space<hbm>> -> memref<32x128xf32, #tpu.memory_space<hbm>>
      %dma_start3A_1110 = arith.constant 0 : i32
      %dma_start3A_1111 = arith.constant 0 : i32
      %dma_start3A_1112 = tpu.memref_slice %arg10[%dma_start3A_1103, %dma_start3A_1110, %dma_start3A_1111] : memref<8x32x128xf32, #tpu.memory_space<vmem>> -> memref<1x32x128xf32, #tpu.memory_space<vmem>>
      %dma_start3A_1113 = tpu.memref_squeeze %dma_start3A_1112 : memref<1x32x128xf32, #tpu.memory_space<vmem>> -> memref<32x128xf32, #tpu.memory_space<vmem>>
      %dma_start3A_1114 = arith.constant 0 : i32
      %dma_start3A_1115 = tpu.memref_slice %arg3[%dma_start3A_1114, %multiple_of3A_1089] : memref<32x1000000xf32, #tpu.memory_space<hbm>> -> memref<32x128xf32, #tpu.memory_space<hbm>>
      tpu.enqueue_dma source(%dma_start3A_1115 : memref<32x128xf32, #tpu.memory_space<hbm>>) target(%dma_start3A_1113 : memref<32x128xf32, #tpu.memory_space<vmem>>) target_semaphore(%arg15 : memref<!tpu.dma_semaphore, #tpu.memory_space<semaphore_mem>>)
      %slice3A_1116 = vector.extract_strided_slice %get3A_15 {offsets = [12], sizes = [1], strides = [1]} : vector<16xi32> to vector<1xi32>
      %squeeze3A_1117 = vector.extract %slice3A_1116[0] : i32 from vector<1xi32>
      %slice3A_1118 = vector.extract_strided_slice %get3A_19 {offsets = [12], sizes = [1], strides = [1]} : vector<16xi32> to vector<1xi32>
      %squeeze3A_1119 = vector.extract %slice3A_1118[0] : i32 from vector<1xi32>
      %and3A_1120 = arith.constant -128 : i32
      %and3A_1121 = arith.andi %squeeze3A_1117, %and3A_1120 : i32
      %multiple_of3A_1122 = tpu.assume_multiple %and3A_1121, 128 : i32
      %and3A_1123 = arith.constant -128 : i32
      %and3A_1124 = arith.andi %squeeze3A_1119, %and3A_1123 : i32
      %multiple_of3A_1125 = tpu.assume_multiple %and3A_1124, 128 : i32
      %dma_start3A_1126 = arith.constant 4 : i32
      %dma_start3A_1127 = arith.constant 0 : i32
      %dma_start3A_1128 = arith.constant 0 : i32
      %dma_start3A_1129 = tpu.memref_slice %arg9[%dma_start3A_1126, %dma_start3A_1127, %dma_start3A_1128] : memref<8x32x128xf32, #tpu.memory_space<vmem>> -> memref<1x32x128xf32, #tpu.memory_space<vmem>>
      %dma_start3A_1130 = tpu.memref_squeeze %dma_start3A_1129 : memref<1x32x128xf32, #tpu.memory_space<vmem>> -> memref<32x128xf32, #tpu.memory_space<vmem>>
      %dma_start3A_1131 = arith.constant 0 : i32
      %dma_start3A_1132 = tpu.memref_slice %arg2[%dma_start3A_1131, %multiple_of3A_1122] : memref<32x1000000xf32, #tpu.memory_space<hbm>> -> memref<32x128xf32, #tpu.memory_space<hbm>>
      %dma_start3A_1133 = arith.constant 0 : i32
      %dma_start3A_1134 = arith.constant 0 : i32
      %dma_start3A_1135 = tpu.memref_slice %arg9[%dma_start3A_1126, %dma_start3A_1133, %dma_start3A_1134] : memref<8x32x128xf32, #tpu.memory_space<vmem>> -> memref<1x32x128xf32, #tpu.memory_space<vmem>>
      %dma_start3A_1136 = tpu.memref_squeeze %dma_start3A_1135 : memref<1x32x128xf32, #tpu.memory_space<vmem>> -> memref<32x128xf32, #tpu.memory_space<vmem>>
      %dma_start3A_1137 = arith.constant 0 : i32
      %dma_start3A_1138 = tpu.memref_slice %arg2[%dma_start3A_1137, %multiple_of3A_1122] : memref<32x1000000xf32, #tpu.memory_space<hbm>> -> memref<32x128xf32, #tpu.memory_space<hbm>>
      tpu.enqueue_dma source(%dma_start3A_1138 : memref<32x128xf32, #tpu.memory_space<hbm>>) target(%dma_start3A_1136 : memref<32x128xf32, #tpu.memory_space<vmem>>) target_semaphore(%arg14 : memref<!tpu.dma_semaphore, #tpu.memory_space<semaphore_mem>>)
      %dma_start3A_1139 = arith.constant 4 : i32
      %dma_start3A_1140 = arith.constant 0 : i32
      %dma_start3A_1141 = arith.constant 0 : i32
      %dma_start3A_1142 = tpu.memref_slice %arg10[%dma_start3A_1139, %dma_start3A_1140, %dma_start3A_1141] : memref<8x32x128xf32, #tpu.memory_space<vmem>> -> memref<1x32x128xf32, #tpu.memory_space<vmem>>
      %dma_start3A_1143 = tpu.memref_squeeze %dma_start3A_1142 : memref<1x32x128xf32, #tpu.memory_space<vmem>> -> memref<32x128xf32, #tpu.memory_space<vmem>>
      %dma_start3A_1144 = arith.constant 0 : i32
      %dma_start3A_1145 = tpu.memref_slice %arg3[%dma_start3A_1144, %multiple_of3A_1125] : memref<32x1000000xf32, #tpu.memory_space<hbm>> -> memref<32x128xf32, #tpu.memory_space<hbm>>
      %dma_start3A_1146 = arith.constant 0 : i32
      %dma_start3A_1147 = arith.constant 0 : i32
      %dma_start3A_1148 = tpu.memref_slice %arg10[%dma_start3A_1139, %dma_start3A_1146, %dma_start3A_1147] : memref<8x32x128xf32, #tpu.memory_space<vmem>> -> memref<1x32x128xf32, #tpu.memory_space<vmem>>
      %dma_start3A_1149 = tpu.memref_squeeze %dma_start3A_1148 : memref<1x32x128xf32, #tpu.memory_space<vmem>> -> memref<32x128xf32, #tpu.memory_space<vmem>>
      %dma_start3A_1150 = arith.constant 0 : i32
      %dma_start3A_1151 = tpu.memref_slice %arg3[%dma_start3A_1150, %multiple_of3A_1125] : memref<32x1000000xf32, #tpu.memory_space<hbm>> -> memref<32x128xf32, #tpu.memory_space<hbm>>
      tpu.enqueue_dma source(%dma_start3A_1151 : memref<32x128xf32, #tpu.memory_space<hbm>>) target(%dma_start3A_1149 : memref<32x128xf32, #tpu.memory_space<vmem>>) target_semaphore(%arg15 : memref<!tpu.dma_semaphore, #tpu.memory_space<semaphore_mem>>)
      %slice3A_1152 = vector.extract_strided_slice %get3A_15 {offsets = [13], sizes = [1], strides = [1]} : vector<16xi32> to vector<1xi32>
      %squeeze3A_1153 = vector.extract %slice3A_1152[0] : i32 from vector<1xi32>
      %slice3A_1154 = vector.extract_strided_slice %get3A_19 {offsets = [13], sizes = [1], strides = [1]} : vector<16xi32> to vector<1xi32>
      %squeeze3A_1155 = vector.extract %slice3A_1154[0] : i32 from vector<1xi32>
      %and3A_1156 = arith.constant -128 : i32
      %and3A_1157 = arith.andi %squeeze3A_1153, %and3A_1156 : i32
      %multiple_of3A_1158 = tpu.assume_multiple %and3A_1157, 128 : i32
      %and3A_1159 = arith.constant -128 : i32
      %and3A_1160 = arith.andi %squeeze3A_1155, %and3A_1159 : i32
      %multiple_of3A_1161 = tpu.assume_multiple %and3A_1160, 128 : i32
      %dma_start3A_1162 = arith.constant 5 : i32
      %dma_start3A_1163 = arith.constant 0 : i32
      %dma_start3A_1164 = arith.constant 0 : i32
      %dma_start3A_1165 = tpu.memref_slice %arg9[%dma_start3A_1162, %dma_start3A_1163, %dma_start3A_1164] : memref<8x32x128xf32, #tpu.memory_space<vmem>> -> memref<1x32x128xf32, #tpu.memory_space<vmem>>
      %dma_start3A_1166 = tpu.memref_squeeze %dma_start3A_1165 : memref<1x32x128xf32, #tpu.memory_space<vmem>> -> memref<32x128xf32, #tpu.memory_space<vmem>>
      %dma_start3A_1167 = arith.constant 0 : i32
      %dma_start3A_1168 = tpu.memref_slice %arg2[%dma_start3A_1167, %multiple_of3A_1158] : memref<32x1000000xf32, #tpu.memory_space<hbm>> -> memref<32x128xf32, #tpu.memory_space<hbm>>
      %dma_start3A_1169 = arith.constant 0 : i32
      %dma_start3A_1170 = arith.constant 0 : i32
      %dma_start3A_1171 = tpu.memref_slice %arg9[%dma_start3A_1162, %dma_start3A_1169, %dma_start3A_1170] : memref<8x32x128xf32, #tpu.memory_space<vmem>> -> memref<1x32x128xf32, #tpu.memory_space<vmem>>
      %dma_start3A_1172 = tpu.memref_squeeze %dma_start3A_1171 : memref<1x32x128xf32, #tpu.memory_space<vmem>> -> memref<32x128xf32, #tpu.memory_space<vmem>>
      %dma_start3A_1173 = arith.constant 0 : i32
      %dma_start3A_1174 = tpu.memref_slice %arg2[%dma_start3A_1173, %multiple_of3A_1158] : memref<32x1000000xf32, #tpu.memory_space<hbm>> -> memref<32x128xf32, #tpu.memory_space<hbm>>
      tpu.enqueue_dma source(%dma_start3A_1174 : memref<32x128xf32, #tpu.memory_space<hbm>>) target(%dma_start3A_1172 : memref<32x128xf32, #tpu.memory_space<vmem>>) target_semaphore(%arg14 : memref<!tpu.dma_semaphore, #tpu.memory_space<semaphore_mem>>)
      %dma_start3A_1175 = arith.constant 5 : i32
      %dma_start3A_1176 = arith.constant 0 : i32
      %dma_start3A_1177 = arith.constant 0 : i32
      %dma_start3A_1178 = tpu.memref_slice %arg10[%dma_start3A_1175, %dma_start3A_1176, %dma_start3A_1177] : memref<8x32x128xf32, #tpu.memory_space<vmem>> -> memref<1x32x128xf32, #tpu.memory_space<vmem>>
      %dma_start3A_1179 = tpu.memref_squeeze %dma_start3A_1178 : memref<1x32x128xf32, #tpu.memory_space<vmem>> -> memref<32x128xf32, #tpu.memory_space<vmem>>
      %dma_start3A_1180 = arith.constant 0 : i32
      %dma_start3A_1181 = tpu.memref_slice %arg3[%dma_start3A_1180, %multiple_of3A_1161] : memref<32x1000000xf32, #tpu.memory_space<hbm>> -> memref<32x128xf32, #tpu.memory_space<hbm>>
      %dma_start3A_1182 = arith.constant 0 : i32
      %dma_start3A_1183 = arith.constant 0 : i32
      %dma_start3A_1184 = tpu.memref_slice %arg10[%dma_start3A_1175, %dma_start3A_1182, %dma_start3A_1183] : memref<8x32x128xf32, #tpu.memory_space<vmem>> -> memref<1x32x128xf32, #tpu.memory_space<vmem>>
      %dma_start3A_1185 = tpu.memref_squeeze %dma_start3A_1184 : memref<1x32x128xf32, #tpu.memory_space<vmem>> -> memref<32x128xf32, #tpu.memory_space<vmem>>
      %dma_start3A_1186 = arith.constant 0 : i32
      %dma_start3A_1187 = tpu.memref_slice %arg3[%dma_start3A_1186, %multiple_of3A_1161] : memref<32x1000000xf32, #tpu.memory_space<hbm>> -> memref<32x128xf32, #tpu.memory_space<hbm>>
      tpu.enqueue_dma source(%dma_start3A_1187 : memref<32x128xf32, #tpu.memory_space<hbm>>) target(%dma_start3A_1185 : memref<32x128xf32, #tpu.memory_space<vmem>>) target_semaphore(%arg15 : memref<!tpu.dma_semaphore, #tpu.memory_space<semaphore_mem>>)
      %slice3A_1188 = vector.extract_strided_slice %get3A_15 {offsets = [14], sizes = [1], strides = [1]} : vector<16xi32> to vector<1xi32>
      %squeeze3A_1189 = vector.extract %slice3A_1188[0] : i32 from vector<1xi32>
      %slice3A_1190 = vector.extract_strided_slice %get3A_19 {offsets = [14], sizes = [1], strides = [1]} : vector<16xi32> to vector<1xi32>
      %squeeze3A_1191 = vector.extract %slice3A_1190[0] : i32 from vector<1xi32>
      %and3A_1192 = arith.constant -128 : i32
      %and3A_1193 = arith.andi %squeeze3A_1189, %and3A_1192 : i32
      %multiple_of3A_1194 = tpu.assume_multiple %and3A_1193, 128 : i32
      %and3A_1195 = arith.constant -128 : i32
      %and3A_1196 = arith.andi %squeeze3A_1191, %and3A_1195 : i32
      %multiple_of3A_1197 = tpu.assume_multiple %and3A_1196, 128 : i32
      %dma_start3A_1198 = arith.constant 6 : i32
      %dma_start3A_1199 = arith.constant 0 : i32
      %dma_start3A_1200 = arith.constant 0 : i32
      %dma_start3A_1201 = tpu.memref_slice %arg9[%dma_start3A_1198, %dma_start3A_1199, %dma_start3A_1200] : memref<8x32x128xf32, #tpu.memory_space<vmem>> -> memref<1x32x128xf32, #tpu.memory_space<vmem>>
      %dma_start3A_1202 = tpu.memref_squeeze %dma_start3A_1201 : memref<1x32x128xf32, #tpu.memory_space<vmem>> -> memref<32x128xf32, #tpu.memory_space<vmem>>
      %dma_start3A_1203 = arith.constant 0 : i32
      %dma_start3A_1204 = tpu.memref_slice %arg2[%dma_start3A_1203, %multiple_of3A_1194] : memref<32x1000000xf32, #tpu.memory_space<hbm>> -> memref<32x128xf32, #tpu.memory_space<hbm>>
      %dma_start3A_1205 = arith.constant 0 : i32
      %dma_start3A_1206 = arith.constant 0 : i32
      %dma_start3A_1207 = tpu.memref_slice %arg9[%dma_start3A_1198, %dma_start3A_1205, %dma_start3A_1206] : memref<8x32x128xf32, #tpu.memory_space<vmem>> -> memref<1x32x128xf32, #tpu.memory_space<vmem>>
      %dma_start3A_1208 = tpu.memref_squeeze %dma_start3A_1207 : memref<1x32x128xf32, #tpu.memory_space<vmem>> -> memref<32x128xf32, #tpu.memory_space<vmem>>
      %dma_start3A_1209 = arith.constant 0 : i32
      %dma_start3A_1210 = tpu.memref_slice %arg2[%dma_start3A_1209, %multiple_of3A_1194] : memref<32x1000000xf32, #tpu.memory_space<hbm>> -> memref<32x128xf32, #tpu.memory_space<hbm>>
      tpu.enqueue_dma source(%dma_start3A_1210 : memref<32x128xf32, #tpu.memory_space<hbm>>) target(%dma_start3A_1208 : memref<32x128xf32, #tpu.memory_space<vmem>>) target_semaphore(%arg14 : memref<!tpu.dma_semaphore, #tpu.memory_space<semaphore_mem>>)
      %dma_start3A_1211 = arith.constant 6 : i32
      %dma_start3A_1212 = arith.constant 0 : i32
      %dma_start3A_1213 = arith.constant 0 : i32
      %dma_start3A_1214 = tpu.memref_slice %arg10[%dma_start3A_1211, %dma_start3A_1212, %dma_start3A_1213] : memref<8x32x128xf32, #tpu.memory_space<vmem>> -> memref<1x32x128xf32, #tpu.memory_space<vmem>>
      %dma_start3A_1215 = tpu.memref_squeeze %dma_start3A_1214 : memref<1x32x128xf32, #tpu.memory_space<vmem>> -> memref<32x128xf32, #tpu.memory_space<vmem>>
      %dma_start3A_1216 = arith.constant 0 : i32
      %dma_start3A_1217 = tpu.memref_slice %arg3[%dma_start3A_1216, %multiple_of3A_1197] : memref<32x1000000xf32, #tpu.memory_space<hbm>> -> memref<32x128xf32, #tpu.memory_space<hbm>>
      %dma_start3A_1218 = arith.constant 0 : i32
      %dma_start3A_1219 = arith.constant 0 : i32
      %dma_start3A_1220 = tpu.memref_slice %arg10[%dma_start3A_1211, %dma_start3A_1218, %dma_start3A_1219] : memref<8x32x128xf32, #tpu.memory_space<vmem>> -> memref<1x32x128xf32, #tpu.memory_space<vmem>>
      %dma_start3A_1221 = tpu.memref_squeeze %dma_start3A_1220 : memref<1x32x128xf32, #tpu.memory_space<vmem>> -> memref<32x128xf32, #tpu.memory_space<vmem>>
      %dma_start3A_1222 = arith.constant 0 : i32
      %dma_start3A_1223 = tpu.memref_slice %arg3[%dma_start3A_1222, %multiple_of3A_1197] : memref<32x1000000xf32, #tpu.memory_space<hbm>> -> memref<32x128xf32, #tpu.memory_space<hbm>>
      tpu.enqueue_dma source(%dma_start3A_1223 : memref<32x128xf32, #tpu.memory_space<hbm>>) target(%dma_start3A_1221 : memref<32x128xf32, #tpu.memory_space<vmem>>) target_semaphore(%arg15 : memref<!tpu.dma_semaphore, #tpu.memory_space<semaphore_mem>>)
      %slice3A_1224 = vector.extract_strided_slice %get3A_15 {offsets = [15], sizes = [1], strides = [1]} : vector<16xi32> to vector<1xi32>
      %squeeze3A_1225 = vector.extract %slice3A_1224[0] : i32 from vector<1xi32>
      %slice3A_1226 = vector.extract_strided_slice %get3A_19 {offsets = [15], sizes = [1], strides = [1]} : vector<16xi32> to vector<1xi32>
      %squeeze3A_1227 = vector.extract %slice3A_1226[0] : i32 from vector<1xi32>
      %and3A_1228 = arith.constant -128 : i32
      %and3A_1229 = arith.andi %squeeze3A_1225, %and3A_1228 : i32
      %multiple_of3A_1230 = tpu.assume_multiple %and3A_1229, 128 : i32
      %and3A_1231 = arith.constant -128 : i32
      %and3A_1232 = arith.andi %squeeze3A_1227, %and3A_1231 : i32
      %multiple_of3A_1233 = tpu.assume_multiple %and3A_1232, 128 : i32
      %dma_start3A_1234 = arith.constant 7 : i32
      %dma_start3A_1235 = arith.constant 0 : i32
      %dma_start3A_1236 = arith.constant 0 : i32
      %dma_start3A_1237 = tpu.memref_slice %arg9[%dma_start3A_1234, %dma_start3A_1235, %dma_start3A_1236] : memref<8x32x128xf32, #tpu.memory_space<vmem>> -> memref<1x32x128xf32, #tpu.memory_space<vmem>>
      %dma_start3A_1238 = tpu.memref_squeeze %dma_start3A_1237 : memref<1x32x128xf32, #tpu.memory_space<vmem>> -> memref<32x128xf32, #tpu.memory_space<vmem>>
      %dma_start3A_1239 = arith.constant 0 : i32
      %dma_start3A_1240 = tpu.memref_slice %arg2[%dma_start3A_1239, %multiple_of3A_1230] : memref<32x1000000xf32, #tpu.memory_space<hbm>> -> memref<32x128xf32, #tpu.memory_space<hbm>>
      %dma_start3A_1241 = arith.constant 0 : i32
      %dma_start3A_1242 = arith.constant 0 : i32
      %dma_start3A_1243 = tpu.memref_slice %arg9[%dma_start3A_1234, %dma_start3A_1241, %dma_start3A_1242] : memref<8x32x128xf32, #tpu.memory_space<vmem>> -> memref<1x32x128xf32, #tpu.memory_space<vmem>>
      %dma_start3A_1244 = tpu.memref_squeeze %dma_start3A_1243 : memref<1x32x128xf32, #tpu.memory_space<vmem>> -> memref<32x128xf32, #tpu.memory_space<vmem>>
      %dma_start3A_1245 = arith.constant 0 : i32
      %dma_start3A_1246 = tpu.memref_slice %arg2[%dma_start3A_1245, %multiple_of3A_1230] : memref<32x1000000xf32, #tpu.memory_space<hbm>> -> memref<32x128xf32, #tpu.memory_space<hbm>>
      tpu.enqueue_dma source(%dma_start3A_1246 : memref<32x128xf32, #tpu.memory_space<hbm>>) target(%dma_start3A_1244 : memref<32x128xf32, #tpu.memory_space<vmem>>) target_semaphore(%arg14 : memref<!tpu.dma_semaphore, #tpu.memory_space<semaphore_mem>>)
      %dma_start3A_1247 = arith.constant 7 : i32
      %dma_start3A_1248 = arith.constant 0 : i32
      %dma_start3A_1249 = arith.constant 0 : i32
      %dma_start3A_1250 = tpu.memref_slice %arg10[%dma_start3A_1247, %dma_start3A_1248, %dma_start3A_1249] : memref<8x32x128xf32, #tpu.memory_space<vmem>> -> memref<1x32x128xf32, #tpu.memory_space<vmem>>
      %dma_start3A_1251 = tpu.memref_squeeze %dma_start3A_1250 : memref<1x32x128xf32, #tpu.memory_space<vmem>> -> memref<32x128xf32, #tpu.memory_space<vmem>>
      %dma_start3A_1252 = arith.constant 0 : i32
      %dma_start3A_1253 = tpu.memref_slice %arg3[%dma_start3A_1252, %multiple_of3A_1233] : memref<32x1000000xf32, #tpu.memory_space<hbm>> -> memref<32x128xf32, #tpu.memory_space<hbm>>
      %dma_start3A_1254 = arith.constant 0 : i32
      %dma_start3A_1255 = arith.constant 0 : i32
      %dma_start3A_1256 = tpu.memref_slice %arg10[%dma_start3A_1247, %dma_start3A_1254, %dma_start3A_1255] : memref<8x32x128xf32, #tpu.memory_space<vmem>> -> memref<1x32x128xf32, #tpu.memory_space<vmem>>
      %dma_start3A_1257 = tpu.memref_squeeze %dma_start3A_1256 : memref<1x32x128xf32, #tpu.memory_space<vmem>> -> memref<32x128xf32, #tpu.memory_space<vmem>>
      %dma_start3A_1258 = arith.constant 0 : i32
      %dma_start3A_1259 = tpu.memref_slice %arg3[%dma_start3A_1258, %multiple_of3A_1233] : memref<32x1000000xf32, #tpu.memory_space<hbm>> -> memref<32x128xf32, #tpu.memory_space<hbm>>
      tpu.enqueue_dma source(%dma_start3A_1259 : memref<32x128xf32, #tpu.memory_space<hbm>>) target(%dma_start3A_1257 : memref<32x128xf32, #tpu.memory_space<vmem>>) target_semaphore(%arg15 : memref<!tpu.dma_semaphore, #tpu.memory_space<semaphore_mem>>)
      %dma_wait3A_1260 = arith.constant 0 : i32
      %dma_wait3A_1261 = arith.constant 0 : i32
      %dma_wait3A_1262 = arith.constant 0 : i32
      %dma_wait3A_1263 = tpu.memref_slice %arg9[%dma_wait3A_1260, %dma_wait3A_1261, %dma_wait3A_1262] : memref<8x32x128xf32, #tpu.memory_space<vmem>> -> memref<1x32x128xf32, #tpu.memory_space<vmem>>
      %dma_wait3A_1264 = tpu.memref_squeeze %dma_wait3A_1263 : memref<1x32x128xf32, #tpu.memory_space<vmem>> -> memref<32x128xf32, #tpu.memory_space<vmem>>
      %dma_wait3A_1265 = arith.constant 0 : i32
      %dma_wait3A_1266 = tpu.memref_slice %arg2[%dma_wait3A_1265, %multiple_of3A_978] : memref<32x1000000xf32, #tpu.memory_space<hbm>> -> memref<32x128xf32, #tpu.memory_space<hbm>>
      %dma_wait3A_1267 = arith.constant 0 : i32
      %dma_wait3A_1268 = arith.constant 0 : i32
      %dma_wait3A_1269 = tpu.memref_slice %arg9[%dma_wait3A_1260, %dma_wait3A_1267, %dma_wait3A_1268] : memref<8x32x128xf32, #tpu.memory_space<vmem>> -> memref<1x32x128xf32, #tpu.memory_space<vmem>>
      %dma_wait3A_1270 = tpu.memref_squeeze %dma_wait3A_1269 : memref<1x32x128xf32, #tpu.memory_space<vmem>> -> memref<32x128xf32, #tpu.memory_space<vmem>>
      %dma_wait3A_1271 = arith.constant 0 : i32
      %dma_wait3A_1272 = tpu.memref_slice %arg2[%dma_wait3A_1271, %multiple_of3A_978] : memref<32x1000000xf32, #tpu.memory_space<hbm>> -> memref<32x128xf32, #tpu.memory_space<hbm>>
      tpu.wait_dma2 semaphore(%arg14 : memref<!tpu.dma_semaphore, #tpu.memory_space<semaphore_mem>>) src(%dma_wait3A_1272 : memref<32x128xf32, #tpu.memory_space<hbm>>) dst(%dma_wait3A_1270 : memref<32x128xf32, #tpu.memory_space<vmem>>)
      %dma_wait3A_1273 = arith.constant 0 : i32
      %dma_wait3A_1274 = arith.constant 0 : i32
      %dma_wait3A_1275 = arith.constant 0 : i32
      %dma_wait3A_1276 = tpu.memref_slice %arg10[%dma_wait3A_1273, %dma_wait3A_1274, %dma_wait3A_1275] : memref<8x32x128xf32, #tpu.memory_space<vmem>> -> memref<1x32x128xf32, #tpu.memory_space<vmem>>
      %dma_wait3A_1277 = tpu.memref_squeeze %dma_wait3A_1276 : memref<1x32x128xf32, #tpu.memory_space<vmem>> -> memref<32x128xf32, #tpu.memory_space<vmem>>
      %dma_wait3A_1278 = arith.constant 0 : i32
      %dma_wait3A_1279 = tpu.memref_slice %arg3[%dma_wait3A_1278, %multiple_of3A_981] : memref<32x1000000xf32, #tpu.memory_space<hbm>> -> memref<32x128xf32, #tpu.memory_space<hbm>>
      %dma_wait3A_1280 = arith.constant 0 : i32
      %dma_wait3A_1281 = arith.constant 0 : i32
      %dma_wait3A_1282 = tpu.memref_slice %arg10[%dma_wait3A_1273, %dma_wait3A_1280, %dma_wait3A_1281] : memref<8x32x128xf32, #tpu.memory_space<vmem>> -> memref<1x32x128xf32, #tpu.memory_space<vmem>>
      %dma_wait3A_1283 = tpu.memref_squeeze %dma_wait3A_1282 : memref<1x32x128xf32, #tpu.memory_space<vmem>> -> memref<32x128xf32, #tpu.memory_space<vmem>>
      %dma_wait3A_1284 = arith.constant 0 : i32
      %dma_wait3A_1285 = tpu.memref_slice %arg3[%dma_wait3A_1284, %multiple_of3A_981] : memref<32x1000000xf32, #tpu.memory_space<hbm>> -> memref<32x128xf32, #tpu.memory_space<hbm>>
      tpu.wait_dma2 semaphore(%arg15 : memref<!tpu.dma_semaphore, #tpu.memory_space<semaphore_mem>>) src(%dma_wait3A_1285 : memref<32x128xf32, #tpu.memory_space<hbm>>) dst(%dma_wait3A_1283 : memref<32x128xf32, #tpu.memory_space<vmem>>)
      %dma_wait3A_1286 = arith.constant 1 : i32
      %dma_wait3A_1287 = arith.constant 0 : i32
      %dma_wait3A_1288 = arith.constant 0 : i32
      %dma_wait3A_1289 = tpu.memref_slice %arg9[%dma_wait3A_1286, %dma_wait3A_1287, %dma_wait3A_1288] : memref<8x32x128xf32, #tpu.memory_space<vmem>> -> memref<1x32x128xf32, #tpu.memory_space<vmem>>
      %dma_wait3A_1290 = tpu.memref_squeeze %dma_wait3A_1289 : memref<1x32x128xf32, #tpu.memory_space<vmem>> -> memref<32x128xf32, #tpu.memory_space<vmem>>
      %dma_wait3A_1291 = arith.constant 0 : i32
      %dma_wait3A_1292 = tpu.memref_slice %arg2[%dma_wait3A_1291, %multiple_of3A_1014] : memref<32x1000000xf32, #tpu.memory_space<hbm>> -> memref<32x128xf32, #tpu.memory_space<hbm>>
      %dma_wait3A_1293 = arith.constant 0 : i32
      %dma_wait3A_1294 = arith.constant 0 : i32
      %dma_wait3A_1295 = tpu.memref_slice %arg9[%dma_wait3A_1286, %dma_wait3A_1293, %dma_wait3A_1294] : memref<8x32x128xf32, #tpu.memory_space<vmem>> -> memref<1x32x128xf32, #tpu.memory_space<vmem>>
      %dma_wait3A_1296 = tpu.memref_squeeze %dma_wait3A_1295 : memref<1x32x128xf32, #tpu.memory_space<vmem>> -> memref<32x128xf32, #tpu.memory_space<vmem>>
      %dma_wait3A_1297 = arith.constant 0 : i32
      %dma_wait3A_1298 = tpu.memref_slice %arg2[%dma_wait3A_1297, %multiple_of3A_1014] : memref<32x1000000xf32, #tpu.memory_space<hbm>> -> memref<32x128xf32, #tpu.memory_space<hbm>>
      tpu.wait_dma2 semaphore(%arg14 : memref<!tpu.dma_semaphore, #tpu.memory_space<semaphore_mem>>) src(%dma_wait3A_1298 : memref<32x128xf32, #tpu.memory_space<hbm>>) dst(%dma_wait3A_1296 : memref<32x128xf32, #tpu.memory_space<vmem>>)
      %dma_wait3A_1299 = arith.constant 1 : i32
      %dma_wait3A_1300 = arith.constant 0 : i32
      %dma_wait3A_1301 = arith.constant 0 : i32
      %dma_wait3A_1302 = tpu.memref_slice %arg10[%dma_wait3A_1299, %dma_wait3A_1300, %dma_wait3A_1301] : memref<8x32x128xf32, #tpu.memory_space<vmem>> -> memref<1x32x128xf32, #tpu.memory_space<vmem>>
      %dma_wait3A_1303 = tpu.memref_squeeze %dma_wait3A_1302 : memref<1x32x128xf32, #tpu.memory_space<vmem>> -> memref<32x128xf32, #tpu.memory_space<vmem>>
      %dma_wait3A_1304 = arith.constant 0 : i32
      %dma_wait3A_1305 = tpu.memref_slice %arg3[%dma_wait3A_1304, %multiple_of3A_1017] : memref<32x1000000xf32, #tpu.memory_space<hbm>> -> memref<32x128xf32, #tpu.memory_space<hbm>>
      %dma_wait3A_1306 = arith.constant 0 : i32
      %dma_wait3A_1307 = arith.constant 0 : i32
      %dma_wait3A_1308 = tpu.memref_slice %arg10[%dma_wait3A_1299, %dma_wait3A_1306, %dma_wait3A_1307] : memref<8x32x128xf32, #tpu.memory_space<vmem>> -> memref<1x32x128xf32, #tpu.memory_space<vmem>>
      %dma_wait3A_1309 = tpu.memref_squeeze %dma_wait3A_1308 : memref<1x32x128xf32, #tpu.memory_space<vmem>> -> memref<32x128xf32, #tpu.memory_space<vmem>>
      %dma_wait3A_1310 = arith.constant 0 : i32
      %dma_wait3A_1311 = tpu.memref_slice %arg3[%dma_wait3A_1310, %multiple_of3A_1017] : memref<32x1000000xf32, #tpu.memory_space<hbm>> -> memref<32x128xf32, #tpu.memory_space<hbm>>
      tpu.wait_dma2 semaphore(%arg15 : memref<!tpu.dma_semaphore, #tpu.memory_space<semaphore_mem>>) src(%dma_wait3A_1311 : memref<32x128xf32, #tpu.memory_space<hbm>>) dst(%dma_wait3A_1309 : memref<32x128xf32, #tpu.memory_space<vmem>>)
      %dma_wait3A_1312 = arith.constant 2 : i32
      %dma_wait3A_1313 = arith.constant 0 : i32
      %dma_wait3A_1314 = arith.constant 0 : i32
      %dma_wait3A_1315 = tpu.memref_slice %arg9[%dma_wait3A_1312, %dma_wait3A_1313, %dma_wait3A_1314] : memref<8x32x128xf32, #tpu.memory_space<vmem>> -> memref<1x32x128xf32, #tpu.memory_space<vmem>>
      %dma_wait3A_1316 = tpu.memref_squeeze %dma_wait3A_1315 : memref<1x32x128xf32, #tpu.memory_space<vmem>> -> memref<32x128xf32, #tpu.memory_space<vmem>>
      %dma_wait3A_1317 = arith.constant 0 : i32
      %dma_wait3A_1318 = tpu.memref_slice %arg2[%dma_wait3A_1317, %multiple_of3A_1050] : memref<32x1000000xf32, #tpu.memory_space<hbm>> -> memref<32x128xf32, #tpu.memory_space<hbm>>
      %dma_wait3A_1319 = arith.constant 0 : i32
      %dma_wait3A_1320 = arith.constant 0 : i32
      %dma_wait3A_1321 = tpu.memref_slice %arg9[%dma_wait3A_1312, %dma_wait3A_1319, %dma_wait3A_1320] : memref<8x32x128xf32, #tpu.memory_space<vmem>> -> memref<1x32x128xf32, #tpu.memory_space<vmem>>
      %dma_wait3A_1322 = tpu.memref_squeeze %dma_wait3A_1321 : memref<1x32x128xf32, #tpu.memory_space<vmem>> -> memref<32x128xf32, #tpu.memory_space<vmem>>
      %dma_wait3A_1323 = arith.constant 0 : i32
      %dma_wait3A_1324 = tpu.memref_slice %arg2[%dma_wait3A_1323, %multiple_of3A_1050] : memref<32x1000000xf32, #tpu.memory_space<hbm>> -> memref<32x128xf32, #tpu.memory_space<hbm>>
      tpu.wait_dma2 semaphore(%arg14 : memref<!tpu.dma_semaphore, #tpu.memory_space<semaphore_mem>>) src(%dma_wait3A_1324 : memref<32x128xf32, #tpu.memory_space<hbm>>) dst(%dma_wait3A_1322 : memref<32x128xf32, #tpu.memory_space<vmem>>)
      %dma_wait3A_1325 = arith.constant 2 : i32
      %dma_wait3A_1326 = arith.constant 0 : i32
      %dma_wait3A_1327 = arith.constant 0 : i32
      %dma_wait3A_1328 = tpu.memref_slice %arg10[%dma_wait3A_1325, %dma_wait3A_1326, %dma_wait3A_1327] : memref<8x32x128xf32, #tpu.memory_space<vmem>> -> memref<1x32x128xf32, #tpu.memory_space<vmem>>
      %dma_wait3A_1329 = tpu.memref_squeeze %dma_wait3A_1328 : memref<1x32x128xf32, #tpu.memory_space<vmem>> -> memref<32x128xf32, #tpu.memory_space<vmem>>
      %dma_wait3A_1330 = arith.constant 0 : i32
      %dma_wait3A_1331 = tpu.memref_slice %arg3[%dma_wait3A_1330, %multiple_of3A_1053] : memref<32x1000000xf32, #tpu.memory_space<hbm>> -> memref<32x128xf32, #tpu.memory_space<hbm>>
      %dma_wait3A_1332 = arith.constant 0 : i32
      %dma_wait3A_1333 = arith.constant 0 : i32
      %dma_wait3A_1334 = tpu.memref_slice %arg10[%dma_wait3A_1325, %dma_wait3A_1332, %dma_wait3A_1333] : memref<8x32x128xf32, #tpu.memory_space<vmem>> -> memref<1x32x128xf32, #tpu.memory_space<vmem>>
      %dma_wait3A_1335 = tpu.memref_squeeze %dma_wait3A_1334 : memref<1x32x128xf32, #tpu.memory_space<vmem>> -> memref<32x128xf32, #tpu.memory_space<vmem>>
      %dma_wait3A_1336 = arith.constant 0 : i32
      %dma_wait3A_1337 = tpu.memref_slice %arg3[%dma_wait3A_1336, %multiple_of3A_1053] : memref<32x1000000xf32, #tpu.memory_space<hbm>> -> memref<32x128xf32, #tpu.memory_space<hbm>>
      tpu.wait_dma2 semaphore(%arg15 : memref<!tpu.dma_semaphore, #tpu.memory_space<semaphore_mem>>) src(%dma_wait3A_1337 : memref<32x128xf32, #tpu.memory_space<hbm>>) dst(%dma_wait3A_1335 : memref<32x128xf32, #tpu.memory_space<vmem>>)
      %dma_wait3A_1338 = arith.constant 3 : i32
      %dma_wait3A_1339 = arith.constant 0 : i32
      %dma_wait3A_1340 = arith.constant 0 : i32
      %dma_wait3A_1341 = tpu.memref_slice %arg9[%dma_wait3A_1338, %dma_wait3A_1339, %dma_wait3A_1340] : memref<8x32x128xf32, #tpu.memory_space<vmem>> -> memref<1x32x128xf32, #tpu.memory_space<vmem>>
      %dma_wait3A_1342 = tpu.memref_squeeze %dma_wait3A_1341 : memref<1x32x128xf32, #tpu.memory_space<vmem>> -> memref<32x128xf32, #tpu.memory_space<vmem>>
      %dma_wait3A_1343 = arith.constant 0 : i32
      %dma_wait3A_1344 = tpu.memref_slice %arg2[%dma_wait3A_1343, %multiple_of3A_1086] : memref<32x1000000xf32, #tpu.memory_space<hbm>> -> memref<32x128xf32, #tpu.memory_space<hbm>>
      %dma_wait3A_1345 = arith.constant 0 : i32
      %dma_wait3A_1346 = arith.constant 0 : i32
      %dma_wait3A_1347 = tpu.memref_slice %arg9[%dma_wait3A_1338, %dma_wait3A_1345, %dma_wait3A_1346] : memref<8x32x128xf32, #tpu.memory_space<vmem>> -> memref<1x32x128xf32, #tpu.memory_space<vmem>>
      %dma_wait3A_1348 = tpu.memref_squeeze %dma_wait3A_1347 : memref<1x32x128xf32, #tpu.memory_space<vmem>> -> memref<32x128xf32, #tpu.memory_space<vmem>>
      %dma_wait3A_1349 = arith.constant 0 : i32
      %dma_wait3A_1350 = tpu.memref_slice %arg2[%dma_wait3A_1349, %multiple_of3A_1086] : memref<32x1000000xf32, #tpu.memory_space<hbm>> -> memref<32x128xf32, #tpu.memory_space<hbm>>
      tpu.wait_dma2 semaphore(%arg14 : memref<!tpu.dma_semaphore, #tpu.memory_space<semaphore_mem>>) src(%dma_wait3A_1350 : memref<32x128xf32, #tpu.memory_space<hbm>>) dst(%dma_wait3A_1348 : memref<32x128xf32, #tpu.memory_space<vmem>>)
      %dma_wait3A_1351 = arith.constant 3 : i32
      %dma_wait3A_1352 = arith.constant 0 : i32
      %dma_wait3A_1353 = arith.constant 0 : i32
      %dma_wait3A_1354 = tpu.memref_slice %arg10[%dma_wait3A_1351, %dma_wait3A_1352, %dma_wait3A_1353] : memref<8x32x128xf32, #tpu.memory_space<vmem>> -> memref<1x32x128xf32, #tpu.memory_space<vmem>>
      %dma_wait3A_1355 = tpu.memref_squeeze %dma_wait3A_1354 : memref<1x32x128xf32, #tpu.memory_space<vmem>> -> memref<32x128xf32, #tpu.memory_space<vmem>>
      %dma_wait3A_1356 = arith.constant 0 : i32
      %dma_wait3A_1357 = tpu.memref_slice %arg3[%dma_wait3A_1356, %multiple_of3A_1089] : memref<32x1000000xf32, #tpu.memory_space<hbm>> -> memref<32x128xf32, #tpu.memory_space<hbm>>
      %dma_wait3A_1358 = arith.constant 0 : i32
      %dma_wait3A_1359 = arith.constant 0 : i32
      %dma_wait3A_1360 = tpu.memref_slice %arg10[%dma_wait3A_1351, %dma_wait3A_1358, %dma_wait3A_1359] : memref<8x32x128xf32, #tpu.memory_space<vmem>> -> memref<1x32x128xf32, #tpu.memory_space<vmem>>
      %dma_wait3A_1361 = tpu.memref_squeeze %dma_wait3A_1360 : memref<1x32x128xf32, #tpu.memory_space<vmem>> -> memref<32x128xf32, #tpu.memory_space<vmem>>
      %dma_wait3A_1362 = arith.constant 0 : i32
      %dma_wait3A_1363 = tpu.memref_slice %arg3[%dma_wait3A_1362, %multiple_of3A_1089] : memref<32x1000000xf32, #tpu.memory_space<hbm>> -> memref<32x128xf32, #tpu.memory_space<hbm>>
      tpu.wait_dma2 semaphore(%arg15 : memref<!tpu.dma_semaphore, #tpu.memory_space<semaphore_mem>>) src(%dma_wait3A_1363 : memref<32x128xf32, #tpu.memory_space<hbm>>) dst(%dma_wait3A_1361 : memref<32x128xf32, #tpu.memory_space<vmem>>)
      %dma_wait3A_1364 = arith.constant 4 : i32
      %dma_wait3A_1365 = arith.constant 0 : i32
      %dma_wait3A_1366 = arith.constant 0 : i32
      %dma_wait3A_1367 = tpu.memref_slice %arg9[%dma_wait3A_1364, %dma_wait3A_1365, %dma_wait3A_1366] : memref<8x32x128xf32, #tpu.memory_space<vmem>> -> memref<1x32x128xf32, #tpu.memory_space<vmem>>
      %dma_wait3A_1368 = tpu.memref_squeeze %dma_wait3A_1367 : memref<1x32x128xf32, #tpu.memory_space<vmem>> -> memref<32x128xf32, #tpu.memory_space<vmem>>
      %dma_wait3A_1369 = arith.constant 0 : i32
      %dma_wait3A_1370 = tpu.memref_slice %arg2[%dma_wait3A_1369, %multiple_of3A_1122] : memref<32x1000000xf32, #tpu.memory_space<hbm>> -> memref<32x128xf32, #tpu.memory_space<hbm>>
      %dma_wait3A_1371 = arith.constant 0 : i32
      %dma_wait3A_1372 = arith.constant 0 : i32
      %dma_wait3A_1373 = tpu.memref_slice %arg9[%dma_wait3A_1364, %dma_wait3A_1371, %dma_wait3A_1372] : memref<8x32x128xf32, #tpu.memory_space<vmem>> -> memref<1x32x128xf32, #tpu.memory_space<vmem>>
      %dma_wait3A_1374 = tpu.memref_squeeze %dma_wait3A_1373 : memref<1x32x128xf32, #tpu.memory_space<vmem>> -> memref<32x128xf32, #tpu.memory_space<vmem>>
      %dma_wait3A_1375 = arith.constant 0 : i32
      %dma_wait3A_1376 = tpu.memref_slice %arg2[%dma_wait3A_1375, %multiple_of3A_1122] : memref<32x1000000xf32, #tpu.memory_space<hbm>> -> memref<32x128xf32, #tpu.memory_space<hbm>>
      tpu.wait_dma2 semaphore(%arg14 : memref<!tpu.dma_semaphore, #tpu.memory_space<semaphore_mem>>) src(%dma_wait3A_1376 : memref<32x128xf32, #tpu.memory_space<hbm>>) dst(%dma_wait3A_1374 : memref<32x128xf32, #tpu.memory_space<vmem>>)
      %dma_wait3A_1377 = arith.constant 4 : i32
      %dma_wait3A_1378 = arith.constant 0 : i32
      %dma_wait3A_1379 = arith.constant 0 : i32
      %dma_wait3A_1380 = tpu.memref_slice %arg10[%dma_wait3A_1377, %dma_wait3A_1378, %dma_wait3A_1379] : memref<8x32x128xf32, #tpu.memory_space<vmem>> -> memref<1x32x128xf32, #tpu.memory_space<vmem>>
      %dma_wait3A_1381 = tpu.memref_squeeze %dma_wait3A_1380 : memref<1x32x128xf32, #tpu.memory_space<vmem>> -> memref<32x128xf32, #tpu.memory_space<vmem>>
      %dma_wait3A_1382 = arith.constant 0 : i32
      %dma_wait3A_1383 = tpu.memref_slice %arg3[%dma_wait3A_1382, %multiple_of3A_1125] : memref<32x1000000xf32, #tpu.memory_space<hbm>> -> memref<32x128xf32, #tpu.memory_space<hbm>>
      %dma_wait3A_1384 = arith.constant 0 : i32
      %dma_wait3A_1385 = arith.constant 0 : i32
      %dma_wait3A_1386 = tpu.memref_slice %arg10[%dma_wait3A_1377, %dma_wait3A_1384, %dma_wait3A_1385] : memref<8x32x128xf32, #tpu.memory_space<vmem>> -> memref<1x32x128xf32, #tpu.memory_space<vmem>>
      %dma_wait3A_1387 = tpu.memref_squeeze %dma_wait3A_1386 : memref<1x32x128xf32, #tpu.memory_space<vmem>> -> memref<32x128xf32, #tpu.memory_space<vmem>>
      %dma_wait3A_1388 = arith.constant 0 : i32
      %dma_wait3A_1389 = tpu.memref_slice %arg3[%dma_wait3A_1388, %multiple_of3A_1125] : memref<32x1000000xf32, #tpu.memory_space<hbm>> -> memref<32x128xf32, #tpu.memory_space<hbm>>
      tpu.wait_dma2 semaphore(%arg15 : memref<!tpu.dma_semaphore, #tpu.memory_space<semaphore_mem>>) src(%dma_wait3A_1389 : memref<32x128xf32, #tpu.memory_space<hbm>>) dst(%dma_wait3A_1387 : memref<32x128xf32, #tpu.memory_space<vmem>>)
      %dma_wait3A_1390 = arith.constant 5 : i32
      %dma_wait3A_1391 = arith.constant 0 : i32
      %dma_wait3A_1392 = arith.constant 0 : i32
      %dma_wait3A_1393 = tpu.memref_slice %arg9[%dma_wait3A_1390, %dma_wait3A_1391, %dma_wait3A_1392] : memref<8x32x128xf32, #tpu.memory_space<vmem>> -> memref<1x32x128xf32, #tpu.memory_space<vmem>>
      %dma_wait3A_1394 = tpu.memref_squeeze %dma_wait3A_1393 : memref<1x32x128xf32, #tpu.memory_space<vmem>> -> memref<32x128xf32, #tpu.memory_space<vmem>>
      %dma_wait3A_1395 = arith.constant 0 : i32
      %dma_wait3A_1396 = tpu.memref_slice %arg2[%dma_wait3A_1395, %multiple_of3A_1158] : memref<32x1000000xf32, #tpu.memory_space<hbm>> -> memref<32x128xf32, #tpu.memory_space<hbm>>
      %dma_wait3A_1397 = arith.constant 0 : i32
      %dma_wait3A_1398 = arith.constant 0 : i32
      %dma_wait3A_1399 = tpu.memref_slice %arg9[%dma_wait3A_1390, %dma_wait3A_1397, %dma_wait3A_1398] : memref<8x32x128xf32, #tpu.memory_space<vmem>> -> memref<1x32x128xf32, #tpu.memory_space<vmem>>
      %dma_wait3A_1400 = tpu.memref_squeeze %dma_wait3A_1399 : memref<1x32x128xf32, #tpu.memory_space<vmem>> -> memref<32x128xf32, #tpu.memory_space<vmem>>
      %dma_wait3A_1401 = arith.constant 0 : i32
      %dma_wait3A_1402 = tpu.memref_slice %arg2[%dma_wait3A_1401, %multiple_of3A_1158] : memref<32x1000000xf32, #tpu.memory_space<hbm>> -> memref<32x128xf32, #tpu.memory_space<hbm>>
      tpu.wait_dma2 semaphore(%arg14 : memref<!tpu.dma_semaphore, #tpu.memory_space<semaphore_mem>>) src(%dma_wait3A_1402 : memref<32x128xf32, #tpu.memory_space<hbm>>) dst(%dma_wait3A_1400 : memref<32x128xf32, #tpu.memory_space<vmem>>)
      %dma_wait3A_1403 = arith.constant 5 : i32
      %dma_wait3A_1404 = arith.constant 0 : i32
      %dma_wait3A_1405 = arith.constant 0 : i32
      %dma_wait3A_1406 = tpu.memref_slice %arg10[%dma_wait3A_1403, %dma_wait3A_1404, %dma_wait3A_1405] : memref<8x32x128xf32, #tpu.memory_space<vmem>> -> memref<1x32x128xf32, #tpu.memory_space<vmem>>
      %dma_wait3A_1407 = tpu.memref_squeeze %dma_wait3A_1406 : memref<1x32x128xf32, #tpu.memory_space<vmem>> -> memref<32x128xf32, #tpu.memory_space<vmem>>
      %dma_wait3A_1408 = arith.constant 0 : i32
      %dma_wait3A_1409 = tpu.memref_slice %arg3[%dma_wait3A_1408, %multiple_of3A_1161] : memref<32x1000000xf32, #tpu.memory_space<hbm>> -> memref<32x128xf32, #tpu.memory_space<hbm>>
      %dma_wait3A_1410 = arith.constant 0 : i32
      %dma_wait3A_1411 = arith.constant 0 : i32
      %dma_wait3A_1412 = tpu.memref_slice %arg10[%dma_wait3A_1403, %dma_wait3A_1410, %dma_wait3A_1411] : memref<8x32x128xf32, #tpu.memory_space<vmem>> -> memref<1x32x128xf32, #tpu.memory_space<vmem>>
      %dma_wait3A_1413 = tpu.memref_squeeze %dma_wait3A_1412 : memref<1x32x128xf32, #tpu.memory_space<vmem>> -> memref<32x128xf32, #tpu.memory_space<vmem>>
      %dma_wait3A_1414 = arith.constant 0 : i32
      %dma_wait3A_1415 = tpu.memref_slice %arg3[%dma_wait3A_1414, %multiple_of3A_1161] : memref<32x1000000xf32, #tpu.memory_space<hbm>> -> memref<32x128xf32, #tpu.memory_space<hbm>>
      tpu.wait_dma2 semaphore(%arg15 : memref<!tpu.dma_semaphore, #tpu.memory_space<semaphore_mem>>) src(%dma_wait3A_1415 : memref<32x128xf32, #tpu.memory_space<hbm>>) dst(%dma_wait3A_1413 : memref<32x128xf32, #tpu.memory_space<vmem>>)
      %dma_wait3A_1416 = arith.constant 6 : i32
      %dma_wait3A_1417 = arith.constant 0 : i32
      %dma_wait3A_1418 = arith.constant 0 : i32
      %dma_wait3A_1419 = tpu.memref_slice %arg9[%dma_wait3A_1416, %dma_wait3A_1417, %dma_wait3A_1418] : memref<8x32x128xf32, #tpu.memory_space<vmem>> -> memref<1x32x128xf32, #tpu.memory_space<vmem>>
      %dma_wait3A_1420 = tpu.memref_squeeze %dma_wait3A_1419 : memref<1x32x128xf32, #tpu.memory_space<vmem>> -> memref<32x128xf32, #tpu.memory_space<vmem>>
      %dma_wait3A_1421 = arith.constant 0 : i32
      %dma_wait3A_1422 = tpu.memref_slice %arg2[%dma_wait3A_1421, %multiple_of3A_1194] : memref<32x1000000xf32, #tpu.memory_space<hbm>> -> memref<32x128xf32, #tpu.memory_space<hbm>>
      %dma_wait3A_1423 = arith.constant 0 : i32
      %dma_wait3A_1424 = arith.constant 0 : i32
      %dma_wait3A_1425 = tpu.memref_slice %arg9[%dma_wait3A_1416, %dma_wait3A_1423, %dma_wait3A_1424] : memref<8x32x128xf32, #tpu.memory_space<vmem>> -> memref<1x32x128xf32, #tpu.memory_space<vmem>>
      %dma_wait3A_1426 = tpu.memref_squeeze %dma_wait3A_1425 : memref<1x32x128xf32, #tpu.memory_space<vmem>> -> memref<32x128xf32, #tpu.memory_space<vmem>>
      %dma_wait3A_1427 = arith.constant 0 : i32
      %dma_wait3A_1428 = tpu.memref_slice %arg2[%dma_wait3A_1427, %multiple_of3A_1194] : memref<32x1000000xf32, #tpu.memory_space<hbm>> -> memref<32x128xf32, #tpu.memory_space<hbm>>
      tpu.wait_dma2 semaphore(%arg14 : memref<!tpu.dma_semaphore, #tpu.memory_space<semaphore_mem>>) src(%dma_wait3A_1428 : memref<32x128xf32, #tpu.memory_space<hbm>>) dst(%dma_wait3A_1426 : memref<32x128xf32, #tpu.memory_space<vmem>>)
      %dma_wait3A_1429 = arith.constant 6 : i32
      %dma_wait3A_1430 = arith.constant 0 : i32
      %dma_wait3A_1431 = arith.constant 0 : i32
      %dma_wait3A_1432 = tpu.memref_slice %arg10[%dma_wait3A_1429, %dma_wait3A_1430, %dma_wait3A_1431] : memref<8x32x128xf32, #tpu.memory_space<vmem>> -> memref<1x32x128xf32, #tpu.memory_space<vmem>>
      %dma_wait3A_1433 = tpu.memref_squeeze %dma_wait3A_1432 : memref<1x32x128xf32, #tpu.memory_space<vmem>> -> memref<32x128xf32, #tpu.memory_space<vmem>>
      %dma_wait3A_1434 = arith.constant 0 : i32
      %dma_wait3A_1435 = tpu.memref_slice %arg3[%dma_wait3A_1434, %multiple_of3A_1197] : memref<32x1000000xf32, #tpu.memory_space<hbm>> -> memref<32x128xf32, #tpu.memory_space<hbm>>
      %dma_wait3A_1436 = arith.constant 0 : i32
      %dma_wait3A_1437 = arith.constant 0 : i32
      %dma_wait3A_1438 = tpu.memref_slice %arg10[%dma_wait3A_1429, %dma_wait3A_1436, %dma_wait3A_1437] : memref<8x32x128xf32, #tpu.memory_space<vmem>> -> memref<1x32x128xf32, #tpu.memory_space<vmem>>
      %dma_wait3A_1439 = tpu.memref_squeeze %dma_wait3A_1438 : memref<1x32x128xf32, #tpu.memory_space<vmem>> -> memref<32x128xf32, #tpu.memory_space<vmem>>
      %dma_wait3A_1440 = arith.constant 0 : i32
      %dma_wait3A_1441 = tpu.memref_slice %arg3[%dma_wait3A_1440, %multiple_of3A_1197] : memref<32x1000000xf32, #tpu.memory_space<hbm>> -> memref<32x128xf32, #tpu.memory_space<hbm>>
      tpu.wait_dma2 semaphore(%arg15 : memref<!tpu.dma_semaphore, #tpu.memory_space<semaphore_mem>>) src(%dma_wait3A_1441 : memref<32x128xf32, #tpu.memory_space<hbm>>) dst(%dma_wait3A_1439 : memref<32x128xf32, #tpu.memory_space<vmem>>)
      %dma_wait3A_1442 = arith.constant 7 : i32
      %dma_wait3A_1443 = arith.constant 0 : i32
      %dma_wait3A_1444 = arith.constant 0 : i32
      %dma_wait3A_1445 = tpu.memref_slice %arg9[%dma_wait3A_1442, %dma_wait3A_1443, %dma_wait3A_1444] : memref<8x32x128xf32, #tpu.memory_space<vmem>> -> memref<1x32x128xf32, #tpu.memory_space<vmem>>
      %dma_wait3A_1446 = tpu.memref_squeeze %dma_wait3A_1445 : memref<1x32x128xf32, #tpu.memory_space<vmem>> -> memref<32x128xf32, #tpu.memory_space<vmem>>
      %dma_wait3A_1447 = arith.constant 0 : i32
      %dma_wait3A_1448 = tpu.memref_slice %arg2[%dma_wait3A_1447, %multiple_of3A_1230] : memref<32x1000000xf32, #tpu.memory_space<hbm>> -> memref<32x128xf32, #tpu.memory_space<hbm>>
      %dma_wait3A_1449 = arith.constant 0 : i32
      %dma_wait3A_1450 = arith.constant 0 : i32
      %dma_wait3A_1451 = tpu.memref_slice %arg9[%dma_wait3A_1442, %dma_wait3A_1449, %dma_wait3A_1450] : memref<8x32x128xf32, #tpu.memory_space<vmem>> -> memref<1x32x128xf32, #tpu.memory_space<vmem>>
      %dma_wait3A_1452 = tpu.memref_squeeze %dma_wait3A_1451 : memref<1x32x128xf32, #tpu.memory_space<vmem>> -> memref<32x128xf32, #tpu.memory_space<vmem>>
      %dma_wait3A_1453 = arith.constant 0 : i32
      %dma_wait3A_1454 = tpu.memref_slice %arg2[%dma_wait3A_1453, %multiple_of3A_1230] : memref<32x1000000xf32, #tpu.memory_space<hbm>> -> memref<32x128xf32, #tpu.memory_space<hbm>>
      tpu.wait_dma2 semaphore(%arg14 : memref<!tpu.dma_semaphore, #tpu.memory_space<semaphore_mem>>) src(%dma_wait3A_1454 : memref<32x128xf32, #tpu.memory_space<hbm>>) dst(%dma_wait3A_1452 : memref<32x128xf32, #tpu.memory_space<vmem>>)
      %dma_wait3A_1455 = arith.constant 7 : i32
      %dma_wait3A_1456 = arith.constant 0 : i32
      %dma_wait3A_1457 = arith.constant 0 : i32
      %dma_wait3A_1458 = tpu.memref_slice %arg10[%dma_wait3A_1455, %dma_wait3A_1456, %dma_wait3A_1457] : memref<8x32x128xf32, #tpu.memory_space<vmem>> -> memref<1x32x128xf32, #tpu.memory_space<vmem>>
      %dma_wait3A_1459 = tpu.memref_squeeze %dma_wait3A_1458 : memref<1x32x128xf32, #tpu.memory_space<vmem>> -> memref<32x128xf32, #tpu.memory_space<vmem>>
      %dma_wait3A_1460 = arith.constant 0 : i32
      %dma_wait3A_1461 = tpu.memref_slice %arg3[%dma_wait3A_1460, %multiple_of3A_1233] : memref<32x1000000xf32, #tpu.memory_space<hbm>> -> memref<32x128xf32, #tpu.memory_space<hbm>>
      %dma_wait3A_1462 = arith.constant 0 : i32
      %dma_wait3A_1463 = arith.constant 0 : i32
      %dma_wait3A_1464 = tpu.memref_slice %arg10[%dma_wait3A_1455, %dma_wait3A_1462, %dma_wait3A_1463] : memref<8x32x128xf32, #tpu.memory_space<vmem>> -> memref<1x32x128xf32, #tpu.memory_space<vmem>>
      %dma_wait3A_1465 = tpu.memref_squeeze %dma_wait3A_1464 : memref<1x32x128xf32, #tpu.memory_space<vmem>> -> memref<32x128xf32, #tpu.memory_space<vmem>>
      %dma_wait3A_1466 = arith.constant 0 : i32
      %dma_wait3A_1467 = tpu.memref_slice %arg3[%dma_wait3A_1466, %multiple_of3A_1233] : memref<32x1000000xf32, #tpu.memory_space<hbm>> -> memref<32x128xf32, #tpu.memory_space<hbm>>
      tpu.wait_dma2 semaphore(%arg15 : memref<!tpu.dma_semaphore, #tpu.memory_space<semaphore_mem>>) src(%dma_wait3A_1467 : memref<32x128xf32, #tpu.memory_space<hbm>>) dst(%dma_wait3A_1465 : memref<32x128xf32, #tpu.memory_space<vmem>>)
      %mul3A_1468 = arith.constant 16 : i32
      %mul3A_1469 = arith.muli %scan3A_12, %mul3A_1468 : i32
      %add3A_1470 = arith.constant 8 : i32
      %add3A_1471 = arith.addi %mul3A_1469, %add3A_1470 : i32
      %add3A_1472 = arith.constant 0 : i32
      %add3A_1473 = arith.addi %add3A_1471, %add3A_1472 : i32
      %and3A_1474 = arith.constant 127 : i32
      %and3A_1475 = arith.andi %squeeze3A_973, %and3A_1474 : i32
      %broadcast_in_dim3A_1476 = vector.broadcast %and3A_1475 : i32 to vector<16xi32>
      %and3A_1477 = arith.constant 127 : i32
      %and3A_1478 = arith.andi %squeeze3A_975, %and3A_1477 : i32
      %broadcast_in_dim3A_1479 = vector.broadcast %and3A_1478 : i32 to vector<16xi32>
      %add3A_1480 = arith.constant 0 : i32
      %add3A_1481 = vector.broadcast %add3A_1480 : i32 to vector<16xi32>
      %add3A_1482 = arith.addi %add3A_1481, %iota3A : vector<16xi32>
      %add3A_1483 = arith.constant 0 : i32
      %add3A_1484 = vector.broadcast %add3A_1483 : i32 to vector<16xi32>
      %add3A_1485 = arith.addi %add3A_1484, %iota3A : vector<16xi32>
      %mul3A_1486 = arith.constant 512 : i32
      %mul3A_1487 = vector.broadcast %mul3A_1486 : i32 to vector<16xi32>
      %mul3A_1488 = arith.muli %add3A_1485, %mul3A_1487 : vector<16xi32>
      %add3A_1489 = vector.broadcast %add3A_1473 : i32 to vector<16xi32>
      %add3A_1490 = arith.addi %mul3A_1488, %add3A_1489 : vector<16xi32>
      %gather3A_1491 = arith.constant 0 : i32
      %gather3A_1492 = arith.constant 0 : i32
      %gather3A_1493 = arith.constant 0 : i32
      %gather3A_1494 = tpu.memref_slice %arg9[%gather3A_1491, %gather3A_1492, %gather3A_1493] : memref<8x32x128xf32, #tpu.memory_space<vmem>> -> memref<1x32x128xf32, #tpu.memory_space<vmem>>
      %gather3A_1495 = tpu.memref_squeeze %gather3A_1494 : memref<1x32x128xf32, #tpu.memory_space<vmem>> -> memref<32x128xf32, #tpu.memory_space<vmem>>
      %gather3A_1496 = tpu.vector_load_idx %gather3A_1495[%add3A_1482, %broadcast_in_dim3A_1476] : memref<32x128xf32, #tpu.memory_space<vmem>>[vector<16xi32>, vector<16xi32>], vector<16xf32>,
      %gather3A_1497 = arith.constant 0 : i32
      %gather3A_1498 = arith.constant 0 : i32
      %gather3A_1499 = arith.constant 0 : i32
      %gather3A_1500 = tpu.memref_slice %arg10[%gather3A_1497, %gather3A_1498, %gather3A_1499] : memref<8x32x128xf32, #tpu.memory_space<vmem>> -> memref<1x32x128xf32, #tpu.memory_space<vmem>>
      %gather3A_1501 = tpu.memref_squeeze %gather3A_1500 : memref<1x32x128xf32, #tpu.memory_space<vmem>> -> memref<32x128xf32, #tpu.memory_space<vmem>>
      %gather3A_1502 = tpu.vector_load_idx %gather3A_1501[%add3A_1482, %broadcast_in_dim3A_1479] : memref<32x128xf32, #tpu.memory_space<vmem>>[vector<16xi32>, vector<16xi32>], vector<16xf32>,
      tpu.vector_store_idx %arg11[%add3A_1490], %gather3A_1496 : memref<16384xf32, #tpu.memory_space<vmem>>[vector<16xi32>], vector<16xf32>,
      tpu.vector_store_idx %arg12[%add3A_1490], %gather3A_1502 : memref<16384xf32, #tpu.memory_space<vmem>>[vector<16xi32>], vector<16xf32>,
      %add3A_1503 = arith.constant 16 : i32
      %add3A_1504 = vector.broadcast %add3A_1503 : i32 to vector<16xi32>
      %add3A_1505 = arith.addi %add3A_1504, %iota3A : vector<16xi32>
      %add3A_1506 = arith.constant 16 : i32
      %add3A_1507 = vector.broadcast %add3A_1506 : i32 to vector<16xi32>
      %add3A_1508 = arith.addi %add3A_1507, %iota3A : vector<16xi32>
      %mul3A_1509 = arith.constant 512 : i32
      %mul3A_1510 = vector.broadcast %mul3A_1509 : i32 to vector<16xi32>
      %mul3A_1511 = arith.muli %add3A_1508, %mul3A_1510 : vector<16xi32>
      %add3A_1512 = vector.broadcast %add3A_1473 : i32 to vector<16xi32>
      %add3A_1513 = arith.addi %mul3A_1511, %add3A_1512 : vector<16xi32>
      %gather3A_1514 = arith.constant 0 : i32
      %gather3A_1515 = arith.constant 0 : i32
      %gather3A_1516 = arith.constant 0 : i32
      %gather3A_1517 = tpu.memref_slice %arg9[%gather3A_1514, %gather3A_1515, %gather3A_1516] : memref<8x32x128xf32, #tpu.memory_space<vmem>> -> memref<1x32x128xf32, #tpu.memory_space<vmem>>
      %gather3A_1518 = tpu.memref_squeeze %gather3A_1517 : memref<1x32x128xf32, #tpu.memory_space<vmem>> -> memref<32x128xf32, #tpu.memory_space<vmem>>
      %gather3A_1519 = tpu.vector_load_idx %gather3A_1518[%add3A_1505, %broadcast_in_dim3A_1476] : memref<32x128xf32, #tpu.memory_space<vmem>>[vector<16xi32>, vector<16xi32>], vector<16xf32>,
      %gather3A_1520 = arith.constant 0 : i32
      %gather3A_1521 = arith.constant 0 : i32
      %gather3A_1522 = arith.constant 0 : i32
      %gather3A_1523 = tpu.memref_slice %arg10[%gather3A_1520, %gather3A_1521, %gather3A_1522] : memref<8x32x128xf32, #tpu.memory_space<vmem>> -> memref<1x32x128xf32, #tpu.memory_space<vmem>>
      %gather3A_1524 = tpu.memref_squeeze %gather3A_1523 : memref<1x32x128xf32, #tpu.memory_space<vmem>> -> memref<32x128xf32, #tpu.memory_space<vmem>>
      %gather3A_1525 = tpu.vector_load_idx %gather3A_1524[%add3A_1505, %broadcast_in_dim3A_1479] : memref<32x128xf32, #tpu.memory_space<vmem>>[vector<16xi32>, vector<16xi32>], vector<16xf32>,
      tpu.vector_store_idx %arg11[%add3A_1513], %gather3A_1519 : memref<16384xf32, #tpu.memory_space<vmem>>[vector<16xi32>], vector<16xf32>,
      tpu.vector_store_idx %arg12[%add3A_1513], %gather3A_1525 : memref<16384xf32, #tpu.memory_space<vmem>>[vector<16xi32>], vector<16xf32>,
      %mul3A_1526 = arith.constant 16 : i32
      %mul3A_1527 = arith.muli %scan3A_12, %mul3A_1526 : i32
      %add3A_1528 = arith.constant 8 : i32
      %add3A_1529 = arith.addi %mul3A_1527, %add3A_1528 : i32
      %add3A_1530 = arith.constant 1 : i32
      %add3A_1531 = arith.addi %add3A_1529, %add3A_1530 : i32
      %and3A_1532 = arith.constant 127 : i32
      %and3A_1533 = arith.andi %squeeze3A_1009, %and3A_1532 : i32
      %broadcast_in_dim3A_1534 = vector.broadcast %and3A_1533 : i32 to vector<16xi32>
      %and3A_1535 = arith.constant 127 : i32
      %and3A_1536 = arith.andi %squeeze3A_1011, %and3A_1535 : i32
      %broadcast_in_dim3A_1537 = vector.broadcast %and3A_1536 : i32 to vector<16xi32>
      %add3A_1538 = arith.constant 0 : i32
      %add3A_1539 = vector.broadcast %add3A_1538 : i32 to vector<16xi32>
      %add3A_1540 = arith.addi %add3A_1539, %iota3A : vector<16xi32>
      %add3A_1541 = arith.constant 0 : i32
      %add3A_1542 = vector.broadcast %add3A_1541 : i32 to vector<16xi32>
      %add3A_1543 = arith.addi %add3A_1542, %iota3A : vector<16xi32>
      %mul3A_1544 = arith.constant 512 : i32
      %mul3A_1545 = vector.broadcast %mul3A_1544 : i32 to vector<16xi32>
      %mul3A_1546 = arith.muli %add3A_1543, %mul3A_1545 : vector<16xi32>
      %add3A_1547 = vector.broadcast %add3A_1531 : i32 to vector<16xi32>
      %add3A_1548 = arith.addi %mul3A_1546, %add3A_1547 : vector<16xi32>
      %gather3A_1549 = arith.constant 1 : i32
      %gather3A_1550 = arith.constant 0 : i32
      %gather3A_1551 = arith.constant 0 : i32
      %gather3A_1552 = tpu.memref_slice %arg9[%gather3A_1549, %gather3A_1550, %gather3A_1551] : memref<8x32x128xf32, #tpu.memory_space<vmem>> -> memref<1x32x128xf32, #tpu.memory_space<vmem>>
      %gather3A_1553 = tpu.memref_squeeze %gather3A_1552 : memref<1x32x128xf32, #tpu.memory_space<vmem>> -> memref<32x128xf32, #tpu.memory_space<vmem>>
      %gather3A_1554 = tpu.vector_load_idx %gather3A_1553[%add3A_1540, %broadcast_in_dim3A_1534] : memref<32x128xf32, #tpu.memory_space<vmem>>[vector<16xi32>, vector<16xi32>], vector<16xf32>,
      %gather3A_1555 = arith.constant 1 : i32
      %gather3A_1556 = arith.constant 0 : i32
      %gather3A_1557 = arith.constant 0 : i32
      %gather3A_1558 = tpu.memref_slice %arg10[%gather3A_1555, %gather3A_1556, %gather3A_1557] : memref<8x32x128xf32, #tpu.memory_space<vmem>> -> memref<1x32x128xf32, #tpu.memory_space<vmem>>
      %gather3A_1559 = tpu.memref_squeeze %gather3A_1558 : memref<1x32x128xf32, #tpu.memory_space<vmem>> -> memref<32x128xf32, #tpu.memory_space<vmem>>
      %gather3A_1560 = tpu.vector_load_idx %gather3A_1559[%add3A_1540, %broadcast_in_dim3A_1537] : memref<32x128xf32, #tpu.memory_space<vmem>>[vector<16xi32>, vector<16xi32>], vector<16xf32>,
      tpu.vector_store_idx %arg11[%add3A_1548], %gather3A_1554 : memref<16384xf32, #tpu.memory_space<vmem>>[vector<16xi32>], vector<16xf32>,
      tpu.vector_store_idx %arg12[%add3A_1548], %gather3A_1560 : memref<16384xf32, #tpu.memory_space<vmem>>[vector<16xi32>], vector<16xf32>,
      %add3A_1561 = arith.constant 16 : i32
      %add3A_1562 = vector.broadcast %add3A_1561 : i32 to vector<16xi32>
      %add3A_1563 = arith.addi %add3A_1562, %iota3A : vector<16xi32>
      %add3A_1564 = arith.constant 16 : i32
      %add3A_1565 = vector.broadcast %add3A_1564 : i32 to vector<16xi32>
      %add3A_1566 = arith.addi %add3A_1565, %iota3A : vector<16xi32>
      %mul3A_1567 = arith.constant 512 : i32
      %mul3A_1568 = vector.broadcast %mul3A_1567 : i32 to vector<16xi32>
      %mul3A_1569 = arith.muli %add3A_1566, %mul3A_1568 : vector<16xi32>
      %add3A_1570 = vector.broadcast %add3A_1531 : i32 to vector<16xi32>
      %add3A_1571 = arith.addi %mul3A_1569, %add3A_1570 : vector<16xi32>
      %gather3A_1572 = arith.constant 1 : i32
      %gather3A_1573 = arith.constant 0 : i32
      %gather3A_1574 = arith.constant 0 : i32
      %gather3A_1575 = tpu.memref_slice %arg9[%gather3A_1572, %gather3A_1573, %gather3A_1574] : memref<8x32x128xf32, #tpu.memory_space<vmem>> -> memref<1x32x128xf32, #tpu.memory_space<vmem>>
      %gather3A_1576 = tpu.memref_squeeze %gather3A_1575 : memref<1x32x128xf32, #tpu.memory_space<vmem>> -> memref<32x128xf32, #tpu.memory_space<vmem>>
      %gather3A_1577 = tpu.vector_load_idx %gather3A_1576[%add3A_1563, %broadcast_in_dim3A_1534] : memref<32x128xf32, #tpu.memory_space<vmem>>[vector<16xi32>, vector<16xi32>], vector<16xf32>,
      %gather3A_1578 = arith.constant 1 : i32
      %gather3A_1579 = arith.constant 0 : i32
      %gather3A_1580 = arith.constant 0 : i32
      %gather3A_1581 = tpu.memref_slice %arg10[%gather3A_1578, %gather3A_1579, %gather3A_1580] : memref<8x32x128xf32, #tpu.memory_space<vmem>> -> memref<1x32x128xf32, #tpu.memory_space<vmem>>
      %gather3A_1582 = tpu.memref_squeeze %gather3A_1581 : memref<1x32x128xf32, #tpu.memory_space<vmem>> -> memref<32x128xf32, #tpu.memory_space<vmem>>
      %gather3A_1583 = tpu.vector_load_idx %gather3A_1582[%add3A_1563, %broadcast_in_dim3A_1537] : memref<32x128xf32, #tpu.memory_space<vmem>>[vector<16xi32>, vector<16xi32>], vector<16xf32>,
      tpu.vector_store_idx %arg11[%add3A_1571], %gather3A_1577 : memref<16384xf32, #tpu.memory_space<vmem>>[vector<16xi32>], vector<16xf32>,
      tpu.vector_store_idx %arg12[%add3A_1571], %gather3A_1583 : memref<16384xf32, #tpu.memory_space<vmem>>[vector<16xi32>], vector<16xf32>,
      %mul3A_1584 = arith.constant 16 : i32
      %mul3A_1585 = arith.muli %scan3A_12, %mul3A_1584 : i32
      %add3A_1586 = arith.constant 8 : i32
      %add3A_1587 = arith.addi %mul3A_1585, %add3A_1586 : i32
      %add3A_1588 = arith.constant 2 : i32
      %add3A_1589 = arith.addi %add3A_1587, %add3A_1588 : i32
      %and3A_1590 = arith.constant 127 : i32
      %and3A_1591 = arith.andi %squeeze3A_1045, %and3A_1590 : i32
      %broadcast_in_dim3A_1592 = vector.broadcast %and3A_1591 : i32 to vector<16xi32>
      %and3A_1593 = arith.constant 127 : i32
      %and3A_1594 = arith.andi %squeeze3A_1047, %and3A_1593 : i32
      %broadcast_in_dim3A_1595 = vector.broadcast %and3A_1594 : i32 to vector<16xi32>
      %add3A_1596 = arith.constant 0 : i32
      %add3A_1597 = vector.broadcast %add3A_1596 : i32 to vector<16xi32>
      %add3A_1598 = arith.addi %add3A_1597, %iota3A : vector<16xi32>
      %add3A_1599 = arith.constant 0 : i32
      %add3A_1600 = vector.broadcast %add3A_1599 : i32 to vector<16xi32>
      %add3A_1601 = arith.addi %add3A_1600, %iota3A : vector<16xi32>
      %mul3A_1602 = arith.constant 512 : i32
      %mul3A_1603 = vector.broadcast %mul3A_1602 : i32 to vector<16xi32>
      %mul3A_1604 = arith.muli %add3A_1601, %mul3A_1603 : vector<16xi32>
      %add3A_1605 = vector.broadcast %add3A_1589 : i32 to vector<16xi32>
      %add3A_1606 = arith.addi %mul3A_1604, %add3A_1605 : vector<16xi32>
      %gather3A_1607 = arith.constant 2 : i32
      %gather3A_1608 = arith.constant 0 : i32
      %gather3A_1609 = arith.constant 0 : i32
      %gather3A_1610 = tpu.memref_slice %arg9[%gather3A_1607, %gather3A_1608, %gather3A_1609] : memref<8x32x128xf32, #tpu.memory_space<vmem>> -> memref<1x32x128xf32, #tpu.memory_space<vmem>>
      %gather3A_1611 = tpu.memref_squeeze %gather3A_1610 : memref<1x32x128xf32, #tpu.memory_space<vmem>> -> memref<32x128xf32, #tpu.memory_space<vmem>>
      %gather3A_1612 = tpu.vector_load_idx %gather3A_1611[%add3A_1598, %broadcast_in_dim3A_1592] : memref<32x128xf32, #tpu.memory_space<vmem>>[vector<16xi32>, vector<16xi32>], vector<16xf32>,
      %gather3A_1613 = arith.constant 2 : i32
      %gather3A_1614 = arith.constant 0 : i32
      %gather3A_1615 = arith.constant 0 : i32
      %gather3A_1616 = tpu.memref_slice %arg10[%gather3A_1613, %gather3A_1614, %gather3A_1615] : memref<8x32x128xf32, #tpu.memory_space<vmem>> -> memref<1x32x128xf32, #tpu.memory_space<vmem>>
      %gather3A_1617 = tpu.memref_squeeze %gather3A_1616 : memref<1x32x128xf32, #tpu.memory_space<vmem>> -> memref<32x128xf32, #tpu.memory_space<vmem>>
      %gather3A_1618 = tpu.vector_load_idx %gather3A_1617[%add3A_1598, %broadcast_in_dim3A_1595] : memref<32x128xf32, #tpu.memory_space<vmem>>[vector<16xi32>, vector<16xi32>], vector<16xf32>,
      tpu.vector_store_idx %arg11[%add3A_1606], %gather3A_1612 : memref<16384xf32, #tpu.memory_space<vmem>>[vector<16xi32>], vector<16xf32>,
      tpu.vector_store_idx %arg12[%add3A_1606], %gather3A_1618 : memref<16384xf32, #tpu.memory_space<vmem>>[vector<16xi32>], vector<16xf32>,
      %add3A_1619 = arith.constant 16 : i32
      %add3A_1620 = vector.broadcast %add3A_1619 : i32 to vector<16xi32>
      %add3A_1621 = arith.addi %add3A_1620, %iota3A : vector<16xi32>
      %add3A_1622 = arith.constant 16 : i32
      %add3A_1623 = vector.broadcast %add3A_1622 : i32 to vector<16xi32>
      %add3A_1624 = arith.addi %add3A_1623, %iota3A : vector<16xi32>
      %mul3A_1625 = arith.constant 512 : i32
      %mul3A_1626 = vector.broadcast %mul3A_1625 : i32 to vector<16xi32>
      %mul3A_1627 = arith.muli %add3A_1624, %mul3A_1626 : vector<16xi32>
      %add3A_1628 = vector.broadcast %add3A_1589 : i32 to vector<16xi32>
      %add3A_1629 = arith.addi %mul3A_1627, %add3A_1628 : vector<16xi32>
      %gather3A_1630 = arith.constant 2 : i32
      %gather3A_1631 = arith.constant 0 : i32
      %gather3A_1632 = arith.constant 0 : i32
      %gather3A_1633 = tpu.memref_slice %arg9[%gather3A_1630, %gather3A_1631, %gather3A_1632] : memref<8x32x128xf32, #tpu.memory_space<vmem>> -> memref<1x32x128xf32, #tpu.memory_space<vmem>>
      %gather3A_1634 = tpu.memref_squeeze %gather3A_1633 : memref<1x32x128xf32, #tpu.memory_space<vmem>> -> memref<32x128xf32, #tpu.memory_space<vmem>>
      %gather3A_1635 = tpu.vector_load_idx %gather3A_1634[%add3A_1621, %broadcast_in_dim3A_1592] : memref<32x128xf32, #tpu.memory_space<vmem>>[vector<16xi32>, vector<16xi32>], vector<16xf32>,
      %gather3A_1636 = arith.constant 2 : i32
      %gather3A_1637 = arith.constant 0 : i32
      %gather3A_1638 = arith.constant 0 : i32
      %gather3A_1639 = tpu.memref_slice %arg10[%gather3A_1636, %gather3A_1637, %gather3A_1638] : memref<8x32x128xf32, #tpu.memory_space<vmem>> -> memref<1x32x128xf32, #tpu.memory_space<vmem>>
      %gather3A_1640 = tpu.memref_squeeze %gather3A_1639 : memref<1x32x128xf32, #tpu.memory_space<vmem>> -> memref<32x128xf32, #tpu.memory_space<vmem>>
      %gather3A_1641 = tpu.vector_load_idx %gather3A_1640[%add3A_1621, %broadcast_in_dim3A_1595] : memref<32x128xf32, #tpu.memory_space<vmem>>[vector<16xi32>, vector<16xi32>], vector<16xf32>,
      tpu.vector_store_idx %arg11[%add3A_1629], %gather3A_1635 : memref<16384xf32, #tpu.memory_space<vmem>>[vector<16xi32>], vector<16xf32>,
      tpu.vector_store_idx %arg12[%add3A_1629], %gather3A_1641 : memref<16384xf32, #tpu.memory_space<vmem>>[vector<16xi32>], vector<16xf32>,
      %mul3A_1642 = arith.constant 16 : i32
      %mul3A_1643 = arith.muli %scan3A_12, %mul3A_1642 : i32
      %add3A_1644 = arith.constant 8 : i32
      %add3A_1645 = arith.addi %mul3A_1643, %add3A_1644 : i32
      %add3A_1646 = arith.constant 3 : i32
      %add3A_1647 = arith.addi %add3A_1645, %add3A_1646 : i32
      %and3A_1648 = arith.constant 127 : i32
      %and3A_1649 = arith.andi %squeeze3A_1081, %and3A_1648 : i32
      %broadcast_in_dim3A_1650 = vector.broadcast %and3A_1649 : i32 to vector<16xi32>
      %and3A_1651 = arith.constant 127 : i32
      %and3A_1652 = arith.andi %squeeze3A_1083, %and3A_1651 : i32
      %broadcast_in_dim3A_1653 = vector.broadcast %and3A_1652 : i32 to vector<16xi32>
      %add3A_1654 = arith.constant 0 : i32
      %add3A_1655 = vector.broadcast %add3A_1654 : i32 to vector<16xi32>
      %add3A_1656 = arith.addi %add3A_1655, %iota3A : vector<16xi32>
      %add3A_1657 = arith.constant 0 : i32
      %add3A_1658 = vector.broadcast %add3A_1657 : i32 to vector<16xi32>
      %add3A_1659 = arith.addi %add3A_1658, %iota3A : vector<16xi32>
      %mul3A_1660 = arith.constant 512 : i32
      %mul3A_1661 = vector.broadcast %mul3A_1660 : i32 to vector<16xi32>
      %mul3A_1662 = arith.muli %add3A_1659, %mul3A_1661 : vector<16xi32>
      %add3A_1663 = vector.broadcast %add3A_1647 : i32 to vector<16xi32>
      %add3A_1664 = arith.addi %mul3A_1662, %add3A_1663 : vector<16xi32>
      %gather3A_1665 = arith.constant 3 : i32
      %gather3A_1666 = arith.constant 0 : i32
      %gather3A_1667 = arith.constant 0 : i32
      %gather3A_1668 = tpu.memref_slice %arg9[%gather3A_1665, %gather3A_1666, %gather3A_1667] : memref<8x32x128xf32, #tpu.memory_space<vmem>> -> memref<1x32x128xf32, #tpu.memory_space<vmem>>
      %gather3A_1669 = tpu.memref_squeeze %gather3A_1668 : memref<1x32x128xf32, #tpu.memory_space<vmem>> -> memref<32x128xf32, #tpu.memory_space<vmem>>
      %gather3A_1670 = tpu.vector_load_idx %gather3A_1669[%add3A_1656, %broadcast_in_dim3A_1650] : memref<32x128xf32, #tpu.memory_space<vmem>>[vector<16xi32>, vector<16xi32>], vector<16xf32>,
      %gather3A_1671 = arith.constant 3 : i32
      %gather3A_1672 = arith.constant 0 : i32
      %gather3A_1673 = arith.constant 0 : i32
      %gather3A_1674 = tpu.memref_slice %arg10[%gather3A_1671, %gather3A_1672, %gather3A_1673] : memref<8x32x128xf32, #tpu.memory_space<vmem>> -> memref<1x32x128xf32, #tpu.memory_space<vmem>>
      %gather3A_1675 = tpu.memref_squeeze %gather3A_1674 : memref<1x32x128xf32, #tpu.memory_space<vmem>> -> memref<32x128xf32, #tpu.memory_space<vmem>>
      %gather3A_1676 = tpu.vector_load_idx %gather3A_1675[%add3A_1656, %broadcast_in_dim3A_1653] : memref<32x128xf32, #tpu.memory_space<vmem>>[vector<16xi32>, vector<16xi32>], vector<16xf32>,
      tpu.vector_store_idx %arg11[%add3A_1664], %gather3A_1670 : memref<16384xf32, #tpu.memory_space<vmem>>[vector<16xi32>], vector<16xf32>,
      tpu.vector_store_idx %arg12[%add3A_1664], %gather3A_1676 : memref<16384xf32, #tpu.memory_space<vmem>>[vector<16xi32>], vector<16xf32>,
      %add3A_1677 = arith.constant 16 : i32
      %add3A_1678 = vector.broadcast %add3A_1677 : i32 to vector<16xi32>
      %add3A_1679 = arith.addi %add3A_1678, %iota3A : vector<16xi32>
      %add3A_1680 = arith.constant 16 : i32
      %add3A_1681 = vector.broadcast %add3A_1680 : i32 to vector<16xi32>
      %add3A_1682 = arith.addi %add3A_1681, %iota3A : vector<16xi32>
      %mul3A_1683 = arith.constant 512 : i32
      %mul3A_1684 = vector.broadcast %mul3A_1683 : i32 to vector<16xi32>
      %mul3A_1685 = arith.muli %add3A_1682, %mul3A_1684 : vector<16xi32>
      %add3A_1686 = vector.broadcast %add3A_1647 : i32 to vector<16xi32>
      %add3A_1687 = arith.addi %mul3A_1685, %add3A_1686 : vector<16xi32>
      %gather3A_1688 = arith.constant 3 : i32
      %gather3A_1689 = arith.constant 0 : i32
      %gather3A_1690 = arith.constant 0 : i32
      %gather3A_1691 = tpu.memref_slice %arg9[%gather3A_1688, %gather3A_1689, %gather3A_1690] : memref<8x32x128xf32, #tpu.memory_space<vmem>> -> memref<1x32x128xf32, #tpu.memory_space<vmem>>
      %gather3A_1692 = tpu.memref_squeeze %gather3A_1691 : memref<1x32x128xf32, #tpu.memory_space<vmem>> -> memref<32x128xf32, #tpu.memory_space<vmem>>
      %gather3A_1693 = tpu.vector_load_idx %gather3A_1692[%add3A_1679, %broadcast_in_dim3A_1650] : memref<32x128xf32, #tpu.memory_space<vmem>>[vector<16xi32>, vector<16xi32>], vector<16xf32>,
      %gather3A_1694 = arith.constant 3 : i32
      %gather3A_1695 = arith.constant 0 : i32
      %gather3A_1696 = arith.constant 0 : i32
      %gather3A_1697 = tpu.memref_slice %arg10[%gather3A_1694, %gather3A_1695, %gather3A_1696] : memref<8x32x128xf32, #tpu.memory_space<vmem>> -> memref<1x32x128xf32, #tpu.memory_space<vmem>>
      %gather3A_1698 = tpu.memref_squeeze %gather3A_1697 : memref<1x32x128xf32, #tpu.memory_space<vmem>> -> memref<32x128xf32, #tpu.memory_space<vmem>>
      %gather3A_1699 = tpu.vector_load_idx %gather3A_1698[%add3A_1679, %broadcast_in_dim3A_1653] : memref<32x128xf32, #tpu.memory_space<vmem>>[vector<16xi32>, vector<16xi32>], vector<16xf32>,
      tpu.vector_store_idx %arg11[%add3A_1687], %gather3A_1693 : memref<16384xf32, #tpu.memory_space<vmem>>[vector<16xi32>], vector<16xf32>,
      tpu.vector_store_idx %arg12[%add3A_1687], %gather3A_1699 : memref<16384xf32, #tpu.memory_space<vmem>>[vector<16xi32>], vector<16xf32>,
      %mul3A_1700 = arith.constant 16 : i32
      %mul3A_1701 = arith.muli %scan3A_12, %mul3A_1700 : i32
      %add3A_1702 = arith.constant 8 : i32
      %add3A_1703 = arith.addi %mul3A_1701, %add3A_1702 : i32
      %add3A_1704 = arith.constant 4 : i32
      %add3A_1705 = arith.addi %add3A_1703, %add3A_1704 : i32
      %and3A_1706 = arith.constant 127 : i32
      %and3A_1707 = arith.andi %squeeze3A_1117, %and3A_1706 : i32
      %broadcast_in_dim3A_1708 = vector.broadcast %and3A_1707 : i32 to vector<16xi32>
      %and3A_1709 = arith.constant 127 : i32
      %and3A_1710 = arith.andi %squeeze3A_1119, %and3A_1709 : i32
      %broadcast_in_dim3A_1711 = vector.broadcast %and3A_1710 : i32 to vector<16xi32>
      %add3A_1712 = arith.constant 0 : i32
      %add3A_1713 = vector.broadcast %add3A_1712 : i32 to vector<16xi32>
      %add3A_1714 = arith.addi %add3A_1713, %iota3A : vector<16xi32>
      %add3A_1715 = arith.constant 0 : i32
      %add3A_1716 = vector.broadcast %add3A_1715 : i32 to vector<16xi32>
      %add3A_1717 = arith.addi %add3A_1716, %iota3A : vector<16xi32>
      %mul3A_1718 = arith.constant 512 : i32
      %mul3A_1719 = vector.broadcast %mul3A_1718 : i32 to vector<16xi32>
      %mul3A_1720 = arith.muli %add3A_1717, %mul3A_1719 : vector<16xi32>
      %add3A_1721 = vector.broadcast %add3A_1705 : i32 to vector<16xi32>
      %add3A_1722 = arith.addi %mul3A_1720, %add3A_1721 : vector<16xi32>
      %gather3A_1723 = arith.constant 4 : i32
      %gather3A_1724 = arith.constant 0 : i32
      %gather3A_1725 = arith.constant 0 : i32
      %gather3A_1726 = tpu.memref_slice %arg9[%gather3A_1723, %gather3A_1724, %gather3A_1725] : memref<8x32x128xf32, #tpu.memory_space<vmem>> -> memref<1x32x128xf32, #tpu.memory_space<vmem>>
      %gather3A_1727 = tpu.memref_squeeze %gather3A_1726 : memref<1x32x128xf32, #tpu.memory_space<vmem>> -> memref<32x128xf32, #tpu.memory_space<vmem>>
      %gather3A_1728 = tpu.vector_load_idx %gather3A_1727[%add3A_1714, %broadcast_in_dim3A_1708] : memref<32x128xf32, #tpu.memory_space<vmem>>[vector<16xi32>, vector<16xi32>], vector<16xf32>,
      %gather3A_1729 = arith.constant 4 : i32
      %gather3A_1730 = arith.constant 0 : i32
      %gather3A_1731 = arith.constant 0 : i32
      %gather3A_1732 = tpu.memref_slice %arg10[%gather3A_1729, %gather3A_1730, %gather3A_1731] : memref<8x32x128xf32, #tpu.memory_space<vmem>> -> memref<1x32x128xf32, #tpu.memory_space<vmem>>
      %gather3A_1733 = tpu.memref_squeeze %gather3A_1732 : memref<1x32x128xf32, #tpu.memory_space<vmem>> -> memref<32x128xf32, #tpu.memory_space<vmem>>
      %gather3A_1734 = tpu.vector_load_idx %gather3A_1733[%add3A_1714, %broadcast_in_dim3A_1711] : memref<32x128xf32, #tpu.memory_space<vmem>>[vector<16xi32>, vector<16xi32>], vector<16xf32>,
      tpu.vector_store_idx %arg11[%add3A_1722], %gather3A_1728 : memref<16384xf32, #tpu.memory_space<vmem>>[vector<16xi32>], vector<16xf32>,
      tpu.vector_store_idx %arg12[%add3A_1722], %gather3A_1734 : memref<16384xf32, #tpu.memory_space<vmem>>[vector<16xi32>], vector<16xf32>,
      %add3A_1735 = arith.constant 16 : i32
      %add3A_1736 = vector.broadcast %add3A_1735 : i32 to vector<16xi32>
      %add3A_1737 = arith.addi %add3A_1736, %iota3A : vector<16xi32>
      %add3A_1738 = arith.constant 16 : i32
      %add3A_1739 = vector.broadcast %add3A_1738 : i32 to vector<16xi32>
      %add3A_1740 = arith.addi %add3A_1739, %iota3A : vector<16xi32>
      %mul3A_1741 = arith.constant 512 : i32
      %mul3A_1742 = vector.broadcast %mul3A_1741 : i32 to vector<16xi32>
      %mul3A_1743 = arith.muli %add3A_1740, %mul3A_1742 : vector<16xi32>
      %add3A_1744 = vector.broadcast %add3A_1705 : i32 to vector<16xi32>
      %add3A_1745 = arith.addi %mul3A_1743, %add3A_1744 : vector<16xi32>
      %gather3A_1746 = arith.constant 4 : i32
      %gather3A_1747 = arith.constant 0 : i32
      %gather3A_1748 = arith.constant 0 : i32
      %gather3A_1749 = tpu.memref_slice %arg9[%gather3A_1746, %gather3A_1747, %gather3A_1748] : memref<8x32x128xf32, #tpu.memory_space<vmem>> -> memref<1x32x128xf32, #tpu.memory_space<vmem>>
      %gather3A_1750 = tpu.memref_squeeze %gather3A_1749 : memref<1x32x128xf32, #tpu.memory_space<vmem>> -> memref<32x128xf32, #tpu.memory_space<vmem>>
      %gather3A_1751 = tpu.vector_load_idx %gather3A_1750[%add3A_1737, %broadcast_in_dim3A_1708] : memref<32x128xf32, #tpu.memory_space<vmem>>[vector<16xi32>, vector<16xi32>], vector<16xf32>,
      %gather3A_1752 = arith.constant 4 : i32
      %gather3A_1753 = arith.constant 0 : i32
      %gather3A_1754 = arith.constant 0 : i32
      %gather3A_1755 = tpu.memref_slice %arg10[%gather3A_1752, %gather3A_1753, %gather3A_1754] : memref<8x32x128xf32, #tpu.memory_space<vmem>> -> memref<1x32x128xf32, #tpu.memory_space<vmem>>
      %gather3A_1756 = tpu.memref_squeeze %gather3A_1755 : memref<1x32x128xf32, #tpu.memory_space<vmem>> -> memref<32x128xf32, #tpu.memory_space<vmem>>
      %gather3A_1757 = tpu.vector_load_idx %gather3A_1756[%add3A_1737, %broadcast_in_dim3A_1711] : memref<32x128xf32, #tpu.memory_space<vmem>>[vector<16xi32>, vector<16xi32>], vector<16xf32>,
      tpu.vector_store_idx %arg11[%add3A_1745], %gather3A_1751 : memref<16384xf32, #tpu.memory_space<vmem>>[vector<16xi32>], vector<16xf32>,
      tpu.vector_store_idx %arg12[%add3A_1745], %gather3A_1757 : memref<16384xf32, #tpu.memory_space<vmem>>[vector<16xi32>], vector<16xf32>,
      %mul3A_1758 = arith.constant 16 : i32
      %mul3A_1759 = arith.muli %scan3A_12, %mul3A_1758 : i32
      %add3A_1760 = arith.constant 8 : i32
      %add3A_1761 = arith.addi %mul3A_1759, %add3A_1760 : i32
      %add3A_1762 = arith.constant 5 : i32
      %add3A_1763 = arith.addi %add3A_1761, %add3A_1762 : i32
      %and3A_1764 = arith.constant 127 : i32
      %and3A_1765 = arith.andi %squeeze3A_1153, %and3A_1764 : i32
      %broadcast_in_dim3A_1766 = vector.broadcast %and3A_1765 : i32 to vector<16xi32>
      %and3A_1767 = arith.constant 127 : i32
      %and3A_1768 = arith.andi %squeeze3A_1155, %and3A_1767 : i32
      %broadcast_in_dim3A_1769 = vector.broadcast %and3A_1768 : i32 to vector<16xi32>
      %add3A_1770 = arith.constant 0 : i32
      %add3A_1771 = vector.broadcast %add3A_1770 : i32 to vector<16xi32>
      %add3A_1772 = arith.addi %add3A_1771, %iota3A : vector<16xi32>
      %add3A_1773 = arith.constant 0 : i32
      %add3A_1774 = vector.broadcast %add3A_1773 : i32 to vector<16xi32>
      %add3A_1775 = arith.addi %add3A_1774, %iota3A : vector<16xi32>
      %mul3A_1776 = arith.constant 512 : i32
      %mul3A_1777 = vector.broadcast %mul3A_1776 : i32 to vector<16xi32>
      %mul3A_1778 = arith.muli %add3A_1775, %mul3A_1777 : vector<16xi32>
      %add3A_1779 = vector.broadcast %add3A_1763 : i32 to vector<16xi32>
      %add3A_1780 = arith.addi %mul3A_1778, %add3A_1779 : vector<16xi32>
      %gather3A_1781 = arith.constant 5 : i32
      %gather3A_1782 = arith.constant 0 : i32
      %gather3A_1783 = arith.constant 0 : i32
      %gather3A_1784 = tpu.memref_slice %arg9[%gather3A_1781, %gather3A_1782, %gather3A_1783] : memref<8x32x128xf32, #tpu.memory_space<vmem>> -> memref<1x32x128xf32, #tpu.memory_space<vmem>>
      %gather3A_1785 = tpu.memref_squeeze %gather3A_1784 : memref<1x32x128xf32, #tpu.memory_space<vmem>> -> memref<32x128xf32, #tpu.memory_space<vmem>>
      %gather3A_1786 = tpu.vector_load_idx %gather3A_1785[%add3A_1772, %broadcast_in_dim3A_1766] : memref<32x128xf32, #tpu.memory_space<vmem>>[vector<16xi32>, vector<16xi32>], vector<16xf32>,
      %gather3A_1787 = arith.constant 5 : i32
      %gather3A_1788 = arith.constant 0 : i32
      %gather3A_1789 = arith.constant 0 : i32
      %gather3A_1790 = tpu.memref_slice %arg10[%gather3A_1787, %gather3A_1788, %gather3A_1789] : memref<8x32x128xf32, #tpu.memory_space<vmem>> -> memref<1x32x128xf32, #tpu.memory_space<vmem>>
      %gather3A_1791 = tpu.memref_squeeze %gather3A_1790 : memref<1x32x128xf32, #tpu.memory_space<vmem>> -> memref<32x128xf32, #tpu.memory_space<vmem>>
      %gather3A_1792 = tpu.vector_load_idx %gather3A_1791[%add3A_1772, %broadcast_in_dim3A_1769] : memref<32x128xf32, #tpu.memory_space<vmem>>[vector<16xi32>, vector<16xi32>], vector<16xf32>,
      tpu.vector_store_idx %arg11[%add3A_1780], %gather3A_1786 : memref<16384xf32, #tpu.memory_space<vmem>>[vector<16xi32>], vector<16xf32>,
      tpu.vector_store_idx %arg12[%add3A_1780], %gather3A_1792 : memref<16384xf32, #tpu.memory_space<vmem>>[vector<16xi32>], vector<16xf32>,
      %add3A_1793 = arith.constant 16 : i32
      %add3A_1794 = vector.broadcast %add3A_1793 : i32 to vector<16xi32>
      %add3A_1795 = arith.addi %add3A_1794, %iota3A : vector<16xi32>
      %add3A_1796 = arith.constant 16 : i32
      %add3A_1797 = vector.broadcast %add3A_1796 : i32 to vector<16xi32>
      %add3A_1798 = arith.addi %add3A_1797, %iota3A : vector<16xi32>
      %mul3A_1799 = arith.constant 512 : i32
      %mul3A_1800 = vector.broadcast %mul3A_1799 : i32 to vector<16xi32>
      %mul3A_1801 = arith.muli %add3A_1798, %mul3A_1800 : vector<16xi32>
      %add3A_1802 = vector.broadcast %add3A_1763 : i32 to vector<16xi32>
      %add3A_1803 = arith.addi %mul3A_1801, %add3A_1802 : vector<16xi32>
      %gather3A_1804 = arith.constant 5 : i32
      %gather3A_1805 = arith.constant 0 : i32
      %gather3A_1806 = arith.constant 0 : i32
      %gather3A_1807 = tpu.memref_slice %arg9[%gather3A_1804, %gather3A_1805, %gather3A_1806] : memref<8x32x128xf32, #tpu.memory_space<vmem>> -> memref<1x32x128xf32, #tpu.memory_space<vmem>>
      %gather3A_1808 = tpu.memref_squeeze %gather3A_1807 : memref<1x32x128xf32, #tpu.memory_space<vmem>> -> memref<32x128xf32, #tpu.memory_space<vmem>>
      %gather3A_1809 = tpu.vector_load_idx %gather3A_1808[%add3A_1795, %broadcast_in_dim3A_1766] : memref<32x128xf32, #tpu.memory_space<vmem>>[vector<16xi32>, vector<16xi32>], vector<16xf32>,
      %gather3A_1810 = arith.constant 5 : i32
      %gather3A_1811 = arith.constant 0 : i32
      %gather3A_1812 = arith.constant 0 : i32
      %gather3A_1813 = tpu.memref_slice %arg10[%gather3A_1810, %gather3A_1811, %gather3A_1812] : memref<8x32x128xf32, #tpu.memory_space<vmem>> -> memref<1x32x128xf32, #tpu.memory_space<vmem>>
      %gather3A_1814 = tpu.memref_squeeze %gather3A_1813 : memref<1x32x128xf32, #tpu.memory_space<vmem>> -> memref<32x128xf32, #tpu.memory_space<vmem>>
      %gather3A_1815 = tpu.vector_load_idx %gather3A_1814[%add3A_1795, %broadcast_in_dim3A_1769] : memref<32x128xf32, #tpu.memory_space<vmem>>[vector<16xi32>, vector<16xi32>], vector<16xf32>,
      tpu.vector_store_idx %arg11[%add3A_1803], %gather3A_1809 : memref<16384xf32, #tpu.memory_space<vmem>>[vector<16xi32>], vector<16xf32>,
      tpu.vector_store_idx %arg12[%add3A_1803], %gather3A_1815 : memref<16384xf32, #tpu.memory_space<vmem>>[vector<16xi32>], vector<16xf32>,
      %mul3A_1816 = arith.constant 16 : i32
      %mul3A_1817 = arith.muli %scan3A_12, %mul3A_1816 : i32
      %add3A_1818 = arith.constant 8 : i32
      %add3A_1819 = arith.addi %mul3A_1817, %add3A_1818 : i32
      %add3A_1820 = arith.constant 6 : i32
      %add3A_1821 = arith.addi %add3A_1819, %add3A_1820 : i32
      %and3A_1822 = arith.constant 127 : i32
      %and3A_1823 = arith.andi %squeeze3A_1189, %and3A_1822 : i32
      %broadcast_in_dim3A_1824 = vector.broadcast %and3A_1823 : i32 to vector<16xi32>
      %and3A_1825 = arith.constant 127 : i32
      %and3A_1826 = arith.andi %squeeze3A_1191, %and3A_1825 : i32
      %broadcast_in_dim3A_1827 = vector.broadcast %and3A_1826 : i32 to vector<16xi32>
      %add3A_1828 = arith.constant 0 : i32
      %add3A_1829 = vector.broadcast %add3A_1828 : i32 to vector<16xi32>
      %add3A_1830 = arith.addi %add3A_1829, %iota3A : vector<16xi32>
      %add3A_1831 = arith.constant 0 : i32
      %add3A_1832 = vector.broadcast %add3A_1831 : i32 to vector<16xi32>
      %add3A_1833 = arith.addi %add3A_1832, %iota3A : vector<16xi32>
      %mul3A_1834 = arith.constant 512 : i32
      %mul3A_1835 = vector.broadcast %mul3A_1834 : i32 to vector<16xi32>
      %mul3A_1836 = arith.muli %add3A_1833, %mul3A_1835 : vector<16xi32>
      %add3A_1837 = vector.broadcast %add3A_1821 : i32 to vector<16xi32>
      %add3A_1838 = arith.addi %mul3A_1836, %add3A_1837 : vector<16xi32>
      %gather3A_1839 = arith.constant 6 : i32
      %gather3A_1840 = arith.constant 0 : i32
      %gather3A_1841 = arith.constant 0 : i32
      %gather3A_1842 = tpu.memref_slice %arg9[%gather3A_1839, %gather3A_1840, %gather3A_1841] : memref<8x32x128xf32, #tpu.memory_space<vmem>> -> memref<1x32x128xf32, #tpu.memory_space<vmem>>
      %gather3A_1843 = tpu.memref_squeeze %gather3A_1842 : memref<1x32x128xf32, #tpu.memory_space<vmem>> -> memref<32x128xf32, #tpu.memory_space<vmem>>
      %gather3A_1844 = tpu.vector_load_idx %gather3A_1843[%add3A_1830, %broadcast_in_dim3A_1824] : memref<32x128xf32, #tpu.memory_space<vmem>>[vector<16xi32>, vector<16xi32>], vector<16xf32>,
      %gather3A_1845 = arith.constant 6 : i32
      %gather3A_1846 = arith.constant 0 : i32
      %gather3A_1847 = arith.constant 0 : i32
      %gather3A_1848 = tpu.memref_slice %arg10[%gather3A_1845, %gather3A_1846, %gather3A_1847] : memref<8x32x128xf32, #tpu.memory_space<vmem>> -> memref<1x32x128xf32, #tpu.memory_space<vmem>>
      %gather3A_1849 = tpu.memref_squeeze %gather3A_1848 : memref<1x32x128xf32, #tpu.memory_space<vmem>> -> memref<32x128xf32, #tpu.memory_space<vmem>>
      %gather3A_1850 = tpu.vector_load_idx %gather3A_1849[%add3A_1830, %broadcast_in_dim3A_1827] : memref<32x128xf32, #tpu.memory_space<vmem>>[vector<16xi32>, vector<16xi32>], vector<16xf32>,
      tpu.vector_store_idx %arg11[%add3A_1838], %gather3A_1844 : memref<16384xf32, #tpu.memory_space<vmem>>[vector<16xi32>], vector<16xf32>,
      tpu.vector_store_idx %arg12[%add3A_1838], %gather3A_1850 : memref<16384xf32, #tpu.memory_space<vmem>>[vector<16xi32>], vector<16xf32>,
      %add3A_1851 = arith.constant 16 : i32
      %add3A_1852 = vector.broadcast %add3A_1851 : i32 to vector<16xi32>
      %add3A_1853 = arith.addi %add3A_1852, %iota3A : vector<16xi32>
      %add3A_1854 = arith.constant 16 : i32
      %add3A_1855 = vector.broadcast %add3A_1854 : i32 to vector<16xi32>
      %add3A_1856 = arith.addi %add3A_1855, %iota3A : vector<16xi32>
      %mul3A_1857 = arith.constant 512 : i32
      %mul3A_1858 = vector.broadcast %mul3A_1857 : i32 to vector<16xi32>
      %mul3A_1859 = arith.muli %add3A_1856, %mul3A_1858 : vector<16xi32>
      %add3A_1860 = vector.broadcast %add3A_1821 : i32 to vector<16xi32>
      %add3A_1861 = arith.addi %mul3A_1859, %add3A_1860 : vector<16xi32>
      %gather3A_1862 = arith.constant 6 : i32
      %gather3A_1863 = arith.constant 0 : i32
      %gather3A_1864 = arith.constant 0 : i32
      %gather3A_1865 = tpu.memref_slice %arg9[%gather3A_1862, %gather3A_1863, %gather3A_1864] : memref<8x32x128xf32, #tpu.memory_space<vmem>> -> memref<1x32x128xf32, #tpu.memory_space<vmem>>
      %gather3A_1866 = tpu.memref_squeeze %gather3A_1865 : memref<1x32x128xf32, #tpu.memory_space<vmem>> -> memref<32x128xf32, #tpu.memory_space<vmem>>
      %gather3A_1867 = tpu.vector_load_idx %gather3A_1866[%add3A_1853, %broadcast_in_dim3A_1824] : memref<32x128xf32, #tpu.memory_space<vmem>>[vector<16xi32>, vector<16xi32>], vector<16xf32>,
      %gather3A_1868 = arith.constant 6 : i32
      %gather3A_1869 = arith.constant 0 : i32
      %gather3A_1870 = arith.constant 0 : i32
      %gather3A_1871 = tpu.memref_slice %arg10[%gather3A_1868, %gather3A_1869, %gather3A_1870] : memref<8x32x128xf32, #tpu.memory_space<vmem>> -> memref<1x32x128xf32, #tpu.memory_space<vmem>>
      %gather3A_1872 = tpu.memref_squeeze %gather3A_1871 : memref<1x32x128xf32, #tpu.memory_space<vmem>> -> memref<32x128xf32, #tpu.memory_space<vmem>>
      %gather3A_1873 = tpu.vector_load_idx %gather3A_1872[%add3A_1853, %broadcast_in_dim3A_1827] : memref<32x128xf32, #tpu.memory_space<vmem>>[vector<16xi32>, vector<16xi32>], vector<16xf32>,
      tpu.vector_store_idx %arg11[%add3A_1861], %gather3A_1867 : memref<16384xf32, #tpu.memory_space<vmem>>[vector<16xi32>], vector<16xf32>,
      tpu.vector_store_idx %arg12[%add3A_1861], %gather3A_1873 : memref<16384xf32, #tpu.memory_space<vmem>>[vector<16xi32>], vector<16xf32>,
      %mul3A_1874 = arith.constant 16 : i32
      %mul3A_1875 = arith.muli %scan3A_12, %mul3A_1874 : i32
      %add3A_1876 = arith.constant 8 : i32
      %add3A_1877 = arith.addi %mul3A_1875, %add3A_1876 : i32
      %add3A_1878 = arith.constant 7 : i32
      %add3A_1879 = arith.addi %add3A_1877, %add3A_1878 : i32
      %and3A_1880 = arith.constant 127 : i32
      %and3A_1881 = arith.andi %squeeze3A_1225, %and3A_1880 : i32
      %broadcast_in_dim3A_1882 = vector.broadcast %and3A_1881 : i32 to vector<16xi32>
      %and3A_1883 = arith.constant 127 : i32
      %and3A_1884 = arith.andi %squeeze3A_1227, %and3A_1883 : i32
      %broadcast_in_dim3A_1885 = vector.broadcast %and3A_1884 : i32 to vector<16xi32>
      %add3A_1886 = arith.constant 0 : i32
      %add3A_1887 = vector.broadcast %add3A_1886 : i32 to vector<16xi32>
      %add3A_1888 = arith.addi %add3A_1887, %iota3A : vector<16xi32>
      %add3A_1889 = arith.constant 0 : i32
      %add3A_1890 = vector.broadcast %add3A_1889 : i32 to vector<16xi32>
      %add3A_1891 = arith.addi %add3A_1890, %iota3A : vector<16xi32>
      %mul3A_1892 = arith.constant 512 : i32
      %mul3A_1893 = vector.broadcast %mul3A_1892 : i32 to vector<16xi32>
      %mul3A_1894 = arith.muli %add3A_1891, %mul3A_1893 : vector<16xi32>
      %add3A_1895 = vector.broadcast %add3A_1879 : i32 to vector<16xi32>
      %add3A_1896 = arith.addi %mul3A_1894, %add3A_1895 : vector<16xi32>
      %gather3A_1897 = arith.constant 7 : i32
      %gather3A_1898 = arith.constant 0 : i32
      %gather3A_1899 = arith.constant 0 : i32
      %gather3A_1900 = tpu.memref_slice %arg9[%gather3A_1897, %gather3A_1898, %gather3A_1899] : memref<8x32x128xf32, #tpu.memory_space<vmem>> -> memref<1x32x128xf32, #tpu.memory_space<vmem>>
      %gather3A_1901 = tpu.memref_squeeze %gather3A_1900 : memref<1x32x128xf32, #tpu.memory_space<vmem>> -> memref<32x128xf32, #tpu.memory_space<vmem>>
      %gather3A_1902 = tpu.vector_load_idx %gather3A_1901[%add3A_1888, %broadcast_in_dim3A_1882] : memref<32x128xf32, #tpu.memory_space<vmem>>[vector<16xi32>, vector<16xi32>], vector<16xf32>,
      %gather3A_1903 = arith.constant 7 : i32
      %gather3A_1904 = arith.constant 0 : i32
      %gather3A_1905 = arith.constant 0 : i32
      %gather3A_1906 = tpu.memref_slice %arg10[%gather3A_1903, %gather3A_1904, %gather3A_1905] : memref<8x32x128xf32, #tpu.memory_space<vmem>> -> memref<1x32x128xf32, #tpu.memory_space<vmem>>
      %gather3A_1907 = tpu.memref_squeeze %gather3A_1906 : memref<1x32x128xf32, #tpu.memory_space<vmem>> -> memref<32x128xf32, #tpu.memory_space<vmem>>
      %gather3A_1908 = tpu.vector_load_idx %gather3A_1907[%add3A_1888, %broadcast_in_dim3A_1885] : memref<32x128xf32, #tpu.memory_space<vmem>>[vector<16xi32>, vector<16xi32>], vector<16xf32>,
      tpu.vector_store_idx %arg11[%add3A_1896], %gather3A_1902 : memref<16384xf32, #tpu.memory_space<vmem>>[vector<16xi32>], vector<16xf32>,
      tpu.vector_store_idx %arg12[%add3A_1896], %gather3A_1908 : memref<16384xf32, #tpu.memory_space<vmem>>[vector<16xi32>], vector<16xf32>,
      %add3A_1909 = arith.constant 16 : i32
      %add3A_1910 = vector.broadcast %add3A_1909 : i32 to vector<16xi32>
      %add3A_1911 = arith.addi %add3A_1910, %iota3A : vector<16xi32>
      %add3A_1912 = arith.constant 16 : i32
      %add3A_1913 = vector.broadcast %add3A_1912 : i32 to vector<16xi32>
      %add3A_1914 = arith.addi %add3A_1913, %iota3A : vector<16xi32>
      %mul3A_1915 = arith.constant 512 : i32
      %mul3A_1916 = vector.broadcast %mul3A_1915 : i32 to vector<16xi32>
      %mul3A_1917 = arith.muli %add3A_1914, %mul3A_1916 : vector<16xi32>
      %add3A_1918 = vector.broadcast %add3A_1879 : i32 to vector<16xi32>
      %add3A_1919 = arith.addi %mul3A_1917, %add3A_1918 : vector<16xi32>
      %gather3A_1920 = arith.constant 7 : i32
      %gather3A_1921 = arith.constant 0 : i32
      %gather3A_1922 = arith.constant 0 : i32
      %gather3A_1923 = tpu.memref_slice %arg9[%gather3A_1920, %gather3A_1921, %gather3A_1922] : memref<8x32x128xf32, #tpu.memory_space<vmem>> -> memref<1x32x128xf32, #tpu.memory_space<vmem>>
      %gather3A_1924 = tpu.memref_squeeze %gather3A_1923 : memref<1x32x128xf32, #tpu.memory_space<vmem>> -> memref<32x128xf32, #tpu.memory_space<vmem>>
      %gather3A_1925 = tpu.vector_load_idx %gather3A_1924[%add3A_1911, %broadcast_in_dim3A_1882] : memref<32x128xf32, #tpu.memory_space<vmem>>[vector<16xi32>, vector<16xi32>], vector<16xf32>,
      %gather3A_1926 = arith.constant 7 : i32
      %gather3A_1927 = arith.constant 0 : i32
      %gather3A_1928 = arith.constant 0 : i32
      %gather3A_1929 = tpu.memref_slice %arg10[%gather3A_1926, %gather3A_1927, %gather3A_1928] : memref<8x32x128xf32, #tpu.memory_space<vmem>> -> memref<1x32x128xf32, #tpu.memory_space<vmem>>
      %gather3A_1930 = tpu.memref_squeeze %gather3A_1929 : memref<1x32x128xf32, #tpu.memory_space<vmem>> -> memref<32x128xf32, #tpu.memory_space<vmem>>
      %gather3A_1931 = tpu.vector_load_idx %gather3A_1930[%add3A_1911, %broadcast_in_dim3A_1885] : memref<32x128xf32, #tpu.memory_space<vmem>>[vector<16xi32>, vector<16xi32>], vector<16xf32>,
      tpu.vector_store_idx %arg11[%add3A_1919], %gather3A_1925 : memref<16384xf32, #tpu.memory_space<vmem>>[vector<16xi32>], vector<16xf32>,
      tpu.vector_store_idx %arg12[%add3A_1919], %gather3A_1931 : memref<16384xf32, #tpu.memory_space<vmem>>[vector<16xi32>], vector<16xf32>,
    }
    %scan3A_6 = arith.constant 32 : i32
    %scan3A_7 = arith.constant 0 : i32
    %scan3A_8 = arith.constant 32 : i32
    %scan3A_9 = arith.addi %scan3A_7, %scan3A_8 : i32
    %scan3A_10 = arith.constant 1 : i32
    scf.for %scan3A_12 = %scan3A_7 to %scan3A_9 step %scan3A_10  : i32 {
      %broadcast_in_dim3A = arith.constant 0.000000e+00 : f32
      %broadcast_in_dim3A_13 = vector.broadcast %broadcast_in_dim3A : f32 to vector<16xf32>
      %mul3A_14 = arith.constant 16 : i32
      %mul3A_15 = arith.muli %scan3A_12, %mul3A_14 : i32
      %add3A_16 = arith.constant 0 : i32
      %add3A_17 = arith.addi %add3A_16, %mul3A_15 : i32
      %get3A = arith.index_cast %add3A_17 : i32 to index
      %get3A_18 = tpu.vector_load %arg11[%get3A] {strides = array<i32>} : memref<16384xf32, #tpu.memory_space<vmem>>, vector<16xf32>,
      %mul3A_19 = arith.constant 16 : i32
      %mul3A_20 = arith.muli %scan3A_12, %mul3A_19 : i32
      %add3A_21 = arith.constant 0 : i32
      %add3A_22 = arith.addi %add3A_21, %mul3A_20 : i32
      %get3A_23 = arith.index_cast %add3A_22 : i32 to index
      %get3A_24 = tpu.vector_load %arg12[%get3A_23] {strides = array<i32>} : memref<16384xf32, #tpu.memory_space<vmem>>, vector<16xf32>,
      %mul3A_25 = arith.mulf %get3A_18, %get3A_24 : vector<16xf32>
      %add3A_26 = arith.addf %broadcast_in_dim3A_13, %mul3A_25 : vector<16xf32>
      %mul3A_27 = arith.constant 16 : i32
      %mul3A_28 = arith.muli %scan3A_12, %mul3A_27 : i32
      %add3A_29 = arith.constant 512 : i32
      %add3A_30 = arith.addi %add3A_29, %mul3A_28 : i32
      %get3A_31 = arith.index_cast %add3A_30 : i32 to index
      %get3A_32 = tpu.vector_load %arg11[%get3A_31] {strides = array<i32>} : memref<16384xf32, #tpu.memory_space<vmem>>, vector<16xf32>,
      %mul3A_33 = arith.constant 16 : i32
      %mul3A_34 = arith.muli %scan3A_12, %mul3A_33 : i32
      %add3A_35 = arith.constant 512 : i32
      %add3A_36 = arith.addi %add3A_35, %mul3A_34 : i32
      %get3A_37 = arith.index_cast %add3A_36 : i32 to index
      %get3A_38 = tpu.vector_load %arg12[%get3A_37] {strides = array<i32>} : memref<16384xf32, #tpu.memory_space<vmem>>, vector<16xf32>,
      %mul3A_39 = arith.mulf %get3A_32, %get3A_38 : vector<16xf32>
      %add3A_40 = arith.addf %add3A_26, %mul3A_39 : vector<16xf32>
      %mul3A_41 = arith.constant 16 : i32
      %mul3A_42 = arith.muli %scan3A_12, %mul3A_41 : i32
      %add3A_43 = arith.constant 1024 : i32
      %add3A_44 = arith.addi %add3A_43, %mul3A_42 : i32
      %get3A_45 = arith.index_cast %add3A_44 : i32 to index
      %get3A_46 = tpu.vector_load %arg11[%get3A_45] {strides = array<i32>} : memref<16384xf32, #tpu.memory_space<vmem>>, vector<16xf32>,
      %mul3A_47 = arith.constant 16 : i32
      %mul3A_48 = arith.muli %scan3A_12, %mul3A_47 : i32
      %add3A_49 = arith.constant 1024 : i32
      %add3A_50 = arith.addi %add3A_49, %mul3A_48 : i32
      %get3A_51 = arith.index_cast %add3A_50 : i32 to index
      %get3A_52 = tpu.vector_load %arg12[%get3A_51] {strides = array<i32>} : memref<16384xf32, #tpu.memory_space<vmem>>, vector<16xf32>,
      %mul3A_53 = arith.mulf %get3A_46, %get3A_52 : vector<16xf32>
      %add3A_54 = arith.addf %add3A_40, %mul3A_53 : vector<16xf32>
      %mul3A_55 = arith.constant 16 : i32
      %mul3A_56 = arith.muli %scan3A_12, %mul3A_55 : i32
      %add3A_57 = arith.constant 1536 : i32
      %add3A_58 = arith.addi %add3A_57, %mul3A_56 : i32
      %get3A_59 = arith.index_cast %add3A_58 : i32 to index
      %get3A_60 = tpu.vector_load %arg11[%get3A_59] {strides = array<i32>} : memref<16384xf32, #tpu.memory_space<vmem>>, vector<16xf32>,
      %mul3A_61 = arith.constant 16 : i32
      %mul3A_62 = arith.muli %scan3A_12, %mul3A_61 : i32
      %add3A_63 = arith.constant 1536 : i32
      %add3A_64 = arith.addi %add3A_63, %mul3A_62 : i32
      %get3A_65 = arith.index_cast %add3A_64 : i32 to index
      %get3A_66 = tpu.vector_load %arg12[%get3A_65] {strides = array<i32>} : memref<16384xf32, #tpu.memory_space<vmem>>, vector<16xf32>,
      %mul3A_67 = arith.mulf %get3A_60, %get3A_66 : vector<16xf32>
      %add3A_68 = arith.addf %add3A_54, %mul3A_67 : vector<16xf32>
      %mul3A_69 = arith.constant 16 : i32
      %mul3A_70 = arith.muli %scan3A_12, %mul3A_69 : i32
      %add3A_71 = arith.constant 2048 : i32
      %add3A_72 = arith.addi %add3A_71, %mul3A_70 : i32
      %get3A_73 = arith.index_cast %add3A_72 : i32 to index
      %get3A_74 = tpu.vector_load %arg11[%get3A_73] {strides = array<i32>} : memref<16384xf32, #tpu.memory_space<vmem>>, vector<16xf32>,
      %mul3A_75 = arith.constant 16 : i32
      %mul3A_76 = arith.muli %scan3A_12, %mul3A_75 : i32
      %add3A_77 = arith.constant 2048 : i32
      %add3A_78 = arith.addi %add3A_77, %mul3A_76 : i32
      %get3A_79 = arith.index_cast %add3A_78 : i32 to index
      %get3A_80 = tpu.vector_load %arg12[%get3A_79] {strides = array<i32>} : memref<16384xf32, #tpu.memory_space<vmem>>, vector<16xf32>,
      %mul3A_81 = arith.mulf %get3A_74, %get3A_80 : vector<16xf32>
      %add3A_82 = arith.addf %add3A_68, %mul3A_81 : vector<16xf32>
      %mul3A_83 = arith.constant 16 : i32
      %mul3A_84 = arith.muli %scan3A_12, %mul3A_83 : i32
      %add3A_85 = arith.constant 2560 : i32
      %add3A_86 = arith.addi %add3A_85, %mul3A_84 : i32
      %get3A_87 = arith.index_cast %add3A_86 : i32 to index
      %get3A_88 = tpu.vector_load %arg11[%get3A_87] {strides = array<i32>} : memref<16384xf32, #tpu.memory_space<vmem>>, vector<16xf32>,
      %mul3A_89 = arith.constant 16 : i32
      %mul3A_90 = arith.muli %scan3A_12, %mul3A_89 : i32
      %add3A_91 = arith.constant 2560 : i32
      %add3A_92 = arith.addi %add3A_91, %mul3A_90 : i32
      %get3A_93 = arith.index_cast %add3A_92 : i32 to index
      %get3A_94 = tpu.vector_load %arg12[%get3A_93] {strides = array<i32>} : memref<16384xf32, #tpu.memory_space<vmem>>, vector<16xf32>,
      %mul3A_95 = arith.mulf %get3A_88, %get3A_94 : vector<16xf32>
      %add3A_96 = arith.addf %add3A_82, %mul3A_95 : vector<16xf32>
      %mul3A_97 = arith.constant 16 : i32
      %mul3A_98 = arith.muli %scan3A_12, %mul3A_97 : i32
      %add3A_99 = arith.constant 3072 : i32
      %add3A_100 = arith.addi %add3A_99, %mul3A_98 : i32
      %get3A_101 = arith.index_cast %add3A_100 : i32 to index
      %get3A_102 = tpu.vector_load %arg11[%get3A_101] {strides = array<i32>} : memref<16384xf32, #tpu.memory_space<vmem>>, vector<16xf32>,
      %mul3A_103 = arith.constant 16 : i32
      %mul3A_104 = arith.muli %scan3A_12, %mul3A_103 : i32
      %add3A_105 = arith.constant 3072 : i32
      %add3A_106 = arith.addi %add3A_105, %mul3A_104 : i32
      %get3A_107 = arith.index_cast %add3A_106 : i32 to index
      %get3A_108 = tpu.vector_load %arg12[%get3A_107] {strides = array<i32>} : memref<16384xf32, #tpu.memory_space<vmem>>, vector<16xf32>,
      %mul3A_109 = arith.mulf %get3A_102, %get3A_108 : vector<16xf32>
      %add3A_110 = arith.addf %add3A_96, %mul3A_109 : vector<16xf32>
      %mul3A_111 = arith.constant 16 : i32
      %mul3A_112 = arith.muli %scan3A_12, %mul3A_111 : i32
      %add3A_113 = arith.constant 3584 : i32
      %add3A_114 = arith.addi %add3A_113, %mul3A_112 : i32
      %get3A_115 = arith.index_cast %add3A_114 : i32 to index
      %get3A_116 = tpu.vector_load %arg11[%get3A_115] {strides = array<i32>} : memref<16384xf32, #tpu.memory_space<vmem>>, vector<16xf32>,
      %mul3A_117 = arith.constant 16 : i32
      %mul3A_118 = arith.muli %scan3A_12, %mul3A_117 : i32
      %add3A_119 = arith.constant 3584 : i32
      %add3A_120 = arith.addi %add3A_119, %mul3A_118 : i32
      %get3A_121 = arith.index_cast %add3A_120 : i32 to index
      %get3A_122 = tpu.vector_load %arg12[%get3A_121] {strides = array<i32>} : memref<16384xf32, #tpu.memory_space<vmem>>, vector<16xf32>,
      %mul3A_123 = arith.mulf %get3A_116, %get3A_122 : vector<16xf32>
      %add3A_124 = arith.addf %add3A_110, %mul3A_123 : vector<16xf32>
      %mul3A_125 = arith.constant 16 : i32
      %mul3A_126 = arith.muli %scan3A_12, %mul3A_125 : i32
      %add3A_127 = arith.constant 4096 : i32
      %add3A_128 = arith.addi %add3A_127, %mul3A_126 : i32
      %get3A_129 = arith.index_cast %add3A_128 : i32 to index
      %get3A_130 = tpu.vector_load %arg11[%get3A_129] {strides = array<i32>} : memref<16384xf32, #tpu.memory_space<vmem>>, vector<16xf32>,
      %mul3A_131 = arith.constant 16 : i32
      %mul3A_132 = arith.muli %scan3A_12, %mul3A_131 : i32
      %add3A_133 = arith.constant 4096 : i32
      %add3A_134 = arith.addi %add3A_133, %mul3A_132 : i32
      %get3A_135 = arith.index_cast %add3A_134 : i32 to index
      %get3A_136 = tpu.vector_load %arg12[%get3A_135] {strides = array<i32>} : memref<16384xf32, #tpu.memory_space<vmem>>, vector<16xf32>,
      %mul3A_137 = arith.mulf %get3A_130, %get3A_136 : vector<16xf32>
      %add3A_138 = arith.addf %add3A_124, %mul3A_137 : vector<16xf32>
      %mul3A_139 = arith.constant 16 : i32
      %mul3A_140 = arith.muli %scan3A_12, %mul3A_139 : i32
      %add3A_141 = arith.constant 4608 : i32
      %add3A_142 = arith.addi %add3A_141, %mul3A_140 : i32
      %get3A_143 = arith.index_cast %add3A_142 : i32 to index
      %get3A_144 = tpu.vector_load %arg11[%get3A_143] {strides = array<i32>} : memref<16384xf32, #tpu.memory_space<vmem>>, vector<16xf32>,
      %mul3A_145 = arith.constant 16 : i32
      %mul3A_146 = arith.muli %scan3A_12, %mul3A_145 : i32
      %add3A_147 = arith.constant 4608 : i32
      %add3A_148 = arith.addi %add3A_147, %mul3A_146 : i32
      %get3A_149 = arith.index_cast %add3A_148 : i32 to index
      %get3A_150 = tpu.vector_load %arg12[%get3A_149] {strides = array<i32>} : memref<16384xf32, #tpu.memory_space<vmem>>, vector<16xf32>,
      %mul3A_151 = arith.mulf %get3A_144, %get3A_150 : vector<16xf32>
      %add3A_152 = arith.addf %add3A_138, %mul3A_151 : vector<16xf32>
      %mul3A_153 = arith.constant 16 : i32
      %mul3A_154 = arith.muli %scan3A_12, %mul3A_153 : i32
      %add3A_155 = arith.constant 5120 : i32
      %add3A_156 = arith.addi %add3A_155, %mul3A_154 : i32
      %get3A_157 = arith.index_cast %add3A_156 : i32 to index
      %get3A_158 = tpu.vector_load %arg11[%get3A_157] {strides = array<i32>} : memref<16384xf32, #tpu.memory_space<vmem>>, vector<16xf32>,
      %mul3A_159 = arith.constant 16 : i32
      %mul3A_160 = arith.muli %scan3A_12, %mul3A_159 : i32
      %add3A_161 = arith.constant 5120 : i32
      %add3A_162 = arith.addi %add3A_161, %mul3A_160 : i32
      %get3A_163 = arith.index_cast %add3A_162 : i32 to index
      %get3A_164 = tpu.vector_load %arg12[%get3A_163] {strides = array<i32>} : memref<16384xf32, #tpu.memory_space<vmem>>, vector<16xf32>,
      %mul3A_165 = arith.mulf %get3A_158, %get3A_164 : vector<16xf32>
      %add3A_166 = arith.addf %add3A_152, %mul3A_165 : vector<16xf32>
      %mul3A_167 = arith.constant 16 : i32
      %mul3A_168 = arith.muli %scan3A_12, %mul3A_167 : i32
      %add3A_169 = arith.constant 5632 : i32
      %add3A_170 = arith.addi %add3A_169, %mul3A_168 : i32
      %get3A_171 = arith.index_cast %add3A_170 : i32 to index
      %get3A_172 = tpu.vector_load %arg11[%get3A_171] {strides = array<i32>} : memref<16384xf32, #tpu.memory_space<vmem>>, vector<16xf32>,
      %mul3A_173 = arith.constant 16 : i32
      %mul3A_174 = arith.muli %scan3A_12, %mul3A_173 : i32
      %add3A_175 = arith.constant 5632 : i32
      %add3A_176 = arith.addi %add3A_175, %mul3A_174 : i32
      %get3A_177 = arith.index_cast %add3A_176 : i32 to index
      %get3A_178 = tpu.vector_load %arg12[%get3A_177] {strides = array<i32>} : memref<16384xf32, #tpu.memory_space<vmem>>, vector<16xf32>,
      %mul3A_179 = arith.mulf %get3A_172, %get3A_178 : vector<16xf32>
      %add3A_180 = arith.addf %add3A_166, %mul3A_179 : vector<16xf32>
      %mul3A_181 = arith.constant 16 : i32
      %mul3A_182 = arith.muli %scan3A_12, %mul3A_181 : i32
      %add3A_183 = arith.constant 6144 : i32
      %add3A_184 = arith.addi %add3A_183, %mul3A_182 : i32
      %get3A_185 = arith.index_cast %add3A_184 : i32 to index
      %get3A_186 = tpu.vector_load %arg11[%get3A_185] {strides = array<i32>} : memref<16384xf32, #tpu.memory_space<vmem>>, vector<16xf32>,
      %mul3A_187 = arith.constant 16 : i32
      %mul3A_188 = arith.muli %scan3A_12, %mul3A_187 : i32
      %add3A_189 = arith.constant 6144 : i32
      %add3A_190 = arith.addi %add3A_189, %mul3A_188 : i32
      %get3A_191 = arith.index_cast %add3A_190 : i32 to index
      %get3A_192 = tpu.vector_load %arg12[%get3A_191] {strides = array<i32>} : memref<16384xf32, #tpu.memory_space<vmem>>, vector<16xf32>,
      %mul3A_193 = arith.mulf %get3A_186, %get3A_192 : vector<16xf32>
      %add3A_194 = arith.addf %add3A_180, %mul3A_193 : vector<16xf32>
      %mul3A_195 = arith.constant 16 : i32
      %mul3A_196 = arith.muli %scan3A_12, %mul3A_195 : i32
      %add3A_197 = arith.constant 6656 : i32
      %add3A_198 = arith.addi %add3A_197, %mul3A_196 : i32
      %get3A_199 = arith.index_cast %add3A_198 : i32 to index
      %get3A_200 = tpu.vector_load %arg11[%get3A_199] {strides = array<i32>} : memref<16384xf32, #tpu.memory_space<vmem>>, vector<16xf32>,
      %mul3A_201 = arith.constant 16 : i32
      %mul3A_202 = arith.muli %scan3A_12, %mul3A_201 : i32
      %add3A_203 = arith.constant 6656 : i32
      %add3A_204 = arith.addi %add3A_203, %mul3A_202 : i32
      %get3A_205 = arith.index_cast %add3A_204 : i32 to index
      %get3A_206 = tpu.vector_load %arg12[%get3A_205] {strides = array<i32>} : memref<16384xf32, #tpu.memory_space<vmem>>, vector<16xf32>,
      %mul3A_207 = arith.mulf %get3A_200, %get3A_206 : vector<16xf32>
      %add3A_208 = arith.addf %add3A_194, %mul3A_207 : vector<16xf32>
      %mul3A_209 = arith.constant 16 : i32
      %mul3A_210 = arith.muli %scan3A_12, %mul3A_209 : i32
      %add3A_211 = arith.constant 7168 : i32
      %add3A_212 = arith.addi %add3A_211, %mul3A_210 : i32
      %get3A_213 = arith.index_cast %add3A_212 : i32 to index
      %get3A_214 = tpu.vector_load %arg11[%get3A_213] {strides = array<i32>} : memref<16384xf32, #tpu.memory_space<vmem>>, vector<16xf32>,
      %mul3A_215 = arith.constant 16 : i32
      %mul3A_216 = arith.muli %scan3A_12, %mul3A_215 : i32
      %add3A_217 = arith.constant 7168 : i32
      %add3A_218 = arith.addi %add3A_217, %mul3A_216 : i32
      %get3A_219 = arith.index_cast %add3A_218 : i32 to index
      %get3A_220 = tpu.vector_load %arg12[%get3A_219] {strides = array<i32>} : memref<16384xf32, #tpu.memory_space<vmem>>, vector<16xf32>,
      %mul3A_221 = arith.mulf %get3A_214, %get3A_220 : vector<16xf32>
      %add3A_222 = arith.addf %add3A_208, %mul3A_221 : vector<16xf32>
      %mul3A_223 = arith.constant 16 : i32
      %mul3A_224 = arith.muli %scan3A_12, %mul3A_223 : i32
      %add3A_225 = arith.constant 7680 : i32
      %add3A_226 = arith.addi %add3A_225, %mul3A_224 : i32
      %get3A_227 = arith.index_cast %add3A_226 : i32 to index
      %get3A_228 = tpu.vector_load %arg11[%get3A_227] {strides = array<i32>} : memref<16384xf32, #tpu.memory_space<vmem>>, vector<16xf32>,
      %mul3A_229 = arith.constant 16 : i32
      %mul3A_230 = arith.muli %scan3A_12, %mul3A_229 : i32
      %add3A_231 = arith.constant 7680 : i32
      %add3A_232 = arith.addi %add3A_231, %mul3A_230 : i32
      %get3A_233 = arith.index_cast %add3A_232 : i32 to index
      %get3A_234 = tpu.vector_load %arg12[%get3A_233] {strides = array<i32>} : memref<16384xf32, #tpu.memory_space<vmem>>, vector<16xf32>,
      %mul3A_235 = arith.mulf %get3A_228, %get3A_234 : vector<16xf32>
      %add3A_236 = arith.addf %add3A_222, %mul3A_235 : vector<16xf32>
      %mul3A_237 = arith.constant 16 : i32
      %mul3A_238 = arith.muli %scan3A_12, %mul3A_237 : i32
      %add3A_239 = arith.constant 8192 : i32
      %add3A_240 = arith.addi %add3A_239, %mul3A_238 : i32
      %get3A_241 = arith.index_cast %add3A_240 : i32 to index
      %get3A_242 = tpu.vector_load %arg11[%get3A_241] {strides = array<i32>} : memref<16384xf32, #tpu.memory_space<vmem>>, vector<16xf32>,
      %mul3A_243 = arith.constant 16 : i32
      %mul3A_244 = arith.muli %scan3A_12, %mul3A_243 : i32
      %add3A_245 = arith.constant 8192 : i32
      %add3A_246 = arith.addi %add3A_245, %mul3A_244 : i32
      %get3A_247 = arith.index_cast %add3A_246 : i32 to index
      %get3A_248 = tpu.vector_load %arg12[%get3A_247] {strides = array<i32>} : memref<16384xf32, #tpu.memory_space<vmem>>, vector<16xf32>,
      %mul3A_249 = arith.mulf %get3A_242, %get3A_248 : vector<16xf32>
      %add3A_250 = arith.addf %add3A_236, %mul3A_249 : vector<16xf32>
      %mul3A_251 = arith.constant 16 : i32
      %mul3A_252 = arith.muli %scan3A_12, %mul3A_251 : i32
      %add3A_253 = arith.constant 8704 : i32
      %add3A_254 = arith.addi %add3A_253, %mul3A_252 : i32
      %get3A_255 = arith.index_cast %add3A_254 : i32 to index
      %get3A_256 = tpu.vector_load %arg11[%get3A_255] {strides = array<i32>} : memref<16384xf32, #tpu.memory_space<vmem>>, vector<16xf32>,
      %mul3A_257 = arith.constant 16 : i32
      %mul3A_258 = arith.muli %scan3A_12, %mul3A_257 : i32
      %add3A_259 = arith.constant 8704 : i32
      %add3A_260 = arith.addi %add3A_259, %mul3A_258 : i32
      %get3A_261 = arith.index_cast %add3A_260 : i32 to index
      %get3A_262 = tpu.vector_load %arg12[%get3A_261] {strides = array<i32>} : memref<16384xf32, #tpu.memory_space<vmem>>, vector<16xf32>,
      %mul3A_263 = arith.mulf %get3A_256, %get3A_262 : vector<16xf32>
      %add3A_264 = arith.addf %add3A_250, %mul3A_263 : vector<16xf32>
      %mul3A_265 = arith.constant 16 : i32
      %mul3A_266 = arith.muli %scan3A_12, %mul3A_265 : i32
      %add3A_267 = arith.constant 9216 : i32
      %add3A_268 = arith.addi %add3A_267, %mul3A_266 : i32
      %get3A_269 = arith.index_cast %add3A_268 : i32 to index
      %get3A_270 = tpu.vector_load %arg11[%get3A_269] {strides = array<i32>} : memref<16384xf32, #tpu.memory_space<vmem>>, vector<16xf32>,
      %mul3A_271 = arith.constant 16 : i32
      %mul3A_272 = arith.muli %scan3A_12, %mul3A_271 : i32
      %add3A_273 = arith.constant 9216 : i32
      %add3A_274 = arith.addi %add3A_273, %mul3A_272 : i32
      %get3A_275 = arith.index_cast %add3A_274 : i32 to index
      %get3A_276 = tpu.vector_load %arg12[%get3A_275] {strides = array<i32>} : memref<16384xf32, #tpu.memory_space<vmem>>, vector<16xf32>,
      %mul3A_277 = arith.mulf %get3A_270, %get3A_276 : vector<16xf32>
      %add3A_278 = arith.addf %add3A_264, %mul3A_277 : vector<16xf32>
      %mul3A_279 = arith.constant 16 : i32
      %mul3A_280 = arith.muli %scan3A_12, %mul3A_279 : i32
      %add3A_281 = arith.constant 9728 : i32
      %add3A_282 = arith.addi %add3A_281, %mul3A_280 : i32
      %get3A_283 = arith.index_cast %add3A_282 : i32 to index
      %get3A_284 = tpu.vector_load %arg11[%get3A_283] {strides = array<i32>} : memref<16384xf32, #tpu.memory_space<vmem>>, vector<16xf32>,
      %mul3A_285 = arith.constant 16 : i32
      %mul3A_286 = arith.muli %scan3A_12, %mul3A_285 : i32
      %add3A_287 = arith.constant 9728 : i32
      %add3A_288 = arith.addi %add3A_287, %mul3A_286 : i32
      %get3A_289 = arith.index_cast %add3A_288 : i32 to index
      %get3A_290 = tpu.vector_load %arg12[%get3A_289] {strides = array<i32>} : memref<16384xf32, #tpu.memory_space<vmem>>, vector<16xf32>,
      %mul3A_291 = arith.mulf %get3A_284, %get3A_290 : vector<16xf32>
      %add3A_292 = arith.addf %add3A_278, %mul3A_291 : vector<16xf32>
      %mul3A_293 = arith.constant 16 : i32
      %mul3A_294 = arith.muli %scan3A_12, %mul3A_293 : i32
      %add3A_295 = arith.constant 10240 : i32
      %add3A_296 = arith.addi %add3A_295, %mul3A_294 : i32
      %get3A_297 = arith.index_cast %add3A_296 : i32 to index
      %get3A_298 = tpu.vector_load %arg11[%get3A_297] {strides = array<i32>} : memref<16384xf32, #tpu.memory_space<vmem>>, vector<16xf32>,
      %mul3A_299 = arith.constant 16 : i32
      %mul3A_300 = arith.muli %scan3A_12, %mul3A_299 : i32
      %add3A_301 = arith.constant 10240 : i32
      %add3A_302 = arith.addi %add3A_301, %mul3A_300 : i32
      %get3A_303 = arith.index_cast %add3A_302 : i32 to index
      %get3A_304 = tpu.vector_load %arg12[%get3A_303] {strides = array<i32>} : memref<16384xf32, #tpu.memory_space<vmem>>, vector<16xf32>,
      %mul3A_305 = arith.mulf %get3A_298, %get3A_304 : vector<16xf32>
      %add3A_306 = arith.addf %add3A_292, %mul3A_305 : vector<16xf32>
      %mul3A_307 = arith.constant 16 : i32
      %mul3A_308 = arith.muli %scan3A_12, %mul3A_307 : i32
      %add3A_309 = arith.constant 10752 : i32
      %add3A_310 = arith.addi %add3A_309, %mul3A_308 : i32
      %get3A_311 = arith.index_cast %add3A_310 : i32 to index
      %get3A_312 = tpu.vector_load %arg11[%get3A_311] {strides = array<i32>} : memref<16384xf32, #tpu.memory_space<vmem>>, vector<16xf32>,
      %mul3A_313 = arith.constant 16 : i32
      %mul3A_314 = arith.muli %scan3A_12, %mul3A_313 : i32
      %add3A_315 = arith.constant 10752 : i32
      %add3A_316 = arith.addi %add3A_315, %mul3A_314 : i32
      %get3A_317 = arith.index_cast %add3A_316 : i32 to index
      %get3A_318 = tpu.vector_load %arg12[%get3A_317] {strides = array<i32>} : memref<16384xf32, #tpu.memory_space<vmem>>, vector<16xf32>,
      %mul3A_319 = arith.mulf %get3A_312, %get3A_318 : vector<16xf32>
      %add3A_320 = arith.addf %add3A_306, %mul3A_319 : vector<16xf32>
      %mul3A_321 = arith.constant 16 : i32
      %mul3A_322 = arith.muli %scan3A_12, %mul3A_321 : i32
      %add3A_323 = arith.constant 11264 : i32
      %add3A_324 = arith.addi %add3A_323, %mul3A_322 : i32
      %get3A_325 = arith.index_cast %add3A_324 : i32 to index
      %get3A_326 = tpu.vector_load %arg11[%get3A_325] {strides = array<i32>} : memref<16384xf32, #tpu.memory_space<vmem>>, vector<16xf32>,
      %mul3A_327 = arith.constant 16 : i32
      %mul3A_328 = arith.muli %scan3A_12, %mul3A_327 : i32
      %add3A_329 = arith.constant 11264 : i32
      %add3A_330 = arith.addi %add3A_329, %mul3A_328 : i32
      %get3A_331 = arith.index_cast %add3A_330 : i32 to index
      %get3A_332 = tpu.vector_load %arg12[%get3A_331] {strides = array<i32>} : memref<16384xf32, #tpu.memory_space<vmem>>, vector<16xf32>,
      %mul3A_333 = arith.mulf %get3A_326, %get3A_332 : vector<16xf32>
      %add3A_334 = arith.addf %add3A_320, %mul3A_333 : vector<16xf32>
      %mul3A_335 = arith.constant 16 : i32
      %mul3A_336 = arith.muli %scan3A_12, %mul3A_335 : i32
      %add3A_337 = arith.constant 11776 : i32
      %add3A_338 = arith.addi %add3A_337, %mul3A_336 : i32
      %get3A_339 = arith.index_cast %add3A_338 : i32 to index
      %get3A_340 = tpu.vector_load %arg11[%get3A_339] {strides = array<i32>} : memref<16384xf32, #tpu.memory_space<vmem>>, vector<16xf32>,
      %mul3A_341 = arith.constant 16 : i32
      %mul3A_342 = arith.muli %scan3A_12, %mul3A_341 : i32
      %add3A_343 = arith.constant 11776 : i32
      %add3A_344 = arith.addi %add3A_343, %mul3A_342 : i32
      %get3A_345 = arith.index_cast %add3A_344 : i32 to index
      %get3A_346 = tpu.vector_load %arg12[%get3A_345] {strides = array<i32>} : memref<16384xf32, #tpu.memory_space<vmem>>, vector<16xf32>,
      %mul3A_347 = arith.mulf %get3A_340, %get3A_346 : vector<16xf32>
      %add3A_348 = arith.addf %add3A_334, %mul3A_347 : vector<16xf32>
      %mul3A_349 = arith.constant 16 : i32
      %mul3A_350 = arith.muli %scan3A_12, %mul3A_349 : i32
      %add3A_351 = arith.constant 12288 : i32
      %add3A_352 = arith.addi %add3A_351, %mul3A_350 : i32
      %get3A_353 = arith.index_cast %add3A_352 : i32 to index
      %get3A_354 = tpu.vector_load %arg11[%get3A_353] {strides = array<i32>} : memref<16384xf32, #tpu.memory_space<vmem>>, vector<16xf32>,
      %mul3A_355 = arith.constant 16 : i32
      %mul3A_356 = arith.muli %scan3A_12, %mul3A_355 : i32
      %add3A_357 = arith.constant 12288 : i32
      %add3A_358 = arith.addi %add3A_357, %mul3A_356 : i32
      %get3A_359 = arith.index_cast %add3A_358 : i32 to index
      %get3A_360 = tpu.vector_load %arg12[%get3A_359] {strides = array<i32>} : memref<16384xf32, #tpu.memory_space<vmem>>, vector<16xf32>,
      %mul3A_361 = arith.mulf %get3A_354, %get3A_360 : vector<16xf32>
      %add3A_362 = arith.addf %add3A_348, %mul3A_361 : vector<16xf32>
      %mul3A_363 = arith.constant 16 : i32
      %mul3A_364 = arith.muli %scan3A_12, %mul3A_363 : i32
      %add3A_365 = arith.constant 12800 : i32
      %add3A_366 = arith.addi %add3A_365, %mul3A_364 : i32
      %get3A_367 = arith.index_cast %add3A_366 : i32 to index
      %get3A_368 = tpu.vector_load %arg11[%get3A_367] {strides = array<i32>} : memref<16384xf32, #tpu.memory_space<vmem>>, vector<16xf32>,
      %mul3A_369 = arith.constant 16 : i32
      %mul3A_370 = arith.muli %scan3A_12, %mul3A_369 : i32
      %add3A_371 = arith.constant 12800 : i32
      %add3A_372 = arith.addi %add3A_371, %mul3A_370 : i32
      %get3A_373 = arith.index_cast %add3A_372 : i32 to index
      %get3A_374 = tpu.vector_load %arg12[%get3A_373] {strides = array<i32>} : memref<16384xf32, #tpu.memory_space<vmem>>, vector<16xf32>,
      %mul3A_375 = arith.mulf %get3A_368, %get3A_374 : vector<16xf32>
      %add3A_376 = arith.addf %add3A_362, %mul3A_375 : vector<16xf32>
      %mul3A_377 = arith.constant 16 : i32
      %mul3A_378 = arith.muli %scan3A_12, %mul3A_377 : i32
      %add3A_379 = arith.constant 13312 : i32
      %add3A_380 = arith.addi %add3A_379, %mul3A_378 : i32
      %get3A_381 = arith.index_cast %add3A_380 : i32 to index
      %get3A_382 = tpu.vector_load %arg11[%get3A_381] {strides = array<i32>} : memref<16384xf32, #tpu.memory_space<vmem>>, vector<16xf32>,
      %mul3A_383 = arith.constant 16 : i32
      %mul3A_384 = arith.muli %scan3A_12, %mul3A_383 : i32
      %add3A_385 = arith.constant 13312 : i32
      %add3A_386 = arith.addi %add3A_385, %mul3A_384 : i32
      %get3A_387 = arith.index_cast %add3A_386 : i32 to index
      %get3A_388 = tpu.vector_load %arg12[%get3A_387] {strides = array<i32>} : memref<16384xf32, #tpu.memory_space<vmem>>, vector<16xf32>,
      %mul3A_389 = arith.mulf %get3A_382, %get3A_388 : vector<16xf32>
      %add3A_390 = arith.addf %add3A_376, %mul3A_389 : vector<16xf32>
      %mul3A_391 = arith.constant 16 : i32
      %mul3A_392 = arith.muli %scan3A_12, %mul3A_391 : i32
      %add3A_393 = arith.constant 13824 : i32
      %add3A_394 = arith.addi %add3A_393, %mul3A_392 : i32
      %get3A_395 = arith.index_cast %add3A_394 : i32 to index
      %get3A_396 = tpu.vector_load %arg11[%get3A_395] {strides = array<i32>} : memref<16384xf32, #tpu.memory_space<vmem>>, vector<16xf32>,
      %mul3A_397 = arith.constant 16 : i32
      %mul3A_398 = arith.muli %scan3A_12, %mul3A_397 : i32
      %add3A_399 = arith.constant 13824 : i32
      %add3A_400 = arith.addi %add3A_399, %mul3A_398 : i32
      %get3A_401 = arith.index_cast %add3A_400 : i32 to index
      %get3A_402 = tpu.vector_load %arg12[%get3A_401] {strides = array<i32>} : memref<16384xf32, #tpu.memory_space<vmem>>, vector<16xf32>,
      %mul3A_403 = arith.mulf %get3A_396, %get3A_402 : vector<16xf32>
      %add3A_404 = arith.addf %add3A_390, %mul3A_403 : vector<16xf32>
      %mul3A_405 = arith.constant 16 : i32
      %mul3A_406 = arith.muli %scan3A_12, %mul3A_405 : i32
      %add3A_407 = arith.constant 14336 : i32
      %add3A_408 = arith.addi %add3A_407, %mul3A_406 : i32
      %get3A_409 = arith.index_cast %add3A_408 : i32 to index
      %get3A_410 = tpu.vector_load %arg11[%get3A_409] {strides = array<i32>} : memref<16384xf32, #tpu.memory_space<vmem>>, vector<16xf32>,
      %mul3A_411 = arith.constant 16 : i32
      %mul3A_412 = arith.muli %scan3A_12, %mul3A_411 : i32
      %add3A_413 = arith.constant 14336 : i32
      %add3A_414 = arith.addi %add3A_413, %mul3A_412 : i32
      %get3A_415 = arith.index_cast %add3A_414 : i32 to index
      %get3A_416 = tpu.vector_load %arg12[%get3A_415] {strides = array<i32>} : memref<16384xf32, #tpu.memory_space<vmem>>, vector<16xf32>,
      %mul3A_417 = arith.mulf %get3A_410, %get3A_416 : vector<16xf32>
      %add3A_418 = arith.addf %add3A_404, %mul3A_417 : vector<16xf32>
      %mul3A_419 = arith.constant 16 : i32
      %mul3A_420 = arith.muli %scan3A_12, %mul3A_419 : i32
      %add3A_421 = arith.constant 14848 : i32
      %add3A_422 = arith.addi %add3A_421, %mul3A_420 : i32
      %get3A_423 = arith.index_cast %add3A_422 : i32 to index
      %get3A_424 = tpu.vector_load %arg11[%get3A_423] {strides = array<i32>} : memref<16384xf32, #tpu.memory_space<vmem>>, vector<16xf32>,
      %mul3A_425 = arith.constant 16 : i32
      %mul3A_426 = arith.muli %scan3A_12, %mul3A_425 : i32
      %add3A_427 = arith.constant 14848 : i32
      %add3A_428 = arith.addi %add3A_427, %mul3A_426 : i32
      %get3A_429 = arith.index_cast %add3A_428 : i32 to index
      %get3A_430 = tpu.vector_load %arg12[%get3A_429] {strides = array<i32>} : memref<16384xf32, #tpu.memory_space<vmem>>, vector<16xf32>,
      %mul3A_431 = arith.mulf %get3A_424, %get3A_430 : vector<16xf32>
      %add3A_432 = arith.addf %add3A_418, %mul3A_431 : vector<16xf32>
      %mul3A_433 = arith.constant 16 : i32
      %mul3A_434 = arith.muli %scan3A_12, %mul3A_433 : i32
      %add3A_435 = arith.constant 15360 : i32
      %add3A_436 = arith.addi %add3A_435, %mul3A_434 : i32
      %get3A_437 = arith.index_cast %add3A_436 : i32 to index
      %get3A_438 = tpu.vector_load %arg11[%get3A_437] {strides = array<i32>} : memref<16384xf32, #tpu.memory_space<vmem>>, vector<16xf32>,
      %mul3A_439 = arith.constant 16 : i32
      %mul3A_440 = arith.muli %scan3A_12, %mul3A_439 : i32
      %add3A_441 = arith.constant 15360 : i32
      %add3A_442 = arith.addi %add3A_441, %mul3A_440 : i32
      %get3A_443 = arith.index_cast %add3A_442 : i32 to index
      %get3A_444 = tpu.vector_load %arg12[%get3A_443] {strides = array<i32>} : memref<16384xf32, #tpu.memory_space<vmem>>, vector<16xf32>,
      %mul3A_445 = arith.mulf %get3A_438, %get3A_444 : vector<16xf32>
      %add3A_446 = arith.addf %add3A_432, %mul3A_445 : vector<16xf32>
      %mul3A_447 = arith.constant 16 : i32
      %mul3A_448 = arith.muli %scan3A_12, %mul3A_447 : i32
      %add3A_449 = arith.constant 15872 : i32
      %add3A_450 = arith.addi %add3A_449, %mul3A_448 : i32
      %get3A_451 = arith.index_cast %add3A_450 : i32 to index
      %get3A_452 = tpu.vector_load %arg11[%get3A_451] {strides = array<i32>} : memref<16384xf32, #tpu.memory_space<vmem>>, vector<16xf32>,
      %mul3A_453 = arith.constant 16 : i32
      %mul3A_454 = arith.muli %scan3A_12, %mul3A_453 : i32
      %add3A_455 = arith.constant 15872 : i32
      %add3A_456 = arith.addi %add3A_455, %mul3A_454 : i32
      %get3A_457 = arith.index_cast %add3A_456 : i32 to index
      %get3A_458 = tpu.vector_load %arg12[%get3A_457] {strides = array<i32>} : memref<16384xf32, #tpu.memory_space<vmem>>, vector<16xf32>,
      %mul3A_459 = arith.mulf %get3A_452, %get3A_458 : vector<16xf32>
      %add3A_460 = arith.addf %add3A_446, %mul3A_459 : vector<16xf32>
      %neg3A = arith.constant 0.000000e+00 : f32
      %neg3A_461 = vector.broadcast %neg3A : f32 to vector<16xf32>
      %neg3A_462 = arith.subf %neg3A_461, %add3A_460 : vector<16xf32>
      %exp3A = math.exp %neg3A_462 : vector<16xf32>
      %add3A_463 = arith.constant 1.000000e+00 : f32
      %add3A_464 = vector.broadcast %add3A_463 : f32 to vector<16xf32>
      %add3A_465 = arith.addf %add3A_464, %exp3A : vector<16xf32>
      %div3A = arith.constant 1.000000e+00 : f32
      %div3A_466 = vector.broadcast %div3A : f32 to vector<16xf32>
      %div3A_467 = arith.divf %div3A_466, %add3A_465 : vector<16xf32>
      %mul3A_468 = arith.constant 16 : i32
      %mul3A_469 = arith.muli %scan3A_12, %mul3A_468 : i32
      %swap3A = arith.index_cast %mul3A_469 : i32 to index
      %swap3A_470 = tpu.vector_load %arg13[%swap3A] {strides = array<i32>} : memref<512xf32, #tpu.memory_space<vmem>>, vector<16xf32>,
      tpu.vector_store %arg13[%swap3A], %div3A_467 {strides = array<i32>} : memref<512xf32, #tpu.memory_space<vmem>>, vector<16xf32>,
    }
    %scan3A_11 = arith.constant 32 : i32
    "tpu.region"() ({
      %run_scoped3A = tpu.sem_alloc : memref<!tpu.dma_semaphore, #tpu.memory_space<semaphore_mem>>
      %dma_start3A = tpu.memref_slice %arg6[%mul3A_2] : memref<16384xf32, #tpu.memory_space<hbm>> -> memref<512xf32, #tpu.memory_space<hbm>>
      %dma_start3A_12 = tpu.memref_slice %arg6[%mul3A_2] : memref<16384xf32, #tpu.memory_space<hbm>> -> memref<512xf32, #tpu.memory_space<hbm>>
      tpu.enqueue_dma source(%arg13 : memref<512xf32, #tpu.memory_space<vmem>>) target(%dma_start3A_12 : memref<512xf32, #tpu.memory_space<hbm>>) target_semaphore(%run_scoped3A : memref<!tpu.dma_semaphore, #tpu.memory_space<semaphore_mem>>)
      %dma_wait3A = tpu.memref_slice %arg6[%mul3A_2] : memref<16384xf32, #tpu.memory_space<hbm>> -> memref<512xf32, #tpu.memory_space<hbm>>
      %dma_wait3A_13 = tpu.memref_slice %arg6[%mul3A_2] : memref<16384xf32, #tpu.memory_space<hbm>> -> memref<512xf32, #tpu.memory_space<hbm>>
      tpu.wait_dma2 semaphore(%run_scoped3A : memref<!tpu.dma_semaphore, #tpu.memory_space<semaphore_mem>>) src(%arg13 : memref<512xf32, #tpu.memory_space<vmem>>) dst(%dma_wait3A_13 : memref<512xf32, #tpu.memory_space<hbm>>)
      tpu.yield
    }) : () -> ()
    return
  }
}

</mosaic_0001>

<sc_bundles>
// kernel: _two_tower.3.cloned.1.call-start
scs
__scs_entry_jumppad:
0x0: {  	(pc) =	sbr.rel $0x88, $3  }
0x1: {  	(tag) =	ssettag $0x0;
	lr =	simm.s32 $0x1  }
0x2: {  	[smem:$0x3F9D] =	sst lr;
	_ =	strace $0xD0000000  }
0x3: {  	_ = 	snop  }
0x4: {  	_ = 	snop  }
0x5: {  	_ = 	snop  }
0x6: {  	_ = 	snop  }
0x7: {  	_ = 	snop  }
__scs_overlays_trampoline_lowered:
0x8: {  	[smem:$0x3FAC] =	sst s0  }
0x9: {  	[smem:$0x3FAD] =	sst s1  }
0xa: {  	[smem:$0x3FAE] =	sst s2  }
0xb: {  	[smem:$0x3FAF] =	sst s3  }
0xc: {  	[smem:$0x3FB0] =	sst s4  }
0xd: {  	[smem:$0x3FB1] =	sst s5  }
0xe: {  	[smem:$0x3FB2] =	sst s6  }
0xf: {  	[smem:$0x3FB3] =	sst s7  }
0x10: {  	[smem:$0x3FB4] =	sst s8  }
0x11: {  	[smem:$0x3FB5] =	sst s9;
	s0 =	simm.s32 @!p0 $0x0  }
0x12: {  	s1 =	sld [smem:$0x3F9B];
	s0 =	simm.s32 @p0 $0x1  }
0x13: {  	[smem:$0x3FB6] =	sst s0;
	s0 =	simm.s32 @!p1 $0x0  }
0x14: {  	s2 =	sld [smem:$0x3F9A];
	s0 =	simm.s32 @p1 $0x1  }
0x15: {  	[smem:$0x3FB7] =	sst s0;
	s0 =	simm.s32 @!p2 $0x0  }
0x16: {  	s3 =	sld [smem:$0x3FDB];
	s0 =	simm.s32 @p2 $0x1  }
0x17: {  	s4 =	simm.s32 $0x1BF5;
	[smem:$0x3FB9] =	sst s0  }
0x18: {  	s0 =	sld [smem:$0x3F9C];
	_ =	swait.ge [sflag:s4], $0x0  }
0x19: {  	s7 =	sld [smem:$0x3F9D]  }
0x1a: {  	s8 =	sadd.s32 $0xFFFFE003, lr  }
0x1b: {  	s9 =	sadd.s32 $0xFFFFFEF7, lr;
	s5 =	simm.s32 $0xFFFFFFFF;
	p2 =	slt.u32 s8, $0xFFFFF086  }
0x1c: {  	p1 =	slt.u32 s9, $0xF7A;
	s5 =	simm.s32 @!p2 $0x0  }
0x1d: {  	s5 =	simm.s32 @p1 $0x1;
	p0 =	seq.s32 s7, s2  }
0x1e: {  	s7 =	smul.u32 @!p0 $0xF7A, s2;
	p2 =	seq.s32 @!p0 s5, $0x0  }
0x1f: {  	s9 =	smul.u32 $0xF7A, s1;
	s8 =	simm.s32 @!p0 $0x1BF5;
	p2 =	por !p2, p0  }
0x20: {  	[sflag:s8] =	ssyncset.s32 @!p0 $0xFFFFF086;
	s6 =	sadd.s32 @!p0 s3, s7;
	s7 =	simm.s32 @!p0 $0x108  }
0x21: {  	s3 =	sadd.s32 s3, s9;
	s6 =	sadd.s32 @!p0 $0x88, s6;
	s7 =	simm.s32 @p2 $0x1082  }
0x22: {  	[simem:s7], [sflag:s8] =	dma.local @!p0 [hbm:s6], $0xF7A  }
0x23: {  	s9 =	sor.u32 $0xD0000000, s2;
	s6 =	simm.s32 $0x108;
	_ =	swait.ge @!p0 [sflag:s8], $0x0  }
0x24: {  	s3 =	sadd.s32 $0x88, s3;
	s6 =	simm.s32 @!p1 $0x1082;
	[sflag:s4] =	ssyncset.s32 $0xFFFFF086  }
0x25: {  	[simem:s6], [sflag:s4] =	dma.local [hbm:s3], $0xF7A  }
0x26: {  	[smem:$0x3F9D] =	sst s1;
	(tag) =	ssettag s2;
	_ =	strace s9  }
0x27: {  	s1 =	sld [smem:$0x3FAD]  }
0x28: {  	s2 =	sld [smem:$0x3FAE]  }
0x29: {  	s4 =	sld [smem:$0x3FB0]  }
0x2a: {  	p0 =	seq.s32 s5, $0x0;
	s5 =	sld [smem:$0x3FB1]  }
0x2b: {  	s6 =	sld [smem:$0x3FB2]  }
0x2c: {  	s7 =	sld [smem:$0x3FB3]  }
0x2d: {  	s3 =	simm.s32 $0x108;
	s8 =	sld [smem:$0x3FB4]  }
0x2e: {  	s3 =	simm.s32 @!p0 $0x1082;
	s9 =	sld [smem:$0x3FB5]  }
0x2f: {  	lr =	sadd.s32 s0, s3;
	s0 =	sld [smem:$0x3FAC]  }
0x30: {  	s3 =	sld [smem:$0x3FAF]  }
0x31: {  	[smem:$0x3FB8] =	sst s10  }
0x32: {  	s10 =	sld [smem:$0x3FB6];
	_ =	sdelay $0x3  }
0x33: {  	p0 =	seq.s32 s10, $0x1;
	s10 =	sld [smem:$0x3FB8];
	_ =	sdelay $0x3  }
0x34: {  	[smem:$0x3FB8] =	sst s10  }
0x35: {  	s10 =	sld [smem:$0x3FB7];
	_ =	sdelay $0x3  }
0x36: {  	p1 =	seq.s32 s10, $0x1;
	s10 =	sld [smem:$0x3FB8];
	_ =	sdelay $0x3  }
0x37: {  	[smem:$0x3FB8] =	sst s10  }
0x38: {  	s10 =	sld [smem:$0x3FB9]  }
0x39: {  	_ = 	snop;
	(pc) =	sbr.ind lr, $3  }
0x3a: {  	_ = 	snop  }
0x3b: {  	_ = 	snop  }
0x3c: {  	p2 =	seq.s32 s10, $0x1;
	s10 =	sld [smem:$0x3FB8]  }
0x3d: {  	_ =	shalt  }
0x3e: {  	_ =	shalt  }
0x3f: {  	_ =	shalt  }
0x40: {  	_ =	shalt  }
0x41: {  	_ =	shalt  }
0x42: {  	_ =	shalt  }
0x43: {  	_ =	shalt  }
0x44: {  	_ =	shalt  }
0x45: {  	_ =	shalt  }
0x46: {  	_ =	shalt  }
0x47: {  	_ =	shalt  }
0x48: {  	_ =	shalt  }
0x49: {  	_ =	shalt  }
0x4a: {  	_ =	shalt  }
0x4b: {  	_ =	shalt  }
0x4c: {  	_ =	shalt  }
0x4d: {  	_ =	shalt  }
0x4e: {  	_ =	shalt  }
0x4f: {  	_ =	shalt  }
0x50: {  	_ =	shalt  }
0x51: {  	_ =	shalt  }
0x52: {  	_ =	shalt  }
0x53: {  	_ =	shalt  }
0x54: {  	_ =	shalt  }
0x55: {  	_ =	shalt  }
0x56: {  	_ =	shalt  }
0x57: {  	_ =	shalt  }
0x58: {  	_ =	shalt  }
0x59: {  	_ =	shalt  }
0x5a: {  	_ =	shalt  }
0x5b: {  	_ =	shalt  }
0x5c: {  	_ =	shalt  }
0x5d: {  	_ =	shalt  }
0x5e: {  	_ =	shalt  }
0x5f: {  	_ =	shalt  }
0x60: {  	_ =	shalt  }
0x61: {  	_ =	shalt  }
0x62: {  	_ =	shalt  }
0x63: {  	_ =	shalt  }
0x64: {  	_ =	shalt  }
0x65: {  	_ =	shalt  }
0x66: {  	_ =	shalt  }
0x67: {  	_ =	shalt  }
0x68: {  	_ =	shalt  }
0x69: {  	_ =	shalt  }
0x6a: {  	_ =	shalt  }
0x6b: {  	_ =	shalt  }
0x6c: {  	_ =	shalt  }
0x6d: {  	_ =	shalt  }
0x6e: {  	_ =	shalt  }
0x6f: {  	_ =	shalt  }
0x70: {  	_ =	shalt  }
0x71: {  	_ =	shalt  }
0x72: {  	_ =	shalt  }
0x73: {  	_ =	shalt  }
0x74: {  	_ =	shalt  }
0x75: {  	_ =	shalt  }
0x76: {  	_ =	shalt  }
0x77: {  	_ =	shalt  }
0x78: {  	_ =	shalt  }
0x79: {  	_ =	shalt  }
0x7a: {  	_ =	shalt  }
0x7b: {  	_ =	shalt  }
0x7c: {  	_ =	shalt  }
0x7d: {  	_ =	shalt  }
0x7e: {  	_ =	shalt  }
0x7f: {  	_ =	shalt  }
0x80: {  	_ =	shalt  }
0x81: {  	_ =	shalt  }
0x82: {  	_ =	shalt  }
0x83: {  	_ =	shalt  }
0x84: {  	_ =	shalt  }
0x85: {  	_ =	shalt  }
0x86: {  	_ =	shalt  }
0x87: {  	_ =	shalt  }
.Lfunc_end0:
.L_simem_size_0:
called_computation_lowered:
.L_overlay_start_0:
0x88: {  	s2 =	sld [smem:$0x3FD9]  }
0x89: {  	s3 =	sld [smem:$0x3FFE];
	_ =	sdelay $0x1  }
0x8a: {  	s1 =	srdreg.scid  }
0x8b: {  	s0 =	sand.u32 $0x1, s1  }
0x8c: {  	s18 =	sshll.u32 s0, $0xA;
	s2 =	sadd.s32 s3, s2  }
0x8d: {  	s2 =	sadd.s32 s2, s18  }
0x8e: {  	[smem:$0x3FC4] =	sst s2  }
0x8f: {  	_ = 	snop  }
0x90: {  	s2 =	sld [smem:$0x3FC9]  }
0x91: {  	s19 =	sld [smem:$0x3FC8]  }
0x92: {  	s4 =	sld [smem:$0x3FC7]  }
0x93: {  	s5 =	sld [smem:$0x3FC6]  }
0x94: {  	s6 =	sld [smem:$0x3FD0];
	(tm) =	ssettm $0x1  }
0x95: {  	s7 =	sld [smem:$0x3FFB];
	_ =	sdelay $0x3  }
0x96: {  	_ =	strace s7  }
0x97: {  	s7 =	sld [smem:$0x3FFC];
	_ =	sdelay $0x3  }
0x98: {  	_ =	strace s7  }
0x99: {  	s7 =	sld [smem:$0x3FFD];
	_ =	sdelay $0x3  }
0x9a: {  	_ =	strace s7  }
0x9b: {  	_ =	strace $0x8FFFFFFF  }
0x9c: {  	s20 =	sld [smem:$0x3FDB];
	_ =	sdelay $0x1  }
0x9d: {  	s8 =	simm.s32 $_scs_section_size  }
0x9e: {  	s9 =	simm.s32 $_size__tile_overlayer_lowered;
	s10 =	simm.s32 $_tile_overlayer_lowered  }
0x9f: {  	s23 =	simm.s32 $0x1BFF;
	s22 =	sshll.u32 s10, $0x1;
	s7 =	sadd.s32 s8, s20  }
0xa0: {  	s11 =	simm.s32 $0x0;
	s21 =	sshll.u32 s9, $0x1;
	s9 =	sadd.s32 s22, s7  }
0xa1: {  	[timem:s11], [sflag:s23] =	dma.local [hbm:s9], s21  }
0xa2: {  	_ =	swait.ge [sflag:s23], s21  }
0xa3: {  	s8 =	ssub.s32 $0x0, s21;
	[sflag:s23] =	ssyncset.done $0x0  }
0xa4: {  	[sflag:s23] =	ssyncadd.s32 s8;
	_ =	sdelay $0x1  }
0xa5: {  	s24 =	simm.s32 $0x1B8B  }
0xa6: {  	_ =	swait.ge [sflag:s24], $0x1  }
0xa7: {  	[sflag:s24] =	ssyncset.done $0x0  }
0xa8: {  	s25 =	simm.s32 $0x1B8E;
	[sflag:s24] =	ssyncadd.s32 $0xFFFFFFFF  }
0xa9: {  	s26 =	simm.s32 $execute0_lowered;
	[smem:$0x3FD2] =	sst s25  }
0xaa: {  	s8 =	sshll.u32 s26, $0x1;
	_ =	strace $0x80000046;
	[dreg:$0x1] =	wrdreg $0xFFFFFFFF  }
0xab: {  	s28 =	simm.s32 $_size_execute0_lowered;
	s7 =	sadd.s32 s7, s8;
	[dreg:$0x0] =	wrdreg $0x0  }
0xac: {  	s8 =	sshll.u32 s28, $0x1;
	[dreg:$0x2] =	wrdreg s7  }
0xad: {  	[dreg:$0x3] =	wrdreg s8  }
0xae: {  	[dreg:$0x4] =	wrdreg $0xC0  }
0xaf: {  	_ =	task [dreg:s11], $0x5FFFF  }
0xb0: {  	[dreg:$0x1] =	wrdreg $0xFFFFFFFF  }
0xb1: {  	[dreg:$0x0] =	wrdreg $0x60  }
0xb2: {  	[dreg:$0x2] =	wrdreg s2  }
0xb3: {  	[dreg:$0x3] =	wrdreg s19  }
0xb4: {  	[dreg:$0x4] =	wrdreg s4  }
0xb5: {  	[dreg:$0x5] =	wrdreg s5  }
0xb6: {  	[dreg:$0x6] =	wrdreg s6  }
0xb7: {  	[dreg:$0x7] =	wrdreg $0x9  }
0xb8: {  	_ =	task.clear_ibuf [dreg:s11], $0x8FFFF;
	_ =	strace $0x90000046  }
0xb9: {  	s29 =	simm.s32 $0x9;
	_ =	strace $0x80000048  }
0xba: {  	_ =	swait.ge [sflag:s29], $0x1  }
0xbb: {  	[sflag:s29] =	ssyncadd.s32 $0xFFFFFFFF  }
0xbc: {  	_ =	strace $0x90000048  }
0xbd: {  	_ =	sfence  }
0xbe: {  	s30 =	sld [smem:$0x0];
	_ =	sdelay $0x2  }
0xbf: {  	s31 =	sshll.u32 s1, $0xD;
	s1 =	sshrl.u32 s1, $0x2  }
0xc0: {  	s3 =	sand.u32 $0x4000, s31;
	s1 =	sadd.s32 s1, s30  }
0xc1: {  	s0 =	sor.u32 s3, s0;
	s1 =	sshll.u32 s1, $0x11  }
0xc2: {  	s0 =	sor.u32 s1, s0  }
0xc3: {  	s0 =	sadd.s32 $0x8F2B, s0  }
0xc4: {  	[sflag:s0] =	ssyncadd.remote.s32 $0x1  }
0xc5: {  	_ =	sfence.sel $0xFFFF  }
0xc6: {  	[dreg:$0x0] =	wrdreg $0xFFFFFFFF;
	(pc) =	sbr.abs _section_cstart, $3  }
0xc7: {  	[dreg:$0x1] =	wrdreg $0xFFFFFFFF  }
0xc8: {  	_ =	task.clear_ibuf [dreg:s11], $0x2FFFF;
	_ =	strace $0x9FFFFFFF  }
0xc9: {  	(tm) =	ssettm $0x7FFFFFFF  }
tec
execute0_lowered:
.L_overlay_start_1:
0x0: {  	(tag) =	ssettag $0x1  }
0x1: {  	s1 =	rddreg [dreg:$0x0]  }
0x2: {  	s2 =	rddreg [dreg:$0x1]  }
0x3: {  	s0 =	rddreg [dreg:$0x2]  }
0x4: {  	s3 =	rddreg [dreg:$0x3]  }
0x5: {  	s4 =	rddreg [dreg:$0x4];
	s5 =	srdreg.scid;
	s9 =	simm.s32 $0x0  }
0x6: {  	s7 =	stileid.u32;
	s10 =	simm.s32 $0x7A1400;
	s11 =	simm.s32 $0x400  }
0x7: {  	s23 =	simm.s32 $0x8400;
	s12 =	simm.s32 $0xB400;
	s28 =	simm.s32 $0x1  }
0x8: {  	s29 =	simm.s32 $0x2;
	s30 =	simm.s32 $0x10400;
	s31 =	simm.s32 $0x14400  }
0x9: {  	s5 =	sand.u32 $0x1, s5;
	s7 =	sshll.u32 s7, $0x7;
	[smem:$0x7FF] =	sst s9  }
0xa: {  	s6 =	ssub.s32 $0x2, s5;
	s5 =	sshll.u32 s5, $0x6;
	_ =	strace $0x80000047  }
0xb: {  	s8 =	sshrl.u32 s6, $0x1;
	s5 =	sor.u32 s5, s7;
	s7 =	simm.s32 $0xA400  }
0xc: {  	s6 =	ssub.s32 s6, s8;
	s0 =	sadd.s32 s0, s5;
	s24 =	sadd.s32 s3, s5  }
0xd: {  	v1 =	vlaneseq.u32;
	s25 =	sadd.s32 s4, s5;
	s4 =	simm.s32 $0x3;
	[dreg:$0x6] =	wrdreg s0  }
0xe: {  	v0 =	vmul.u32 $0x200, v1;
	v1 =	vmul.u32 $0x80, v1;
	s8 =	simm.s32 $0x3400;
	s3 =	simm.s32 $0x0;
	[dreg:$0x7] =	wrdreg s24  }
0xf: {  	[dreg:$0x8] =	wrdreg s25;
	s26 =	smax.u32 s6, $0x1;
	s24 =	simm.s32 $0x1400  }
0x10: {  	v2 =	vor.u32 $0x2000, v0;
	v3 =	vor.u32 $0x800, v1;
	s25 =	simm.s32 $0x9400;
	[dreg:$0x9] =	wrdreg s26;
	s26 =	simm.s32 $0x2400  }
.LBB2_1:
0x11: {  	[dreg:$0xa] =	wrdreg s3  }
0x12: {  	s0 =	rddreg [dreg:$0x6]  }
0x13: {  	[tilespmem:s9], [sflag:$0x3] =	stream.linear.gather [hbm4b:s0+s9], $0x200, $0x38;
	[tilespmem:$0x18600] =	vst v63  }
0x14: {  	_ =	swait.ge [sflag:s4], $0x200  }
0x15: {  	[sflag:s4] =	ssyncset.done $0x0  }
0x16: {  	s0 =	simm.s32 $0x200;
	s22 =	rddreg [dreg:$0x7];
	[sflag:s4] =	ssyncadd.s32 $0xFFFFFE00  }
0x17: {  	[tilespmem:s0], [sflag:$0x3] =	stream.linear.gather [hbm4b:s22+s9], $0x200, $0x38;
	[tilespmem:$0x18600] =	vst v63  }
0x18: {  	_ =	swait.ge [sflag:s4], $0x200  }
0x19: {  	[sflag:s4] =	ssyncset.done $0x0  }
0x1a: {  	s5 =	simm.s32 $0xF;
	s6 =	simm.s32 $0x0;
	[sflag:s4] =	ssyncadd.s32 $0xFFFFFE00  }
.LBB2_2:
0x1b: {  	v5 =	vld [tilespmem:s6+$0x0]  }
0x1c: {  	v4 =	vld [tilespmem:s0+$0x0];
	_ =	sdelay $0x3  }
0x1d: {  	(v2sf) =	vpush v5, $0x0  }
0x1e: {  	(v2sf) =	vpush v4, $0x0  }
0x1f: {  	(v2sf) =	vpush v5, $0x1  }
0x20: {  	(v2sf) =	vpush v4, $0x1;
	_ =	sdelay $0x2  }
0x21: {  	(v2sf) =	vpush v5, $0x2;
	_ =	sdelay $0x3  }
0x22: {  	(v2sf) =	vpush v4, $0x2;
	_ =	sdelay $0x4  }
0x23: {  	s21 =	spop (v2sf)  }
0x24: {  	s22 =	spop (v2sf);
	(v2sf) =	vpush v5, $0x3  }
0x25: {  	s19 =	spop (v2sf);
	(v2sf) =	vpush v4, $0x3  }
0x26: {  	s3 =	sand.u32 $0xFFFFF80, s21;
	s20 =	spop (v2sf);
	(v2sf) =	vpush v5, $0x4  }
0x27: {  	s3 =	sadd.s32 s1, s3;
	s13 =	sand.u32 $0xFFFFF80, s22  }
0x28: {  	[tilespmem:s11], [sflag:$0x1] =	stream.strided.gather [hbm4b:s3+s11], $0x1000, s10, s11, $0x38;
	[tilespmem:$0x18600] =	vst v63  }
0x29: {  	s3 =	sadd.s32 s2, s13;
	s14 =	sand.u32 $0xFFFFF80, s19;
	s17 =	spop (v2sf)  }
0x2a: {  	(v2sf) =	vpush v4, $0x4;
	[tilespmem:s23], [sflag:$0x2] =	stream.strided.gather [hbm4b:s3+s11], $0x1000, s10, s11, $0x38;
	[tilespmem:$0x18600] =	vst v63  }
0x2b: {  	s15 =	sand.u32 $0xFFFFF80, s20;
	s3 =	sadd.s32 s1, s14  }
0x2c: {  	[tilespmem:s24], [sflag:$0x1] =	stream.strided.gather [hbm4b:s3+s11], $0x1000, s10, s11, $0x38;
	[tilespmem:$0x18600] =	vst v63  }
0x2d: {  	s16 =	sand.u32 $0xFFFFF80, s17;
	s18 =	spop (v2sf);
	s3 =	sadd.s32 s2, s15  }
0x2e: {  	[tilespmem:s25], [sflag:$0x2] =	stream.strided.gather [hbm4b:s3+s11], $0x1000, s10, s11, $0x38;
	[tilespmem:$0x18600] =	vst v63  }
0x2f: {  	(v2sf) =	vpush v5, $0x5;
	s23 =	sand.u32 $0xFFFFF80, s18;
	s3 =	sadd.s32 s1, s16  }
0x30: {  	[tilespmem:s26], [sflag:$0x1] =	stream.strided.gather [hbm4b:s3+s11], $0x1000, s10, s11, $0x38;
	[tilespmem:$0x18600] =	vst v63  }
0x31: {  	s3 =	sadd.s32 s2, s23  }
0x32: {  	[tilespmem:s7], [sflag:$0x2] =	stream.strided.gather [hbm4b:s3+s11], $0x1000, s10, s11, $0x38;
	[tilespmem:$0x18600] =	vst v63  }
0x33: {  	s15 =	spop (v2sf);
	(v2sf) =	vpush v4, $0x5  }
0x34: {  	s24 =	sand.u32 $0xFFFFF80, s15;
	s16 =	spop (v2sf)  }
0x35: {  	s3 =	sadd.s32 s1, s24;
	s25 =	sand.u32 $0xFFFFF80, s16;
	s13 =	spop (v2sf)  }
0x36: {  	[tilespmem:s8], [sflag:$0x1] =	stream.strided.gather [hbm4b:s3+s11], $0x1000, s10, s11, $0x38;
	[tilespmem:$0x18600] =	vst v63  }
0x37: {  	(v2sf) =	vpush v5, $0x6;
	s3 =	sadd.s32 s2, s25;
	s26 =	sand.u32 $0xFFFFF80, s13  }
0x38: {  	(v2sf) =	vpush v4, $0x6;
	[tilespmem:s12], [sflag:$0x2] =	stream.strided.gather [hbm4b:s3+s11], $0x1000, s10, s11, $0x38;
	[tilespmem:$0x18600] =	vst v63  }
0x39: {  	s4 =	simm.s32 $0x4400;
	s14 =	spop (v2sf);
	s3 =	sadd.s32 s1, s26  }
0x3a: {  	[tilespmem:s4], [sflag:$0x1] =	stream.strided.gather [hbm4b:s3+s11], $0x1000, s10, s11, $0x38;
	[tilespmem:$0x18600] =	vst v63  }
0x3b: {  	s4 =	sand.u32 $0xFFFFF80, s14  }
0x3c: {  	s7 =	simm.s32 $0xC400;
	s3 =	sadd.s32 s2, s4  }
0x3d: {  	(v2sf) =	vpush v5, $0x7;
	[tilespmem:s7], [sflag:$0x2] =	stream.strided.gather [hbm4b:s3+s11], $0x1000, s10, s11, $0x38;
	[tilespmem:$0x18600] =	vst v63  }
0x3e: {  	s3 =	spop (v2sf)  }
0x3f: {  	(v2sf) =	vpush v4, $0x7;
	s8 =	sand.u32 $0xFFFFF80, s3  }
0x40: {  	s9 =	simm.s32 $0x5400;
	s4 =	sadd.s32 s1, s8  }
0x41: {  	[tilespmem:s9], [sflag:$0x1] =	stream.strided.gather [hbm4b:s4+s11], $0x1000, s10, s11, $0x38;
	[tilespmem:$0x18600] =	vst v63  }
0x42: {  	s12 =	spop (v2sf)  }
0x43: {  	s23 =	sand.u32 $0xFFFFF80, s12  }
0x44: {  	s24 =	simm.s32 $0xD400;
	s4 =	sadd.s32 s2, s23  }
0x45: {  	[tilespmem:s24], [sflag:$0x2] =	stream.strided.gather [hbm4b:s4+s11], $0x1000, s10, s11, $0x38;
	[tilespmem:$0x18600] =	vst v63  }
0x46: {  	s4 =	spop (v2sf)  }
0x47: {  	s25 =	sand.u32 $0xFFFFF80, s4;
	s9 =	spop (v2sf)  }
0x48: {  	s26 =	simm.s32 $0x6400;
	s7 =	sadd.s32 s1, s25;
	s8 =	sand.u32 $0xFFFFF80, s9  }
0x49: {  	[tilespmem:s26], [sflag:$0x1] =	stream.strided.gather [hbm4b:s7+s11], $0x1000, s10, s11, $0x38;
	[tilespmem:$0x18600] =	vst v63  }
0x4a: {  	s23 =	simm.s32 $0xE400;
	s7 =	sadd.s32 s2, s8  }
0x4b: {  	[tilespmem:s23], [sflag:$0x2] =	stream.strided.gather [hbm4b:s7+s11], $0x1000, s10, s11, $0x38;
	[tilespmem:$0x18600] =	vst v63  }
0x4c: {  	s7 =	spop (v2sf)  }
0x4d: {  	s24 =	sand.u32 $0xFFFFF80, s7  }
0x4e: {  	s8 =	spop (v2sf);
	s23 =	sadd.s32 s1, s24;
	s24 =	simm.s32 $0x7400  }
0x4f: {  	[tilespmem:s24], [sflag:$0x1] =	stream.strided.gather [hbm4b:s23+s11], $0x1000, s10, s11, $0x38;
	[tilespmem:$0x18600] =	vst v63  }
0x50: {  	s24 =	sand.u32 $0xFFFFF80, s8  }
0x51: {  	s23 =	sadd.s32 s2, s24;
	s24 =	simm.s32 $0xF400  }
0x52: {  	[tilespmem:s24], [sflag:$0x2] =	stream.strided.gather [hbm4b:s23+s11], $0x1000, s10, s11, $0x38;
	[tilespmem:$0x18600] =	vst v63  }
0x53: {  	_ =	swait.ge [sflag:s28], $0x1000  }
0x54: {  	[sflag:s28] =	ssyncset.done $0x0  }
0x55: {  	[sflag:s28] =	ssyncadd.s32 $0xFFFFF000  }
0x56: {  	_ =	swait.ge [sflag:s29], $0x1000  }
0x57: {  	[sflag:s29] =	ssyncset.done $0x0  }
0x58: {  	[sflag:s29] =	ssyncadd.s32 $0xFFFFF000  }
0x59: {  	_ =	swait.ge [sflag:s28], $0x1000  }
0x5a: {  	[sflag:s28] =	ssyncset.done $0x0  }
0x5b: {  	[sflag:s28] =	ssyncadd.s32 $0xFFFFF000  }
0x5c: {  	_ =	swait.ge [sflag:s29], $0x1000  }
0x5d: {  	[sflag:s29] =	ssyncset.done $0x0  }
0x5e: {  	[sflag:s29] =	ssyncadd.s32 $0xFFFFF000  }
0x5f: {  	_ =	swait.ge [sflag:s28], $0x1000  }
0x60: {  	[sflag:s28] =	ssyncset.done $0x0  }
0x61: {  	[sflag:s28] =	ssyncadd.s32 $0xFFFFF000  }
0x62: {  	_ =	swait.ge [sflag:s29], $0x1000  }
0x63: {  	[sflag:s29] =	ssyncset.done $0x0  }
0x64: {  	[sflag:s29] =	ssyncadd.s32 $0xFFFFF000  }
0x65: {  	_ =	swait.ge [sflag:s28], $0x1000  }
0x66: {  	[sflag:s28] =	ssyncset.done $0x0  }
0x67: {  	[sflag:s28] =	ssyncadd.s32 $0xFFFFF000  }
0x68: {  	_ =	swait.ge [sflag:s29], $0x1000  }
0x69: {  	[sflag:s29] =	ssyncset.done $0x0  }
0x6a: {  	[sflag:s29] =	ssyncadd.s32 $0xFFFFF000  }
0x6b: {  	_ =	swait.ge [sflag:s28], $0x1000  }
0x6c: {  	[sflag:s28] =	ssyncset.done $0x0  }
0x6d: {  	[sflag:s28] =	ssyncadd.s32 $0xFFFFF000  }
0x6e: {  	_ =	swait.ge [sflag:s29], $0x1000  }
0x6f: {  	[sflag:s29] =	ssyncset.done $0x0  }
0x70: {  	[sflag:s29] =	ssyncadd.s32 $0xFFFFF000  }
0x71: {  	_ =	swait.ge [sflag:s28], $0x1000  }
0x72: {  	[sflag:s28] =	ssyncset.done $0x0  }
0x73: {  	[sflag:s28] =	ssyncadd.s32 $0xFFFFF000  }
0x74: {  	_ =	swait.ge [sflag:s29], $0x1000  }
0x75: {  	[sflag:s29] =	ssyncset.done $0x0  }
0x76: {  	[sflag:s29] =	ssyncadd.s32 $0xFFFFF000  }
0x77: {  	_ =	swait.ge [sflag:s28], $0x1000  }
0x78: {  	[sflag:s28] =	ssyncset.done $0x0  }
0x79: {  	[sflag:s28] =	ssyncadd.s32 $0xFFFFF000  }
0x7a: {  	_ =	swait.ge [sflag:s29], $0x1000  }
0x7b: {  	[sflag:s29] =	ssyncset.done $0x0  }
0x7c: {  	[sflag:s29] =	ssyncadd.s32 $0xFFFFF000  }
0x7d: {  	s21 =	sand.u32 $0x7F, s21;
	_ =	swait.ge [sflag:s28], $0x1000  }
0x7e: {  	s22 =	sand.u32 $0x7F, s22;
	v6 =	vor.u32 s21, v1;
	[sflag:s28] =	ssyncset.done $0x0  }
0x7f: {  	v7 =	vor.u32 s22, v1;
	[sflag:s28] =	ssyncadd.s32 $0xFFFFF000  }
0x80: {  	_ =	swait.ge [sflag:s29], $0x1000  }
0x81: {  	[sflag:s29] =	ssyncset.done $0x0  }
0x82: {  	s23 =	sadd.s32 $0xFFFFFFF1, s5;
	[sflag:s29] =	ssyncadd.s32 $0xFFFFF000  }
0x83: {  	s24 =	simm.s32 $0x8400;
	v8 =	vor.u32 s23, v0;
	v6 =	vld.idx.msk [tilespmem:v6+s11+$0x0], $0xffff  }
0x84: {  	v7 =	vld.idx.msk [tilespmem:v7+s24+$0x0], $0xffff  }
0x85: {  	v9 =	vor.u32 s21, v3  }
0x86: {  	v10 =	vor.u32 s22, v3;
	_ =	sdelay $0x1  }
0x87: {  	[tilespmem:v8+s30+$0x0] =	vst.idx.msk $0xffff, v6  }
0x88: {  	[tilespmem:v8+s31+$0x0] =	vst.idx.msk $0xffff, v7  }
0x89: {  	v42 =	vor.u32 s23, v2;
	s24 =	simm.s32 $0x8400;
	v7 =	vld.idx.msk [tilespmem:v9+s11+$0x0], $0xffff  }
0x8a: {  	s19 =	sand.u32 $0x7F, s19;
	v8 =	vld.idx.msk [tilespmem:v10+s24+$0x0], $0xffff  }
0x8b: {  	s20 =	sand.u32 $0x7F, s20;
	v43 =	vor.u32 s19, v1  }
0x8c: {  	v44 =	vor.u32 s20, v1;
	_ =	sdelay $0x1  }
0x8d: {  	[tilespmem:v42+s30+$0x0] =	vst.idx.msk $0xffff, v7  }
0x8e: {  	s22 =	sadd.s32 $0xFFFFFFF2, s5;
	s25 =	simm.s32 $0x1400;
	[tilespmem:v42+s31+$0x0] =	vst.idx.msk $0xffff, v8  }
0x8f: {  	v45 =	vor.u32 s22, v0;
	s26 =	simm.s32 $0x9400;
	v7 =	vld.idx.msk [tilespmem:v43+s25+$0x0], $0xffff  }
0x90: {  	v8 =	vld.idx.msk [tilespmem:v44+s26+$0x0], $0xffff  }
0x91: {  	v46 =	vor.u32 s19, v3  }
0x92: {  	v47 =	vor.u32 s20, v3;
	_ =	sdelay $0x1  }
0x93: {  	[tilespmem:v45+s30+$0x0] =	vst.idx.msk $0xffff, v7  }
0x94: {  	[tilespmem:v45+s31+$0x0] =	vst.idx.msk $0xffff, v8  }
0x95: {  	v48 =	vor.u32 s22, v2;
	v7 =	vld.idx.msk [tilespmem:v46+s25+$0x0], $0xffff  }
0x96: {  	s17 =	sand.u32 $0x7F, s17;
	v8 =	vld.idx.msk [tilespmem:v47+s26+$0x0], $0xffff  }
0x97: {  	s18 =	sand.u32 $0x7F, s18;
	v49 =	vor.u32 s17, v1  }
0x98: {  	v50 =	vor.u32 s18, v1;
	_ =	sdelay $0x1  }
0x99: {  	[tilespmem:v48+s30+$0x0] =	vst.idx.msk $0xffff, v7  }
0x9a: {  	s23 =	sadd.s32 $0xFFFFFFF3, s5;
	s26 =	simm.s32 $0x2400;
	[tilespmem:v48+s31+$0x0] =	vst.idx.msk $0xffff, v8  }
0x9b: {  	v51 =	vor.u32 s23, v0;
	s24 =	simm.s32 $0xA400;
	v7 =	vld.idx.msk [tilespmem:v49+s26+$0x0], $0xffff  }
0x9c: {  	v8 =	vld.idx.msk [tilespmem:v50+s24+$0x0], $0xffff  }
0x9d: {  	v52 =	vor.u32 s17, v3  }
0x9e: {  	v53 =	vor.u32 s18, v3;
	_ =	sdelay $0x1  }
0x9f: {  	[tilespmem:v51+s30+$0x0] =	vst.idx.msk $0xffff, v7  }
0xa0: {  	[tilespmem:v51+s31+$0x0] =	vst.idx.msk $0xffff, v8  }
0xa1: {  	s21 =	simm.s32 $0xA400;
	v54 =	vor.u32 s23, v2;
	v7 =	vld.idx.msk [tilespmem:v52+s26+$0x0], $0xffff  }
0xa2: {  	s15 =	sand.u32 $0x7F, s15;
	v8 =	vld.idx.msk [tilespmem:v53+s21+$0x0], $0xffff  }
0xa3: {  	s16 =	sand.u32 $0x7F, s16;
	v55 =	vor.u32 s15, v1  }
0xa4: {  	v56 =	vor.u32 s16, v1;
	_ =	sdelay $0x1  }
0xa5: {  	[tilespmem:v54+s30+$0x0] =	vst.idx.msk $0xffff, v7  }
0xa6: {  	s22 =	sadd.s32 $0xFFFFFFF4, s5;
	s23 =	simm.s32 $0x3400;
	[tilespmem:v54+s31+$0x0] =	vst.idx.msk $0xffff, v8  }
0xa7: {  	v57 =	vor.u32 s22, v0;
	s24 =	simm.s32 $0xB400;
	v7 =	vld.idx.msk [tilespmem:v55+s23+$0x0], $0xffff  }
0xa8: {  	v8 =	vld.idx.msk [tilespmem:v56+s24+$0x0], $0xffff  }
0xa9: {  	v58 =	vor.u32 s15, v3  }
0xaa: {  	v59 =	vor.u32 s16, v3;
	_ =	sdelay $0x1  }
0xab: {  	[tilespmem:v57+s30+$0x0] =	vst.idx.msk $0xffff, v7  }
0xac: {  	s19 =	simm.s32 $0x3400;
	[tilespmem:v57+s31+$0x0] =	vst.idx.msk $0xffff, v8  }
0xad: {  	v60 =	vor.u32 s22, v2;
	s20 =	simm.s32 $0xB400;
	v7 =	vld.idx.msk [tilespmem:v58+s19+$0x0], $0xffff  }
0xae: {  	s13 =	sand.u32 $0x7F, s13;
	v8 =	vld.idx.msk [tilespmem:v59+s20+$0x0], $0xffff  }
0xaf: {  	v61 =	vor.u32 s13, v1;
	s14 =	sand.u32 $0x7F, s14  }
0xb0: {  	v62 =	vor.u32 s14, v1;
	_ =	sdelay $0x1  }
0xb1: {  	[tilespmem:v60+s30+$0x0] =	vst.idx.msk $0xffff, v7  }
0xb2: {  	s22 =	simm.s32 $0x4400;
	s21 =	sadd.s32 $0xFFFFFFF5, s5;
	[tilespmem:v60+s31+$0x0] =	vst.idx.msk $0xffff, v8  }
0xb3: {  	v63 =	vor.u32 s21, v0;
	s23 =	simm.s32 $0xC400;
	v7 =	vld.idx.msk [tilespmem:v61+s22+$0x0], $0xffff  }
0xb4: {  	v8 =	vld.idx.msk [tilespmem:v62+s23+$0x0], $0xffff  }
0xb5: {  	v12 =	vor.u32 s13, v3  }
0xb6: {  	v13 =	vor.u32 s14, v3;
	_ =	sdelay $0x1  }
0xb7: {  	[tilespmem:v63+s30+$0x0] =	vst.idx.msk $0xffff, v7  }
0xb8: {  	s24 =	simm.s32 $0x4400;
	[tilespmem:v63+s31+$0x0] =	vst.idx.msk $0xffff, v8  }
0xb9: {  	s14 =	simm.s32 $0xC400;
	v14 =	vor.u32 s21, v2;
	v7 =	vld.idx.msk [tilespmem:v12+s24+$0x0], $0xffff  }
0xba: {  	s3 =	sand.u32 $0x7F, s3;
	v8 =	vld.idx.msk [tilespmem:v13+s14+$0x0], $0xffff  }
0xbb: {  	v15 =	vor.u32 s3, v1;
	s12 =	sand.u32 $0x7F, s12  }
0xbc: {  	v16 =	vor.u32 s12, v1;
	_ =	sdelay $0x1  }
0xbd: {  	[tilespmem:v14+s30+$0x0] =	vst.idx.msk $0xffff, v7  }
0xbe: {  	s15 =	sadd.s32 $0xFFFFFFF6, s5;
	s16 =	simm.s32 $0x5400;
	[tilespmem:v14+s31+$0x0] =	vst.idx.msk $0xffff, v8  }
0xbf: {  	s17 =	simm.s32 $0xD400;
	v17 =	vor.u32 s15, v0;
	v7 =	vld.idx.msk [tilespmem:v15+s16+$0x0], $0xffff  }
0xc0: {  	v8 =	vld.idx.msk [tilespmem:v16+s17+$0x0], $0xffff  }
0xc1: {  	v18 =	vor.u32 s3, v3  }
0xc2: {  	v19 =	vor.u32 s12, v3;
	_ =	sdelay $0x1  }
0xc3: {  	[tilespmem:v17+s30+$0x0] =	vst.idx.msk $0xffff, v7  }
0xc4: {  	s18 =	simm.s32 $0x5400;
	[tilespmem:v17+s31+$0x0] =	vst.idx.msk $0xffff, v8  }
0xc5: {  	v20 =	vor.u32 s15, v2;
	s19 =	simm.s32 $0xD400;
	v7 =	vld.idx.msk [tilespmem:v18+s18+$0x0], $0xffff  }
0xc6: {  	s20 =	sand.u32 $0x7F, s4;
	v8 =	vld.idx.msk [tilespmem:v19+s19+$0x0], $0xffff  }
0xc7: {  	s21 =	sand.u32 $0x7F, s9;
	v21 =	vor.u32 s20, v1  }
0xc8: {  	v22 =	vor.u32 s21, v1;
	_ =	sdelay $0x1  }
0xc9: {  	[tilespmem:v20+s30+$0x0] =	vst.idx.msk $0xffff, v7  }
0xca: {  	s22 =	sadd.s32 $0xFFFFFFF7, s5;
	s23 =	simm.s32 $0x6400;
	[tilespmem:v20+s31+$0x0] =	vst.idx.msk $0xffff, v8  }
0xcb: {  	v23 =	vor.u32 s22, v0;
	s24 =	simm.s32 $0xE400;
	v7 =	vld.idx.msk [tilespmem:v21+s23+$0x0], $0xffff  }
0xcc: {  	v8 =	vld.idx.msk [tilespmem:v22+s24+$0x0], $0xffff  }
0xcd: {  	v24 =	vor.u32 s20, v3  }
0xce: {  	(v2sf) =	vpush v5, $0x8;
	v25 =	vor.u32 s21, v3;
	_ =	sdelay $0x1  }
0xcf: {  	(v2sf) =	vpush v4, $0x8;
	[tilespmem:v23+s30+$0x0] =	vst.idx.msk $0xffff, v7  }
0xd0: {  	s9 =	simm.s32 $0x6400;
	[tilespmem:v23+s31+$0x0] =	vst.idx.msk $0xffff, v8  }
0xd1: {  	s12 =	simm.s32 $0xE400;
	v26 =	vor.u32 s22, v2;
	v7 =	vld.idx.msk [tilespmem:v24+s9+$0x0], $0xffff  }
0xd2: {  	s13 =	sand.u32 $0x7F, s7;
	v8 =	vld.idx.msk [tilespmem:v25+s12+$0x0], $0xffff  }
0xd3: {  	v27 =	vor.u32 s13, v1;
	(v2sf) =	vpush v5, $0x9;
	s14 =	sand.u32 $0x7F, s8  }
0xd4: {  	v28 =	vor.u32 s14, v1  }
0xd5: {  	(v2sf) =	vpush v4, $0x9  }
0xd6: {  	[tilespmem:v26+s30+$0x0] =	vst.idx.msk $0xffff, v7  }
0xd7: {  	s15 =	sadd.s32 $0xFFFFFFF8, s5;
	s16 =	simm.s32 $0x7400;
	[tilespmem:v26+s31+$0x0] =	vst.idx.msk $0xffff, v8  }
0xd8: {  	v29 =	vor.u32 s15, v0;
	(v2sf) =	vpush v5, $0xA;
	s17 =	simm.s32 $0xF400;
	v7 =	vld.idx.msk [tilespmem:v27+s16+$0x0], $0xffff  }
0xd9: {  	v8 =	vld.idx.msk [tilespmem:v28+s17+$0x0], $0xffff  }
0xda: {  	v30 =	vor.u32 s13, v3;
	(v2sf) =	vpush v4, $0xA  }
0xdb: {  	v31 =	vor.u32 s14, v3  }
0xdc: {  	s21 =	spop (v2sf);
	(v2sf) =	vpush v5, $0xB  }
0xdd: {  	[tilespmem:v29+s30+$0x0] =	vst.idx.msk $0xffff, v7  }
0xde: {  	s22 =	spop (v2sf);
	(v2sf) =	vpush v4, $0xB;
	s18 =	simm.s32 $0x7400;
	[tilespmem:v29+s31+$0x0] =	vst.idx.msk $0xffff, v8  }
0xdf: {  	v32 =	vor.u32 s15, v2;
	s19 =	simm.s32 $0xF400;
	v7 =	vld.idx.msk [tilespmem:v30+s18+$0x0], $0xffff  }
0xe0: {  	v8 =	vld.idx.msk [tilespmem:v31+s19+$0x0], $0xffff;
	_ =	sdelay $0x1  }
0xe1: {  	s20 =	sand.u32 $0xFFFFF80, s21;
	s19 =	spop (v2sf);
	(v2sf) =	vpush v5, $0xC  }
0xe2: {  	s3 =	sadd.s32 s1, s20  }
0xe3: {  	s14 =	simm.s32 $0x3400;
	s23 =	sand.u32 $0xFFFFF80, s22;
	s20 =	spop (v2sf);
	(v2sf) =	vpush v4, $0xC;
	[tilespmem:v32+s30+$0x0] =	vst.idx.msk $0xffff, v7  }
0xe4: {  	s24 =	simm.s32 $0x8400;
	s12 =	simm.s32 $0xA400;
	s4 =	sand.u32 $0xFFFFF80, s19;
	[tilespmem:v32+s31+$0x0] =	vst.idx.msk $0xffff, v8  }
0xe5: {  	[tilespmem:s11], [sflag:$0x1] =	stream.strided.gather [hbm4b:s3+s11], $0x1000, s10, s11, $0x38;
	[tilespmem:$0x18600] =	vst v63  }
0xe6: {  	s7 =	sand.u32 $0xFFFFF80, s20;
	s17 =	spop (v2sf);
	s3 =	sadd.s32 s2, s23  }
0xe7: {  	(v2sf) =	vpush v5, $0xD;
	[tilespmem:s24], [sflag:$0x2] =	stream.strided.gather [hbm4b:s3+s11], $0x1000, s10, s11, $0x38;
	[tilespmem:$0x18600] =	vst v63  }
0xe8: {  	s8 =	sand.u32 $0xFFFFF80, s17;
	s18 =	spop (v2sf);
	s3 =	sadd.s32 s1, s4  }
0xe9: {  	[tilespmem:s25], [sflag:$0x1] =	stream.strided.gather [hbm4b:s3+s11], $0x1000, s10, s11, $0x38;
	[tilespmem:$0x18600] =	vst v63  }
0xea: {  	s15 =	spop (v2sf);
	(v2sf) =	vpush v4, $0xD;
	s25 =	simm.s32 $0x9400;
	s3 =	sadd.s32 s2, s7  }
0xeb: {  	[tilespmem:s25], [sflag:$0x2] =	stream.strided.gather [hbm4b:s3+s11], $0x1000, s10, s11, $0x38;
	[tilespmem:$0x18600] =	vst v63  }
0xec: {  	s9 =	sand.u32 $0xFFFFF80, s18;
	s16 =	spop (v2sf);
	(v2sf) =	vpush v5, $0xE;
	s3 =	sadd.s32 s1, s8  }
0xed: {  	[tilespmem:s26], [sflag:$0x1] =	stream.strided.gather [hbm4b:s3+s11], $0x1000, s10, s11, $0x38;
	[tilespmem:$0x18600] =	vst v63  }
0xee: {  	s13 =	sand.u32 $0xFFFFF80, s15;
	s23 =	sand.u32 $0xFFFFF80, s16;
	s3 =	sadd.s32 s2, s9  }
0xef: {  	[tilespmem:s12], [sflag:$0x2] =	stream.strided.gather [hbm4b:s3+s11], $0x1000, s10, s11, $0x38;
	[tilespmem:$0x18600] =	vst v63  }
0xf0: {  	s24 =	simm.s32 $0xB400;
	s3 =	sadd.s32 s1, s13;
	s13 =	spop (v2sf)  }
0xf1: {  	(v2sf) =	vpush v4, $0xE;
	[tilespmem:s14], [sflag:$0x1] =	stream.strided.gather [hbm4b:s3+s11], $0x1000, s10, s11, $0x38;
	[tilespmem:$0x18600] =	vst v63  }
0xf2: {  	s4 =	sand.u32 $0xFFFFF80, s13;
	s3 =	sadd.s32 s2, s23;
	s14 =	spop (v2sf)  }
0xf3: {  	(v2sf) =	vpush v5, $0xF;
	[tilespmem:s24], [sflag:$0x2] =	stream.strided.gather [hbm4b:s3+s11], $0x1000, s10, s11, $0x38;
	[tilespmem:$0x18600] =	vst v63  }
0xf4: {  	s7 =	simm.s32 $0x4400;
	s3 =	sadd.s32 s1, s4  }
0xf5: {  	[tilespmem:s7], [sflag:$0x1] =	stream.strided.gather [hbm4b:s3+s11], $0x1000, s10, s11, $0x38;
	[tilespmem:$0x18600] =	vst v63  }
0xf6: {  	s8 =	sand.u32 $0xFFFFF80, s14;
	s3 =	spop (v2sf)  }
0xf7: {  	s12 =	simm.s32 $0xC400;
	s9 =	sadd.s32 s2, s8;
	s23 =	sand.u32 $0xFFFFF80, s3  }
0xf8: {  	(v2sf) =	vpush v4, $0xF;
	[tilespmem:s12], [sflag:$0x2] =	stream.strided.gather [hbm4b:s9+s11], $0x1000, s10, s11, $0x38;
	[tilespmem:$0x18600] =	vst v63  }
0xf9: {  	s24 =	simm.s32 $0x5400;
	s12 =	spop (v2sf);
	s4 =	sadd.s32 s1, s23  }
0xfa: {  	[tilespmem:s24], [sflag:$0x1] =	stream.strided.gather [hbm4b:s4+s11], $0x1000, s10, s11, $0x38;
	[tilespmem:$0x18600] =	vst v63  }
0xfb: {  	s8 =	sand.u32 $0xFFFFF80, s12;
	s4 =	spop (v2sf)  }
0xfc: {  	s9 =	simm.s32 $0xD400;
	s7 =	sadd.s32 s2, s8;
	s23 =	sand.u32 $0xFFFFF80, s4  }
0xfd: {  	[tilespmem:s9], [sflag:$0x2] =	stream.strided.gather [hbm4b:s7+s11], $0x1000, s10, s11, $0x38;
	[tilespmem:$0x18600] =	vst v63  }
0xfe: {  	s24 =	simm.s32 $0x6400;
	s7 =	sadd.s32 s1, s23  }
0xff: {  	[tilespmem:s24], [sflag:$0x1] =	stream.strided.gather [hbm4b:s7+s11], $0x1000, s10, s11, $0x38;
	[tilespmem:$0x18600] =	vst v63  }
0x100: {  	s9 =	spop (v2sf)  }
0x101: {  	s23 =	sand.u32 $0xFFFFF80, s9  }
0x102: {  	s24 =	simm.s32 $0xE400;
	s7 =	spop (v2sf);
	s8 =	sadd.s32 s2, s23  }
0x103: {  	[tilespmem:s24], [sflag:$0x2] =	stream.strided.gather [hbm4b:s8+s11], $0x1000, s10, s11, $0x38;
	[tilespmem:$0x18600] =	vst v63  }
0x104: {  	s24 =	sand.u32 $0xFFFFF80, s7  }
0x105: {  	s23 =	sadd.s32 s1, s24;
	s24 =	simm.s32 $0x7400  }
0x106: {  	[tilespmem:s24], [sflag:$0x1] =	stream.strided.gather [hbm4b:s23+s11], $0x1000, s10, s11, $0x38;
	[tilespmem:$0x18600] =	vst v63  }
0x107: {  	s8 =	spop (v2sf)  }
0x108: {  	s24 =	sand.u32 $0xFFFFF80, s8  }
0x109: {  	s23 =	sadd.s32 s2, s24;
	s24 =	simm.s32 $0xF400  }
0x10a: {  	[tilespmem:s24], [sflag:$0x2] =	stream.strided.gather [hbm4b:s23+s11], $0x1000, s10, s11, $0x38;
	[tilespmem:$0x18600] =	vst v63  }
0x10b: {  	_ =	swait.ge [sflag:s28], $0x1000  }
0x10c: {  	[sflag:s28] =	ssyncset.done $0x0  }
0x10d: {  	[sflag:s28] =	ssyncadd.s32 $0xFFFFF000  }
0x10e: {  	_ =	swait.ge [sflag:s29], $0x1000  }
0x10f: {  	[sflag:s29] =	ssyncset.done $0x0  }
0x110: {  	[sflag:s29] =	ssyncadd.s32 $0xFFFFF000  }
0x111: {  	_ =	swait.ge [sflag:s28], $0x1000  }
0x112: {  	[sflag:s28] =	ssyncset.done $0x0  }
0x113: {  	[sflag:s28] =	ssyncadd.s32 $0xFFFFF000  }
0x114: {  	_ =	swait.ge [sflag:s29], $0x1000  }
0x115: {  	[sflag:s29] =	ssyncset.done $0x0  }
0x116: {  	[sflag:s29] =	ssyncadd.s32 $0xFFFFF000  }
0x117: {  	_ =	swait.ge [sflag:s28], $0x1000  }
0x118: {  	[sflag:s28] =	ssyncset.done $0x0  }
0x119: {  	[sflag:s28] =	ssyncadd.s32 $0xFFFFF000  }
0x11a: {  	_ =	swait.ge [sflag:s29], $0x1000  }
0x11b: {  	[sflag:s29] =	ssyncset.done $0x0  }
0x11c: {  	[sflag:s29] =	ssyncadd.s32 $0xFFFFF000  }
0x11d: {  	_ =	swait.ge [sflag:s28], $0x1000  }
0x11e: {  	[sflag:s28] =	ssyncset.done $0x0  }
0x11f: {  	[sflag:s28] =	ssyncadd.s32 $0xFFFFF000  }
0x120: {  	_ =	swait.ge [sflag:s29], $0x1000  }
0x121: {  	[sflag:s29] =	ssyncset.done $0x0  }
0x122: {  	[sflag:s29] =	ssyncadd.s32 $0xFFFFF000  }
0x123: {  	_ =	swait.ge [sflag:s28], $0x1000  }
0x124: {  	[sflag:s28] =	ssyncset.done $0x0  }
0x125: {  	[sflag:s28] =	ssyncadd.s32 $0xFFFFF000  }
0x126: {  	_ =	swait.ge [sflag:s29], $0x1000  }
0x127: {  	[sflag:s29] =	ssyncset.done $0x0  }
0x128: {  	[sflag:s29] =	ssyncadd.s32 $0xFFFFF000  }
0x129: {  	_ =	swait.ge [sflag:s28], $0x1000  }
0x12a: {  	[sflag:s28] =	ssyncset.done $0x0  }
0x12b: {  	[sflag:s28] =	ssyncadd.s32 $0xFFFFF000  }
0x12c: {  	_ =	swait.ge [sflag:s29], $0x1000  }
0x12d: {  	[sflag:s29] =	ssyncset.done $0x0  }
0x12e: {  	[sflag:s29] =	ssyncadd.s32 $0xFFFFF000  }
0x12f: {  	_ =	swait.ge [sflag:s28], $0x1000  }
0x130: {  	[sflag:s28] =	ssyncset.done $0x0  }
0x131: {  	[sflag:s28] =	ssyncadd.s32 $0xFFFFF000  }
0x132: {  	_ =	swait.ge [sflag:s29], $0x1000  }
0x133: {  	[sflag:s29] =	ssyncset.done $0x0  }
0x134: {  	[sflag:s29] =	ssyncadd.s32 $0xFFFFF000  }
0x135: {  	s21 =	sand.u32 $0x7F, s21;
	_ =	swait.ge [sflag:s28], $0x1000  }
0x136: {  	s22 =	sand.u32 $0x7F, s22;
	v4 =	vor.u32 s21, v1;
	[sflag:s28] =	ssyncset.done $0x0  }
0x137: {  	v5 =	vor.u32 s22, v1;
	[sflag:s28] =	ssyncadd.s32 $0xFFFFF000  }
0x138: {  	_ =	swait.ge [sflag:s29], $0x1000  }
0x139: {  	[sflag:s29] =	ssyncset.done $0x0  }
0x13a: {  	s23 =	sadd.s32 $0xFFFFFFF9, s5;
	[sflag:s29] =	ssyncadd.s32 $0xFFFFF000  }
0x13b: {  	s24 =	simm.s32 $0x8400;
	v33 =	vor.u32 s23, v0;
	v4 =	vld.idx.msk [tilespmem:v4+s11+$0x0], $0xffff  }
0x13c: {  	v5 =	vld.idx.msk [tilespmem:v5+s24+$0x0], $0xffff  }
0x13d: {  	v34 =	vor.u32 s21, v3  }
0x13e: {  	v35 =	vor.u32 s22, v3;
	_ =	sdelay $0x1  }
0x13f: {  	[tilespmem:v33+s30+$0x0] =	vst.idx.msk $0xffff, v4  }
0x140: {  	[tilespmem:v33+s31+$0x0] =	vst.idx.msk $0xffff, v5  }
0x141: {  	v4 =	vor.u32 s23, v2;
	s23 =	simm.s32 $0x8400;
	v5 =	vld.idx.msk [tilespmem:v34+s11+$0x0], $0xffff  }
0x142: {  	s19 =	sand.u32 $0x7F, s19;
	v6 =	vld.idx.msk [tilespmem:v35+s23+$0x0], $0xffff  }
0x143: {  	s20 =	sand.u32 $0x7F, s20;
	v36 =	vor.u32 s19, v1  }
0x144: {  	v37 =	vor.u32 s20, v1;
	_ =	sdelay $0x1  }
0x145: {  	[tilespmem:v4+s30+$0x0] =	vst.idx.msk $0xffff, v5  }
0x146: {  	s22 =	sadd.s32 $0xFFFFFFFA, s5;
	s24 =	simm.s32 $0x1400;
	[tilespmem:v4+s31+$0x0] =	vst.idx.msk $0xffff, v6  }
0x147: {  	v4 =	vor.u32 s22, v0;
	v5 =	vld.idx.msk [tilespmem:v36+s24+$0x0], $0xffff  }
0x148: {  	v6 =	vld.idx.msk [tilespmem:v37+s25+$0x0], $0xffff  }
0x149: {  	v38 =	vor.u32 s19, v3  }
0x14a: {  	v39 =	vor.u32 s20, v3;
	_ =	sdelay $0x1  }
0x14b: {  	[tilespmem:v4+s30+$0x0] =	vst.idx.msk $0xffff, v5  }
0x14c: {  	[tilespmem:v4+s31+$0x0] =	vst.idx.msk $0xffff, v6  }
0x14d: {  	v4 =	vor.u32 s22, v2;
	v5 =	vld.idx.msk [tilespmem:v38+s24+$0x0], $0xffff  }
0x14e: {  	s17 =	sand.u32 $0x7F, s17;
	v6 =	vld.idx.msk [tilespmem:v39+s25+$0x0], $0xffff  }
0x14f: {  	s18 =	sand.u32 $0x7F, s18;
	v40 =	vor.u32 s17, v1  }
0x150: {  	v41 =	vor.u32 s18, v1;
	_ =	sdelay $0x1  }
0x151: {  	[tilespmem:v4+s30+$0x0] =	vst.idx.msk $0xffff, v5  }
0x152: {  	s21 =	sadd.s32 $0xFFFFFFFB, s5;
	[tilespmem:v4+s31+$0x0] =	vst.idx.msk $0xffff, v6  }
0x153: {  	s22 =	simm.s32 $0xA400;
	v4 =	vor.u32 s21, v0;
	v5 =	vld.idx.msk [tilespmem:v40+s26+$0x0], $0xffff  }
0x154: {  	v6 =	vld.idx.msk [tilespmem:v41+s22+$0x0], $0xffff  }
0x155: {  	v42 =	vor.u32 s17, v3  }
0x156: {  	v43 =	vor.u32 s18, v3;
	_ =	sdelay $0x1  }
0x157: {  	[tilespmem:v4+s30+$0x0] =	vst.idx.msk $0xffff, v5  }
0x158: {  	[tilespmem:v4+s31+$0x0] =	vst.idx.msk $0xffff, v6  }
0x159: {  	s19 =	simm.s32 $0xA400;
	v4 =	vor.u32 s21, v2;
	v5 =	vld.idx.msk [tilespmem:v42+s26+$0x0], $0xffff  }
0x15a: {  	s15 =	sand.u32 $0x7F, s15;
	v6 =	vld.idx.msk [tilespmem:v43+s19+$0x0], $0xffff  }
0x15b: {  	v44 =	vor.u32 s15, v1;
	s16 =	sand.u32 $0x7F, s16  }
0x15c: {  	v45 =	vor.u32 s16, v1;
	_ =	sdelay $0x1  }
0x15d: {  	[tilespmem:v4+s30+$0x0] =	vst.idx.msk $0xffff, v5  }
0x15e: {  	s20 =	sadd.s32 $0xFFFFFFFC, s5;
	s21 =	simm.s32 $0x3400;
	[tilespmem:v4+s31+$0x0] =	vst.idx.msk $0xffff, v6  }
0x15f: {  	s22 =	simm.s32 $0xB400;
	v4 =	vor.u32 s20, v0;
	v5 =	vld.idx.msk [tilespmem:v44+s21+$0x0], $0xffff  }
0x160: {  	v6 =	vld.idx.msk [tilespmem:v45+s22+$0x0], $0xffff  }
0x161: {  	v46 =	vor.u32 s15, v3  }
0x162: {  	v47 =	vor.u32 s16, v3;
	_ =	sdelay $0x1  }
0x163: {  	[tilespmem:v4+s30+$0x0] =	vst.idx.msk $0xffff, v5  }
0x164: {  	s17 =	simm.s32 $0x3400;
	[tilespmem:v4+s31+$0x0] =	vst.idx.msk $0xffff, v6  }
0x165: {  	s18 =	simm.s32 $0xB400;
	v4 =	vor.u32 s20, v2;
	v5 =	vld.idx.msk [tilespmem:v46+s17+$0x0], $0xffff  }
0x166: {  	s13 =	sand.u32 $0x7F, s13;
	v6 =	vld.idx.msk [tilespmem:v47+s18+$0x0], $0xffff  }
0x167: {  	v48 =	vor.u32 s13, v1;
	s14 =	sand.u32 $0x7F, s14  }
0x168: {  	v49 =	vor.u32 s14, v1;
	_ =	sdelay $0x1  }
0x169: {  	[tilespmem:v4+s30+$0x0] =	vst.idx.msk $0xffff, v5  }
0x16a: {  	s19 =	sadd.s32 $0xFFFFFFFD, s5;
	s20 =	simm.s32 $0x4400;
	[tilespmem:v4+s31+$0x0] =	vst.idx.msk $0xffff, v6  }
0x16b: {  	s21 =	simm.s32 $0xC400;
	v4 =	vor.u32 s19, v0;
	v5 =	vld.idx.msk [tilespmem:v48+s20+$0x0], $0xffff  }
0x16c: {  	v6 =	vld.idx.msk [tilespmem:v49+s21+$0x0], $0xffff  }
0x16d: {  	v50 =	vor.u32 s13, v3  }
0x16e: {  	v51 =	vor.u32 s14, v3;
	_ =	sdelay $0x1  }
0x16f: {  	[tilespmem:v4+s30+$0x0] =	vst.idx.msk $0xffff, v5  }
0x170: {  	s16 =	simm.s32 $0x4400;
	[tilespmem:v4+s31+$0x0] =	vst.idx.msk $0xffff, v6  }
0x171: {  	s22 =	simm.s32 $0xC400;
	v4 =	vor.u32 s19, v2;
	v5 =	vld.idx.msk [tilespmem:v50+s16+$0x0], $0xffff  }
0x172: {  	s3 =	sand.u32 $0x7F, s3;
	v6 =	vld.idx.msk [tilespmem:v51+s22+$0x0], $0xffff  }
0x173: {  	v52 =	vor.u32 s3, v1;
	s12 =	sand.u32 $0x7F, s12  }
0x174: {  	v53 =	vor.u32 s12, v1;
	_ =	sdelay $0x1  }
0x175: {  	[tilespmem:v4+s30+$0x0] =	vst.idx.msk $0xffff, v5  }
0x176: {  	s17 =	sadd.s32 $0xFFFFFFFE, s5;
	s18 =	simm.s32 $0x5400;
	[tilespmem:v4+s31+$0x0] =	vst.idx.msk $0xffff, v6  }
0x177: {  	s19 =	simm.s32 $0xD400;
	v4 =	vor.u32 s17, v0;
	v5 =	vld.idx.msk [tilespmem:v52+s18+$0x0], $0xffff  }
0x178: {  	v6 =	vld.idx.msk [tilespmem:v53+s19+$0x0], $0xffff  }
0x179: {  	v54 =	vor.u32 s3, v3  }
0x17a: {  	v55 =	vor.u32 s12, v3;
	_ =	sdelay $0x1  }
0x17b: {  	[tilespmem:v4+s30+$0x0] =	vst.idx.msk $0xffff, v5  }
0x17c: {  	s21 =	simm.s32 $0x5400;
	[tilespmem:v4+s31+$0x0] =	vst.idx.msk $0xffff, v6  }
0x17d: {  	s20 =	simm.s32 $0xD400;
	v4 =	vor.u32 s17, v2;
	v5 =	vld.idx.msk [tilespmem:v54+s21+$0x0], $0xffff  }
0x17e: {  	s4 =	sand.u32 $0x7F, s4;
	v6 =	vld.idx.msk [tilespmem:v55+s20+$0x0], $0xffff  }
0x17f: {  	v56 =	vor.u32 s4, v1;
	s15 =	sand.u32 $0x7F, s9  }
0x180: {  	v57 =	vor.u32 s15, v1;
	_ =	sdelay $0x1  }
0x181: {  	[tilespmem:v4+s30+$0x0] =	vst.idx.msk $0xffff, v5  }
0x182: {  	s22 =	simm.s32 $0x6400;
	s16 =	sadd.s32 $0xFFFFFFFF, s5;
	[tilespmem:v4+s31+$0x0] =	vst.idx.msk $0xffff, v6  }
0x183: {  	s17 =	simm.s32 $0xE400;
	v4 =	vor.u32 s16, v0;
	v5 =	vld.idx.msk [tilespmem:v56+s22+$0x0], $0xffff  }
0x184: {  	v6 =	vld.idx.msk [tilespmem:v57+s17+$0x0], $0xffff  }
0x185: {  	v58 =	vor.u32 s4, v3  }
0x186: {  	v59 =	vor.u32 s15, v3;
	_ =	sdelay $0x1  }
0x187: {  	[tilespmem:v4+s30+$0x0] =	vst.idx.msk $0xffff, v5  }
0x188: {  	[tilespmem:v4+s31+$0x0] =	vst.idx.msk $0xffff, v6  }
0x189: {  	s20 =	simm.s32 $0xE400;
	v4 =	vor.u32 s16, v2;
	v5 =	vld.idx.msk [tilespmem:v58+s22+$0x0], $0xffff  }
0x18a: {  	s21 =	sand.u32 $0x7F, s7;
	v6 =	vld.idx.msk [tilespmem:v59+s20+$0x0], $0xffff  }
0x18b: {  	v60 =	vor.u32 s21, v1;
	s22 =	sand.u32 $0x7F, s8  }
0x18c: {  	v61 =	vor.u32 s22, v1;
	_ =	sdelay $0x1  }
0x18d: {  	[tilespmem:v4+s30+$0x0] =	vst.idx.msk $0xffff, v5  }
0x18e: {  	s19 =	simm.s32 $0x7400;
	[tilespmem:v4+s31+$0x0] =	vst.idx.msk $0xffff, v6  }
0x18f: {  	s18 =	simm.s32 $0xF400;
	v4 =	vor.u32 s5, v0;
	v5 =	vld.idx.msk [tilespmem:v60+s19+$0x0], $0xffff  }
0x190: {  	v6 =	vld.idx.msk [tilespmem:v61+s18+$0x0], $0xffff  }
0x191: {  	v62 =	vor.u32 s21, v3  }
0x192: {  	v63 =	vor.u32 s22, v3;
	_ =	sdelay $0x1  }
0x193: {  	[tilespmem:v4+s30+$0x0] =	vst.idx.msk $0xffff, v5  }
0x194: {  	[tilespmem:v4+s31+$0x0] =	vst.idx.msk $0xffff, v6  }
0x195: {  	v4 =	vor.u32 s5, v2;
	v5 =	vld.idx.msk [tilespmem:v62+s19+$0x0], $0xffff  }
0x196: {  	p0 =	sne.s32 s5, $0x1FF;
	v6 =	vld.idx.msk [tilespmem:v63+s18+$0x0], $0xffff  }
.Ltmp0:
0x197: {  	_ = 	snop;
	(pc) =	sbr.rel @p0 .LBB2_2-.Ltmp0, $3  }
0x198: {  	_ =	sdelay $0x1  }
0x199: {  	s6 =	sadd.s32 $0x10, s6;
	s0 =	sadd.s32 $0x10, s0;
	s12 =	simm.s32 $0xB400;
	[tilespmem:v4+s30+$0x0] =	vst.idx.msk $0xffff, v5  }
0x19a: {  	s7 =	simm.s32 $0xA400;
	s8 =	simm.s32 $0x3400;
	s5 =	sadd.s32 $0x10, s5;
	[tilespmem:v4+s31+$0x0] =	vst.idx.msk $0xffff, v6  }
0x19b: {  	s0 =	simm.s32 $0x0  }
0x19c: {  	v4 =	vld [tilespmem:s0+$0x10400]  }
0x19d: {  	v5 =	vld [tilespmem:s0+$0x14400]  }
0x19e: {  	v6 =	vld [tilespmem:s0+$0x10600]  }
0x19f: {  	v7 =	vld [tilespmem:s0+$0x14600]  }
0x1a0: {  	v8 =	vld [tilespmem:s0+$0x10800]  }
0x1a1: {  	v9 =	vld [tilespmem:s0+$0x14800]  }
0x1a2: {  	v10 =	vld [tilespmem:s0+$0x14A00];
	v4 =	vmul.f32 v5, v4  }
0x1a3: {  	v5 =	vld [tilespmem:s0+$0x10A00]  }
0x1a4: {  	v11 =	vld [tilespmem:s0+$0x14C00];
	v6 =	vmul.f32 v7, v6;
	v4 =	vadd.f32 $0.0e+00, v4  }
0x1a5: {  	v7 =	vld [tilespmem:s0+$0x10C00]  }
0x1a6: {  	v4 =	vadd.f32 v6, v4;
	v6 =	vmul.f32 v9, v8;
	v8 =	vld [tilespmem:s0+$0x10E00]  }
0x1a7: {  	v9 =	vld [tilespmem:s0+$0x14E00]  }
0x1a8: {  	v5 =	vmul.f32 v10, v5;
	v10 =	vld [tilespmem:s0+$0x15000];
	v4 =	vadd.f32 v6, v4  }
0x1a9: {  	v6 =	vld [tilespmem:s0+$0x11000]  }
0x1aa: {  	v4 =	vadd.f32 v5, v4;
	v5 =	vmul.f32 v11, v7;
	v7 =	vld [tilespmem:s0+$0x11200]  }
0x1ab: {  	v11 =	vld [tilespmem:s0+$0x15200]  }
0x1ac: {  	v4 =	vadd.f32 v5, v4;
	v5 =	vmul.f32 v9, v8;
	v8 =	vld [tilespmem:s0+$0x11400]  }
0x1ad: {  	v9 =	vld [tilespmem:s0+$0x15400]  }
0x1ae: {  	v4 =	vadd.f32 v5, v4;
	v5 =	vmul.f32 v10, v6;
	v6 =	vld [tilespmem:s0+$0x11600]  }
0x1af: {  	v10 =	vld [tilespmem:s0+$0x15600]  }
0x1b0: {  	v4 =	vadd.f32 v5, v4;
	v5 =	vmul.f32 v11, v7;
	v7 =	vld [tilespmem:s0+$0x11800]  }
0x1b1: {  	v11 =	vld [tilespmem:s0+$0x15800]  }
0x1b2: {  	v4 =	vadd.f32 v5, v4;
	v5 =	vmul.f32 v9, v8;
	v8 =	vld [tilespmem:s0+$0x11A00]  }
0x1b3: {  	v9 =	vld [tilespmem:s0+$0x15A00]  }
0x1b4: {  	v4 =	vadd.f32 v5, v4;
	v5 =	vmul.f32 v10, v6;
	v6 =	vld [tilespmem:s0+$0x11C00]  }
0x1b5: {  	v10 =	vld [tilespmem:s0+$0x15C00]  }
0x1b6: {  	v4 =	vadd.f32 v5, v4;
	v5 =	vmul.f32 v11, v7;
	v7 =	vld [tilespmem:s0+$0x11E00]  }
0x1b7: {  	v11 =	vld [tilespmem:s0+$0x15E00]  }
0x1b8: {  	v4 =	vadd.f32 v5, v4;
	v5 =	vmul.f32 v9, v8;
	v8 =	vld [tilespmem:s0+$0x12000]  }
0x1b9: {  	v9 =	vld [tilespmem:s0+$0x16000]  }
0x1ba: {  	v4 =	vadd.f32 v5, v4;
	v5 =	vmul.f32 v10, v6;
	v6 =	vld [tilespmem:s0+$0x12200]  }
0x1bb: {  	v10 =	vld [tilespmem:s0+$0x16200]  }
0x1bc: {  	v4 =	vadd.f32 v5, v4;
	v5 =	vmul.f32 v11, v7;
	v7 =	vld [tilespmem:s0+$0x12400]  }
0x1bd: {  	v11 =	vld [tilespmem:s0+$0x16400]  }
0x1be: {  	v4 =	vadd.f32 v5, v4;
	v5 =	vmul.f32 v9, v8;
	v8 =	vld [tilespmem:s0+$0x12600]  }
0x1bf: {  	v9 =	vld [tilespmem:s0+$0x16600]  }
0x1c0: {  	v4 =	vadd.f32 v5, v4;
	v5 =	vmul.f32 v10, v6;
	v6 =	vld [tilespmem:s0+$0x12800]  }
0x1c1: {  	v10 =	vld [tilespmem:s0+$0x16800]  }
0x1c2: {  	v4 =	vadd.f32 v5, v4;
	v5 =	vmul.f32 v11, v7;
	v7 =	vld [tilespmem:s0+$0x12A00]  }
0x1c3: {  	v11 =	vld [tilespmem:s0+$0x16A00]  }
0x1c4: {  	v4 =	vadd.f32 v5, v4;
	v5 =	vmul.f32 v9, v8;
	v8 =	vld [tilespmem:s0+$0x12C00]  }
0x1c5: {  	v9 =	vld [tilespmem:s0+$0x16C00]  }
0x1c6: {  	v4 =	vadd.f32 v5, v4;
	v5 =	vmul.f32 v10, v6;
	v6 =	vld [tilespmem:s0+$0x12E00]  }
0x1c7: {  	v10 =	vld [tilespmem:s0+$0x16E00]  }
0x1c8: {  	v4 =	vadd.f32 v5, v4;
	v5 =	vmul.f32 v11, v7;
	v7 =	vld [tilespmem:s0+$0x13000]  }
0x1c9: {  	v11 =	vld [tilespmem:s0+$0x17000]  }
0x1ca: {  	v4 =	vadd.f32 v5, v4;
	v5 =	vmul.f32 v9, v8;
	v8 =	vld [tilespmem:s0+$0x13200]  }
0x1cb: {  	v9 =	vld [tilespmem:s0+$0x17200]  }
0x1cc: {  	v4 =	vadd.f32 v5, v4;
	v5 =	vmul.f32 v10, v6;
	v6 =	vld [tilespmem:s0+$0x13400]  }
0x1cd: {  	v10 =	vld [tilespmem:s0+$0x17400]  }
0x1ce: {  	v4 =	vadd.f32 v5, v4;
	v5 =	vmul.f32 v11, v7;
	v7 =	vld [tilespmem:s0+$0x13600]  }
0x1cf: {  	v11 =	vld [tilespmem:s0+$0x17600]  }
0x1d0: {  	v4 =	vadd.f32 v5, v4;
	v5 =	vmul.f32 v9, v8;
	v8 =	vld [tilespmem:s0+$0x13800]  }
0x1d1: {  	v9 =	vld [tilespmem:s0+$0x17800]  }
0x1d2: {  	v4 =	vadd.f32 v5, v4;
	v5 =	vmul.f32 v10, v6;
	v6 =	vld [tilespmem:s0+$0x13A00]  }
0x1d3: {  	v10 =	vld [tilespmem:s0+$0x17A00]  }
0x1d4: {  	v12 =	vld [tilespmem:s0+$0x17C00];
	v4 =	vadd.f32 v5, v4;
	v5 =	vmul.f32 v11, v7  }
0x1d5: {  	v11 =	vld [tilespmem:s0+$0x13C00]  }
0x1d6: {  	v13 =	vld [tilespmem:s0+$0x13E00];
	v4 =	vadd.f32 v5, v4;
	v5 =	vmul.f32 v9, v8  }
0x1d7: {  	v14 =	vld [tilespmem:s0+$0x17E00]  }
0x1d8: {  	v7 =	vld [tilespmem:s0+$0x18000];
	v6 =	vmul.f32 v10, v6;
	v5 =	vadd.f32 v5, v4  }
0x1d9: {  	v4 =	vld [tilespmem:s0+$0x14000]  }
0x1da: {  	v8 =	vld [tilespmem:s0+$0x18200];
	v10 =	vmul.f32 v12, v11;
	v9 =	vadd.f32 v6, v5  }
0x1db: {  	s5 =	simm.s32 $0x10;
	v5 =	vld [tilespmem:s0+$0x14200]  }
0x1dc: {  	s6 =	simm.s32 $0x80;
	v6 =	vld [tilespmem:s5+$0x10400];
	v9 =	vadd.f32 v10, v9;
	v10 =	vmul.f32 v14, v13  }
.LBB2_4:
0x1dd: {  	p0 =	sne.s32 s6, $0x7C0;
	v11 =	vld [tilespmem:s5+$0x14400]  }
0x1de: {  	v12 =	vld [tilespmem:s5+$0x10600];
	v9 =	vadd.f32 v10, v9;
	v4 =	vmul.f32 v7, v4  }
0x1df: {  	v7 =	vld [tilespmem:s5+$0x14600]  }
0x1e0: {  	v10 =	vld [tilespmem:s5+$0x10800];
	v4 =	vadd.f32 v4, v9;
	v5 =	vmul.f32 v8, v5  }
0x1e1: {  	v8 =	vld [tilespmem:s5+$0x14800]  }
0x1e2: {  	v6 =	vmul.f32 v11, v6;
	v9 =	vld [tilespmem:s5+$0x10A00];
	v4 =	vadd.f32 v5, v4  }
0x1e3: {  	v5 =	vld [tilespmem:s5+$0x14A00]  }
0x1e4: {  	v6 =	vadd.f32 $0.0e+00, v6;
	v7 =	vmul.f32 v7, v12;
	v11 =	vld [tilespmem:s5+$0x10C00];
	v4 =	vsub.f32 $0.0e+00, v4  }
0x1e5: {  	v12 =	vld [tilespmem:s5+$0x14C00]  }
0x1e6: {  	v6 =	vadd.f32 v7, v6;
	v7 =	vmul.f32 v8, v10;
	v8 =	vld [tilespmem:s5+$0x10E00];
	v4 =	vmul.f32 $1.442695020e+00, v4  }
0x1e7: {  	v10 =	vld [tilespmem:s5+$0x14E00]  }
0x1e8: {  	v6 =	vadd.f32 v7, v6;
	v5 =	vmul.f32 v5, v9;
	v7 =	vld [tilespmem:s5+$0x11000];
	(erf) = vpow2.f32 v4  }
0x1e9: {  	v4 =	vld [tilespmem:s5+$0x15000]  }
0x1ea: {  	v5 =	vadd.f32 v5, v6;
	v6 =	vmul.f32 v12, v11;
	v9 =	vld [tilespmem:s5+$0x11200]  }
0x1eb: {  	v11 =	vld [tilespmem:s5+$0x15200]  }
0x1ec: {  	v5 =	vadd.f32 v6, v5;
	v6 =	vmul.f32 v10, v8;
	v8 =	vld [tilespmem:s5+$0x11400]  }
0x1ed: {  	v10 =	vld [tilespmem:s5+$0x15400]  }
0x1ee: {  	v5 =	vadd.f32 v6, v5;
	v4 =	vmul.f32 v4, v7;
	v6 =	vld [tilespmem:s5+$0x11600]  }
0x1ef: {  	v7 =	vld [tilespmem:s5+$0x15600]  }
0x1f0: {  	v4 =	vadd.f32 v4, v5;
	v5 =	vmul.f32 v11, v9;
	v9 =	vld [tilespmem:s5+$0x11800]  }
0x1f1: {  	v11 =	vld [tilespmem:s5+$0x15800];
	v12 =	vpop (erf)  }
0x1f2: {  	v4 =	vadd.f32 v5, v4;
	v5 =	vmul.f32 v10, v8;
	v8 =	vld [tilespmem:s5+$0x11A00];
	v10 =	vadd.f32 $1.000000000e+00, v12  }
0x1f3: {  	v12 =	vld [tilespmem:s5+$0x15A00]  }
0x1f4: {  	v4 =	vadd.f32 v5, v4;
	v5 =	vmul.f32 v7, v6;
	v6 =	vld [tilespmem:s5+$0x11C00];
	(erf) = vrcp.f32 v10  }
0x1f5: {  	v7 =	vld [tilespmem:s5+$0x15C00]  }
0x1f6: {  	v4 =	vadd.f32 v5, v4;
	v5 =	vmul.f32 v11, v9;
	v9 =	vld [tilespmem:s5+$0x11E00]  }
0x1f7: {  	v10 =	vld [tilespmem:s5+$0x15E00]  }
0x1f8: {  	v4 =	vadd.f32 v5, v4;
	v5 =	vmul.f32 v12, v8;
	v8 =	vld [tilespmem:s5+$0x12000]  }
0x1f9: {  	v11 =	vld [tilespmem:s5+$0x16000]  }
0x1fa: {  	v4 =	vadd.f32 v5, v4;
	v5 =	vmul.f32 v7, v6;
	v6 =	vld [tilespmem:s5+$0x12200]  }
0x1fb: {  	v7 =	vld [tilespmem:s5+$0x16200]  }
0x1fc: {  	v4 =	vadd.f32 v5, v4;
	v5 =	vmul.f32 v10, v9;
	v9 =	vld [tilespmem:s5+$0x12400]  }
0x1fd: {  	v10 =	vld [tilespmem:s5+$0x16400];
	v12 =	vpop (erf)  }
0x1fe: {  	v4 =	vadd.f32 v5, v4;
	v5 =	vmul.f32 v11, v8;
	v8 =	vld [tilespmem:s5+$0x12600];
	[tilespmem:s0+$0x18400] =	vst v12;
	s0 =	smov.u32 s5  }
0x1ff: {  	v11 =	vld [tilespmem:s0+$0x16600]  }
0x200: {  	v4 =	vadd.f32 v5, v4;
	v5 =	vmul.f32 v7, v6;
	v6 =	vld [tilespmem:s0+$0x12800]  }
0x201: {  	v7 =	vld [tilespmem:s0+$0x16800]  }
0x202: {  	v4 =	vadd.f32 v5, v4;
	v5 =	vmul.f32 v10, v9;
	v9 =	vld [tilespmem:s0+$0x12A00]  }
0x203: {  	v10 =	vld [tilespmem:s0+$0x16A00]  }
0x204: {  	v4 =	vadd.f32 v5, v4;
	v5 =	vmul.f32 v11, v8;
	v8 =	vld [tilespmem:s0+$0x12C00]  }
0x205: {  	v11 =	vld [tilespmem:s0+$0x16C00]  }
0x206: {  	v4 =	vadd.f32 v5, v4;
	v5 =	vmul.f32 v7, v6;
	v6 =	vld [tilespmem:s0+$0x12E00]  }
0x207: {  	v7 =	vld [tilespmem:s0+$0x16E00]  }
0x208: {  	v4 =	vadd.f32 v5, v4;
	v5 =	vmul.f32 v10, v9;
	v9 =	vld [tilespmem:s0+$0x13000]  }
0x209: {  	v10 =	vld [tilespmem:s0+$0x17000]  }
0x20a: {  	v4 =	vadd.f32 v5, v4;
	v5 =	vmul.f32 v11, v8;
	v8 =	vld [tilespmem:s0+$0x13200]  }
0x20b: {  	v11 =	vld [tilespmem:s0+$0x17200]  }
0x20c: {  	v4 =	vadd.f32 v5, v4;
	v5 =	vmul.f32 v7, v6;
	v6 =	vld [tilespmem:s0+$0x13400]  }
0x20d: {  	v7 =	vld [tilespmem:s0+$0x17400]  }
0x20e: {  	v4 =	vadd.f32 v5, v4;
	v5 =	vmul.f32 v10, v9;
	v9 =	vld [tilespmem:s0+$0x13600]  }
0x20f: {  	v10 =	vld [tilespmem:s0+$0x17600]  }
0x210: {  	v4 =	vadd.f32 v5, v4;
	v5 =	vmul.f32 v11, v8;
	v8 =	vld [tilespmem:s0+$0x13800]  }
0x211: {  	v11 =	vld [tilespmem:s0+$0x17800]  }
0x212: {  	v4 =	vadd.f32 v5, v4;
	v5 =	vmul.f32 v7, v6;
	v6 =	vld [tilespmem:s0+$0x13A00]  }
0x213: {  	v7 =	vld [tilespmem:s0+$0x17A00]  }
0x214: {  	v4 =	vadd.f32 v5, v4;
	v5 =	vmul.f32 v10, v9;
	v9 =	vld [tilespmem:s0+$0x13C00]  }
0x215: {  	v10 =	vld [tilespmem:s0+$0x17C00]  }
0x216: {  	v4 =	vadd.f32 v5, v4;
	v5 =	vmul.f32 v11, v8;
	v11 =	vld [tilespmem:s0+$0x13E00]  }
0x217: {  	v12 =	vld [tilespmem:s0+$0x17E00]  }
.Ltmp1:
0x218: {  	v5 =	vadd.f32 v5, v4;
	v6 =	vmul.f32 v7, v6;
	v4 =	vld [tilespmem:s0+$0x14000];
	(pc) =	sbr.rel @p0 .LBB2_4-.Ltmp1, $4  }
0x219: {  	v7 =	vld [tilespmem:s0+$0x18000]  }
0x21a: {  	v13 =	vadd.f32 v6, v5;
	v9 =	vmul.f32 v10, v9;
	v5 =	vld [tilespmem:s0+$0x14200]  }
0x21b: {  	s5 =	sshra.s32 s6, $0x2;
	v8 =	vld [tilespmem:s0+$0x18200]  }
0x21c: {  	s6 =	sadd.s32 $0x40, s6;
	v6 =	vld [tilespmem:s5+$0x10400];
	v9 =	vadd.f32 v9, v13;
	v10 =	vmul.f32 v12, v11  }
0x21d: {  	v11 =	vld [tilespmem:s5+$0x14400]  }
0x21e: {  	v12 =	vld [tilespmem:s5+$0x10600];
	v9 =	vadd.f32 v10, v9;
	v4 =	vmul.f32 v7, v4  }
0x21f: {  	v49 =	vld [tilespmem:s5+$0x14600]  }
0x220: {  	v50 =	vld [tilespmem:s5+$0x10800];
	v4 =	vadd.f32 v4, v9;
	v5 =	vmul.f32 v8, v5  }
0x221: {  	v51 =	vld [tilespmem:s5+$0x14800]  }
0x222: {  	v52 =	vld [tilespmem:s5+$0x10A00];
	v6 =	vmul.f32 v11, v6;
	v4 =	vadd.f32 v5, v4  }
0x223: {  	v5 =	vld [tilespmem:s5+$0x14A00]  }
0x224: {  	v53 =	vld [tilespmem:s5+$0x10C00];
	v7 =	vmul.f32 v49, v12;
	v6 =	vadd.f32 $0.0e+00, v6;
	v4 =	vsub.f32 $0.0e+00, v4  }
0x225: {  	v54 =	vld [tilespmem:s5+$0x14C00]  }
0x226: {  	v13 =	vld [tilespmem:s5+$0x10E00];
	v55 =	vmul.f32 v51, v50;
	v6 =	vadd.f32 v7, v6;
	v4 =	vmul.f32 $1.442695020e+00, v4  }
0x227: {  	v56 =	vld [tilespmem:s5+$0x14E00]  }
0x228: {  	v57 =	vld [tilespmem:s5+$0x11000];
	v5 =	vmul.f32 v5, v52;
	v6 =	vadd.f32 v55, v6;
	(erf) = vpow2.f32 v4  }
0x229: {  	v4 =	vld [tilespmem:s5+$0x15000]  }
0x22a: {  	v58 =	vld [tilespmem:s5+$0x11200];
	v59 =	vmul.f32 v54, v53;
	v5 =	vadd.f32 v5, v6  }
0x22b: {  	v60 =	vld [tilespmem:s5+$0x15200]  }
0x22c: {  	v61 =	vld [tilespmem:s5+$0x11400];
	v62 =	vmul.f32 v56, v13;
	v5 =	vadd.f32 v59, v5  }
0x22d: {  	v63 =	vld [tilespmem:s5+$0x15400]  }
0x22e: {  	v16 =	vld [tilespmem:s5+$0x11600];
	v4 =	vmul.f32 v4, v57;
	v5 =	vadd.f32 v62, v5  }
0x22f: {  	v17 =	vld [tilespmem:s5+$0x15600]  }
0x230: {  	v18 =	vld [tilespmem:s5+$0x11800];
	v4 =	vadd.f32 v4, v5;
	v5 =	vmul.f32 v60, v58  }
0x231: {  	v19 =	vld [tilespmem:s5+$0x15800];
	v20 =	vpop (erf)  }
0x232: {  	v21 =	vld [tilespmem:s5+$0x11A00];
	v4 =	vadd.f32 v5, v4;
	v5 =	vmul.f32 v63, v61;
	v22 =	vadd.f32 $1.000000000e+00, v20  }
0x233: {  	v23 =	vld [tilespmem:s5+$0x15A00]  }
0x234: {  	v24 =	vld [tilespmem:s5+$0x11C00];
	v4 =	vadd.f32 v5, v4;
	v5 =	vmul.f32 v17, v16;
	(erf) = vrcp.f32 v22  }
0x235: {  	v25 =	vld [tilespmem:s5+$0x15C00]  }
0x236: {  	v26 =	vld [tilespmem:s5+$0x11E00];
	v4 =	vadd.f32 v5, v4;
	v5 =	vmul.f32 v19, v18  }
0x237: {  	v27 =	vld [tilespmem:s5+$0x15E00]  }
0x238: {  	v28 =	vld [tilespmem:s5+$0x12000];
	v4 =	vadd.f32 v5, v4;
	v5 =	vmul.f32 v23, v21  }
0x239: {  	v29 =	vld [tilespmem:s5+$0x16000]  }
0x23a: {  	v30 =	vld [tilespmem:s5+$0x12200];
	v4 =	vadd.f32 v5, v4;
	v5 =	vmul.f32 v25, v24  }
0x23b: {  	v31 =	vld [tilespmem:s5+$0x16200]  }
0x23c: {  	v32 =	vld [tilespmem:s5+$0x12400];
	v4 =	vadd.f32 v5, v4;
	v5 =	vmul.f32 v27, v26  }
0x23d: {  	v33 =	vld [tilespmem:s5+$0x16400];
	v34 =	vpop (erf)  }
0x23e: {  	v35 =	vld [tilespmem:s5+$0x12600];
	v4 =	vadd.f32 v5, v4;
	v5 =	vmul.f32 v29, v28;
	[tilespmem:s0+$0x18400] =	vst v34  }
0x23f: {  	v8 =	vld [tilespmem:s5+$0x16600]  }
0x240: {  	v36 =	vld [tilespmem:s5+$0x12800];
	v4 =	vadd.f32 v5, v4;
	v5 =	vmul.f32 v31, v30  }
0x241: {  	v37 =	vld [tilespmem:s5+$0x16800]  }
0x242: {  	v38 =	vld [tilespmem:s5+$0x12A00];
	v4 =	vadd.f32 v5, v4;
	v5 =	vmul.f32 v33, v32  }
0x243: {  	v39 =	vld [tilespmem:s5+$0x16A00]  }
0x244: {  	v40 =	vld [tilespmem:s5+$0x12C00];
	v4 =	vadd.f32 v5, v4;
	v5 =	vmul.f32 v8, v35  }
0x245: {  	v41 =	vld [tilespmem:s5+$0x16C00]  }
0x246: {  	v42 =	vld [tilespmem:s5+$0x12E00];
	v4 =	vadd.f32 v5, v4;
	v5 =	vmul.f32 v37, v36  }
0x247: {  	v43 =	vld [tilespmem:s5+$0x16E00]  }
0x248: {  	v44 =	vld [tilespmem:s5+$0x13000];
	v4 =	vadd.f32 v5, v4;
	v5 =	vmul.f32 v39, v38  }
0x249: {  	v45 =	vld [tilespmem:s5+$0x17000]  }
0x24a: {  	v46 =	vld [tilespmem:s5+$0x13200];
	v4 =	vadd.f32 v5, v4;
	v5 =	vmul.f32 v41, v40  }
0x24b: {  	v47 =	vld [tilespmem:s5+$0x17200]  }
0x24c: {  	v48 =	vld [tilespmem:s5+$0x13400];
	v4 =	vadd.f32 v5, v4;
	v5 =	vmul.f32 v43, v42  }
0x24d: {  	v49 =	vld [tilespmem:s5+$0x17400]  }
0x24e: {  	v50 =	vld [tilespmem:s5+$0x13600];
	v4 =	vadd.f32 v5, v4;
	v5 =	vmul.f32 v45, v44  }
0x24f: {  	v51 =	vld [tilespmem:s5+$0x17600]  }
0x250: {  	v52 =	vld [tilespmem:s5+$0x13800];
	v4 =	vadd.f32 v5, v4;
	v5 =	vmul.f32 v47, v46  }
0x251: {  	v53 =	vld [tilespmem:s5+$0x17800]  }
0x252: {  	v54 =	vld [tilespmem:s5+$0x13A00];
	v4 =	vadd.f32 v5, v4;
	v5 =	vmul.f32 v49, v48  }
0x253: {  	v55 =	vld [tilespmem:s5+$0x17A00]  }
0x254: {  	v56 =	vld [tilespmem:s5+$0x13C00];
	v4 =	vadd.f32 v5, v4;
	v5 =	vmul.f32 v51, v50  }
0x255: {  	v57 =	vld [tilespmem:s5+$0x17C00]  }
0x256: {  	v58 =	vld [tilespmem:s5+$0x13E00];
	v4 =	vadd.f32 v5, v4;
	v5 =	vmul.f32 v53, v52  }
0x257: {  	v59 =	vld [tilespmem:s5+$0x17E00]  }
0x258: {  	v60 =	vld [tilespmem:s5+$0x14000];
	v4 =	vadd.f32 v5, v4;
	v5 =	vmul.f32 v55, v54  }
0x259: {  	v61 =	vld [tilespmem:s5+$0x18000]  }
0x25a: {  	v62 =	vld [tilespmem:s5+$0x14200];
	v4 =	vadd.f32 v5, v4;
	v5 =	vmul.f32 v57, v56  }
0x25b: {  	v63 =	vld [tilespmem:s5+$0x18200]  }
0x25c: {  	v4 =	vadd.f32 v5, v4;
	v5 =	vmul.f32 v59, v58;
	_ =	sdelay $0x1  }
0x25d: {  	v4 =	vadd.f32 v5, v4;
	v5 =	vmul.f32 v61, v60;
	_ =	sdelay $0x1  }
0x25e: {  	v4 =	vadd.f32 v5, v4;
	v5 =	vmul.f32 v63, v62;
	_ =	sdelay $0x1  }
0x25f: {  	v4 =	vadd.f32 v5, v4;
	_ =	sdelay $0x1  }
0x260: {  	v4 =	vsub.f32 $0.0e+00, v4;
	_ =	sdelay $0x1  }
0x261: {  	v4 =	vmul.f32 $1.442695020e+00, v4;
	_ =	sdelay $0x1  }
0x262: {  	(erf) = vpow2.f32 v4;
	_ =	sdelay $0x8  }
0x263: {  	v4 =	vpop (erf)  }
0x264: {  	v4 =	vadd.f32 $1.000000000e+00, v4;
	_ =	sdelay $0x1  }
0x265: {  	(erf) = vrcp.f32 v4;
	_ =	sdelay $0x8  }
0x266: {  	s9 =	simm.s32 $0x0;
	v4 =	vpop (erf)  }
0x267: {  	s20 =	rddreg [dreg:$0x8];
	s3 =	simm.s32 $0x18400;
	s4 =	simm.s32 $0x3;
	[tilespmem:s5+$0x18400] =	vst v4  }
0x268: {  	[hbm4b:s20+s9] =	stream.linear.scatter [tilespmem:s3], [sflag:$0x3], $0x200, $0x38;
	[tilespmem:$0x18600] =	vst v63  }
0x269: {  	_ =	swait.ge [sflag:s4], $0x200  }
0x26a: {  	s21 =	rddreg [dreg:$0xa]  }
0x26b: {  	s22 =	rddreg [dreg:$0x9];
	s3 =	sadd.s32 $0x1, s21  }
0x26c: {  	p0 =	sne.s32 s3, s22  }
.Ltmp2:
0x26d: {  	_ = 	snop;
	(pc) =	sbr.rel @p0 .LBB2_1-.Ltmp2, $3  }
0x26e: {  	_ =	sdelay $0x1  }
0x26f: {  	[sflag:s4] =	ssyncset.done $0x0  }
0x270: {  	[sflag:s4] =	ssyncadd.s32 $0xFFFFFE00  }
0x271: {  	_ =	sfence.sel $0x180000  }
0x272: {  	[bflag:$0x0] =	sbarrier.arrive $0xFFFF  }
0x273: {  	_ =	strace $0x90000047  }
0x274: {  	s0 =	stileid.u32;
	[bflag:$0x2] =	sbarrier.arrive $0xFFFF  }
0x275: {  	p0 =	sne.s32 s0, $0x0;
	s0 =	rddreg [dreg:$0x5]  }
0x276: {  	s0 =	sadd.s32 @!p0 $0x100000, s0  }
0x277: {  	[sflag:s0] =	ssyncadd.tile.s32 @!p0 $0x1;
	_ =	shalt  }
.Lfunc_end2:
_tile_overlayer_lowered:
.L_overlay_start_2:
0x278: {  	(tag) =	ssettag $0x2  }
0x279: {  	s0 =	rddreg [dreg:$0x0];
	s2 =	stileid.u32  }
0x27a: {  	s1 =	rddreg [dreg:$0x1];
	p0 =	sne.s32 s2, $0x0  }
0x27b: {  	s3 =	rddreg [dreg:$0x2];
	[bflag:$0x3] =	sbarrier.arrive $0xFFFF;
	s2 =	simm.s32 @!p0 $0x1C03  }
0x27c: {  	[timem:s3], [sflag:s2] =	dma.local @!p0 [hbm:s0], s1  }
0x27d: {  	s0 =	simm.s32 @!p0 $0x3  }
0x27e: {  	_ =	swait.ge @!p0 [sflag:s0], s1  }
0x27f: {  	s1 =	ssub.s32 @!p0 $0x0, s1;
	[sflag:s0] =	ssyncset.done @!p0 $0x0  }
0x280: {  	[sflag:s0] =	ssyncadd.s32 @!p0 s1  }
0x281: {  	[bflag:$0x3] =	sbarrier.arrive $0xFFFF  }
0x282: {  	_ =	shalt  }

</sc_bundles>
